<compile_context>
chip_gen: v7x
topology: tpu7x:2x2x1
jax: 0.10.2.dev20260603
libtpu: 0.0.44.dev20260713+nightly
codegen_flags: <defaults>
</compile_context>

<pallas_src>
import dataclasses
import functools
import math

import jax
import jax.numpy as jnp
from jax import lax
from jax.experimental import pallas as pl
from jax.experimental.pallas import tpu as pltpu
from jax.experimental.pallas import tpu_sc as plsc

NC = 2
NS = 16
L = 16
CHUNK = 80


def _sc_aggregate(x, src, dst, attr):
    n, d = x.shape
    e = src.shape[0]
    nw = NC * NS
    assert e % (nw * CHUNK) == 0
    e_per_w = e // nw
    n_chunks = e_per_w // CHUNK
    rps = -(-n // (NS * 128)) * 128
    n_pad = rps * NS
    ar = n_pad // 128

    zrows = jnp.zeros((rps, d), jnp.float32)
    zacc = jnp.zeros((ar, 128), jnp.float32)

    mesh = plsc.VectorSubcoreMesh(core_axis_name="c", subcore_axis_name="s")

    cp = pltpu.CompilerParams()
    if "needs_layout_passes" in pltpu.CompilerParams.__dataclass_fields__:
        cp = dataclasses.replace(cp, needs_layout_passes=False)

    assert n_chunks % 4 == 1 and n_chunks >= 9

    @functools.partial(
        pl.kernel,
        compiler_params=cp,
        out_type=[
            jax.ShapeDtypeStruct((NC, n_pad, d), jnp.float32),
            jax.ShapeDtypeStruct((nw, ar, 128), jnp.float32),
            jax.ShapeDtypeStruct((nw, ar, 128), jnp.float32),
        ],
        mesh=mesh,
        scratch_types=(
            [pltpu.VMEM((CHUNK,), jnp.int32)] * 4
            + [pltpu.VMEM((CHUNK,), jnp.int32)] * 4
            + [pltpu.VMEM((CHUNK,), jnp.float32)] * 4
            + [pltpu.VMEM((CHUNK, d), jnp.float32)] * 2
            + [pltpu.VMEM((ar, 128), jnp.float32)] * 2
            + [pltpu.VMEM_SHARED((n_pad, d), jnp.float32)]
            + [pltpu.SemaphoreType.DMA] * 8
        ),
    )
    def agg(x_hbm, src_hbm, dst_hbm, attr_hbm, zr_hbm, za_hbm,
            pr_hbm, oa_hbm, oc_hbm,
            si0, si1, si2, si3, di0, di1, di2, di3, at0, at1, at2, at3,
            rows0, rows1, asum, acnt, srows,
            semI0, semI1, semI2, semI3, semR0, semR1, semS0, semS1):
        cid = lax.axis_index("c")
        sid = lax.axis_index("s")
        wid = sid * NC + cid
        base0 = wid * e_per_w

        SI = [si0, si1, si2, si3]
        DI = [di0, di1, di2, di3]
        AT = [at0, at1, at2, at3]
        SEMI = [semI0, semI1, semI2, semI3]
        ROWS = [rows0, rows1]
        SEMR = [semR0, semR1]
        SEMS = [semS0, semS1]

        ones = jnp.ones((L,), jnp.float32)

        def issue_idx(c, k4):
            b = base0 + c * CHUNK
            pltpu.async_copy(src_hbm.at[pl.ds(b, CHUNK)], SI[k4], SEMI[k4])
            pltpu.async_copy(dst_hbm.at[pl.ds(b, CHUNK)], DI[k4], SEMI[k4])
            pltpu.async_copy(attr_hbm.at[pl.ds(b, CHUNK)], AT[k4], SEMI[k4])

        def wait_idx(c, k4):
            b = base0 + c * CHUNK
            pltpu.make_async_copy(src_hbm.at[pl.ds(b, CHUNK)], SI[k4],
                                  SEMI[k4]).wait()
            pltpu.make_async_copy(dst_hbm.at[pl.ds(b, CHUNK)], DI[k4],
                                  SEMI[k4]).wait()
            pltpu.make_async_copy(attr_hbm.at[pl.ds(b, CHUNK)], AT[k4],
                                  SEMI[k4]).wait()

        def issue_gather(k4, k2):
            pltpu.async_copy(x_hbm.at[SI[k4]], ROWS[k2], SEMR[k2])

        def wait_gather(k4, k2):
            pltpu.make_async_copy(x_hbm.at[SI[k4]], ROWS[k2],
                                  SEMR[k2]).wait()

        def aux_work(k4):
            for g in range(CHUNK // L):
                dvec = DI[k4][pl.ds(g * L, L)]
                avec = AT[k4][pl.ds(g * L, L)]
                plsc.addupdate_scatter(asum, [dvec >> 7, dvec & 127], avec)
                plsc.addupdate_scatter(acnt, [dvec >> 7, dvec & 127], ones)

        def scatter(k4, k2):
            pltpu.async_copy(ROWS[k2], srows.at[DI[k4]], SEMS[k2],
                             add=True)

        def wait_scatter(k4, k2):
            pltpu.make_async_copy(ROWS[k2], srows.at[DI[k4]],
                                  SEMS[k2]).wait()

        issue_idx(0, 0)
        issue_idx(1, 1)
        issue_idx(2, 2)
        issue_idx(3, 3)
        wait_idx(0, 0)
        issue_gather(0, 0)
        wait_idx(1, 1)
        issue_gather(1, 1)
        pltpu.sync_copy(zr_hbm, srows.at[pl.ds(sid * rps, rps)])
        pltpu.sync_copy(za_hbm, asum)
        pltpu.sync_copy(za_hbm, acnt)
        plsc.subcore_barrier()
        aux_work(0)
        aux_work(1)
        wait_gather(0, 0)
        scatter(0, 0)

        @pl.loop(0, (n_chunks - 5) // 4)
        def _(j):
            c_base = 4 * j + 2
            for o in range(4):
                c = c_base + o
                k4 = (2 + o) % 4
                k2 = o % 2
                wait_idx(c, k4)
                wait_scatter((k4 - 2) % 4, k2)
                issue_gather(k4, k2)
                aux_work(k4)
                wait_gather((k4 - 1) % 4, (k2 + 1) % 2)
                scatter((k4 - 1) % 4, (k2 + 1) % 2)
                issue_idx(c + 2, (k4 + 2) % 4)

        nc3 = n_chunks - 3
        wait_idx(nc3, 2)
        wait_scatter(0, 0)
        issue_gather(2, 0)
        aux_work(2)
        wait_gather(1, 1)
        scatter(1, 1)
        issue_idx(nc3 + 2, 0)
        wait_idx(nc3 + 1, 3)
        wait_scatter(1, 1)
        issue_gather(3, 1)
        aux_work(3)
        wait_gather(2, 0)
        scatter(2, 0)
        wait_idx(nc3 + 2, 0)
        wait_scatter(2, 0)
        issue_gather(0, 0)
        aux_work(0)
        wait_gather(3, 1)
        scatter(3, 1)
        wait_gather(0, 0)
        scatter(0, 0)
        wait_scatter(3, 1)
        wait_scatter(0, 0)

        pltpu.sync_copy(asum, oa_hbm.at[wid])
        pltpu.sync_copy(acnt, oc_hbm.at[wid])
        plsc.subcore_barrier()
        pltpu.sync_copy(srows.at[pl.ds(sid * rps, rps)],
                        pr_hbm.at[cid, pl.ds(sid * rps, rps)])

    return agg(x, src, dst, attr, zrows, zacc)


def _mm3(a, b):
    hp = jax.lax.Precision.DEFAULT
    a_hi = a.astype(jnp.bfloat16)
    a_lo = (a - a_hi.astype(jnp.float32)).astype(jnp.bfloat16)
    b_hi = b.astype(jnp.bfloat16)
    b_lo = (b - b_hi.astype(jnp.float32)).astype(jnp.bfloat16)
    f = lambda u, v: jnp.dot(u, v, preferred_element_type=jnp.float32,
                             precision=hp)
    return f(a_hi, b_hi) + (f(a_lo, b_hi) + f(a_hi, b_lo))


def _dense_body(x_ref, pr_ref, oa_ref, oc_ref, we_ref, be_ref,
                w1_ref, b1_ref, w2_ref, b2_ref, eps_ref, wr_ref, br_ref,
                gamma_ref, beta_ref, out_ref):
    hp = jax.lax.Precision.HIGHEST
    nw = oa_ref.shape[0]
    ones_w = jnp.ones((nw, 1), jnp.float32)
    contract0 = (((0,), (0,)), ((), ()))
    asum = jax.lax.dot_general(oa_ref[...], ones_w, contract0,
                               precision=hp,
                               preferred_element_type=jnp.float32)
    cnt = jax.lax.dot_general(oc_ref[...], ones_w, contract0,
                              precision=hp,
                              preferred_element_type=jnp.float32)
    ps = pr_ref[0] + pr_ref[1]
    sums = ps + asum * we_ref[...] + cnt * be_ref[...]
    aggr = jnp.where(cnt > 0.0, sums / jnp.maximum(cnt, 1.0), 0.0)
    xb = x_ref[...]
    h = (1.0 + eps_ref[0, 0]) * xb + aggr
    t = jnp.maximum(_mm3(h, w1_ref[...]) + b1_ref[...], 0.0)
    o = _mm3(t, w2_ref[...]) + b2_ref[...]
    o = o + _mm3(xb, wr_ref[...]) + br_ref[...]
    o = o * (gamma_ref[...] * (1.0 / math.sqrt(1.0 + 1e-5))) + beta_ref[...]
    out_ref[...] = jnp.maximum(o, 0.0)


def _dense(x, pr, oa, oc, We, be, W1, b1, W2, b2, eps, Wr, br, gamma, beta,
           interpret=False):
    n, d = x.shape
    nc, n_pad, _ = pr.shape
    nw = oa.shape[0]
    oa2 = oa.reshape(nw, n_pad)
    oc2 = oc.reshape(nw, n_pad)
    blk = 2048
    nb = -(-n // blk)
    assert n_pad >= nb * blk

    full = lambda s: pl.BlockSpec(s, lambda i: (0,) * len(s))

    return pl.pallas_call(
        _dense_body,
        grid=(nb,),
        in_specs=[
            pl.BlockSpec((blk, d), lambda i: (i, 0)),
            pl.BlockSpec((nc, blk, d), lambda i: (0, i, 0)),
            pl.BlockSpec((nw, blk), lambda i: (0, i)),
            pl.BlockSpec((nw, blk), lambda i: (0, i)),
            full((1, d)),
            full((1, d)),
            full((d, d)),
            full((1, d)),
            full((d, d)),
            full((1, d)),
            full((1, 1)),
            full((d, d)),
            full((1, d)),
            full((1, d)),
            full((1, d)),
        ],
        out_specs=pl.BlockSpec((blk, d), lambda i: (i, 0)),
        out_shape=jax.ShapeDtypeStruct((n, d), jnp.float32),
        interpret=interpret,
    )(x, pr, oa2, oc2, We, be.reshape(1, d), W1, b1.reshape(1, d), W2,
      b2.reshape(1, d), eps.reshape(1, 1), Wr, br.reshape(1, d),
      gamma.reshape(1, d), beta.reshape(1, d))


def kernel(x, edge_index, edge_attr, We, be, W1, b1, W2, b2, eps, Wr, br,
           gamma, beta):
    src = edge_index[0]
    dst = edge_index[1]
    attr = edge_attr[:, 0]
    pr, oa, oc = _sc_aggregate(x, src, dst, attr)
    return _dense(x, pr, oa, oc, We, be, W1, b1, W2, b2, eps, Wr, br,
                  gamma, beta)

# --- scband reference (transcript-rebuilt; emitter-appended) ---
"""Pipeline reference for scband-ginelayer-72421738545669 (READ-ONLY COPY).

The authoritative reference and input builder live on the scoring server;
editing this copy changes nothing except your own understanding.
"""

import jax, jax.numpy as jnp
import numpy as np

N = 10000
E = 320000
D = 128

def setup_inputs(seed: int = 0):
    key = jax.random.key(seed)
    ks = jax.random.split(key, 12)
    x = jax.random.normal(ks[0], (N, D), dtype=jnp.float32)
    edge_index = jax.random.randint(ks[1], (2, E), 0, N, dtype=jnp.int32)
    edge_attr = jax.random.normal(ks[2], (E, 1), dtype=jnp.float32)
    We = jax.random.normal(ks[3], (1, D), dtype=jnp.float32) * 0.1
    be = jax.random.normal(ks[4], (D,), dtype=jnp.float32) * 0.1
    W1 = jax.random.normal(ks[5], (D, D), dtype=jnp.float32) * (1.0 / np.sqrt(D))
    b1 = jax.random.normal(ks[6], (D,), dtype=jnp.float32) * 0.1
    W2 = jax.random.normal(ks[7], (D, D), dtype=jnp.float32) * (1.0 / np.sqrt(D))
    b2 = jax.random.normal(ks[8], (D,), dtype=jnp.float32) * 0.1
    eps = jnp.array(0.0, dtype=jnp.float32)
    Wr = jax.random.normal(ks[9], (D, D), dtype=jnp.float32) * (1.0 / np.sqrt(D))
    br = jax.random.normal(ks[10], (D,), dtype=jnp.float32) * 0.1
    gamma = jnp.ones((D,), dtype=jnp.float32)
    beta = jnp.zeros((D,), dtype=jnp.float32)
    return {"x": x, "edge_index": edge_index, "edge_attr": edge_attr, "We": We, "be": be,
            "W1": W1, "b1": b1, "W2": W2, "b2": b2, "eps": eps, "Wr": Wr, "br": br,
            "gamma": gamma, "beta": beta}

def reference(x, edge_index, edge_attr, We, be, W1, b1, W2, b2, eps, Wr, br, gamma, beta):
    src = edge_index[0]
    dst = edge_index[1]
    # edge_mlp: Linear(1, in_channels)
    ea = edge_attr @ We + be  # [E, D]
    # message = x[src] + edge_attr (gather)
    message = jnp.take(x, src, axis=0) + ea
    # scatter_mean over dst with dim_size = N
    sums = jax.ops.segment_sum(message, dst, num_segments=N)
    counts = jax.ops.segment_sum(jnp.ones((E, 1), dtype=jnp.float32), dst, num_segments=N)
    aggr_out = jnp.where(counts > 0, sums / jnp.maximum(counts, 1.0), 0.0)
    # node_mlp((1 + eps) * x + aggr_out)
    h = (1.0 + eps) * x + aggr_out
    out = jnp.maximum(h @ W1 + b1, 0.0) @ W2 + b2
    # residual projection
    out = out + (x @ Wr + br)
    # BatchNorm1d in eval mode: running_mean=0, running_var=1
    out = (out / jnp.sqrt(1.0 + 1e-5)) * gamma + beta
    # activation = relu
    out = jnp.maximum(out, 0.0)
    # dropout is identity in eval mode
    return out

if __name__ == "__main__":
    import jax
    _d = setup_inputs()
    print(jax.jit(kernel)(*tuple(_d.values())))

</pallas_src>

<mosaic_0001>
#map = affine_map<(d0, d1) -> (0, 0)>
#map1 = affine_map<(d0, d1) -> (0)>
#map2 = affine_map<(d0, d1) -> (0, 0, 0)>
module attributes {stable_mosaic.version = 14 : i64} {
  func.func @agg(%arg0: i32, %arg1: i32, %arg2: memref<10000x128xf32, #tpu.memory_space<hbm>>, %arg3: memref<320000xi32, #tpu.memory_space<hbm>>, %arg4: memref<320000xi32, #tpu.memory_space<hbm>>, %arg5: memref<320000xf32, #tpu.memory_space<hbm>>, %arg6: memref<640x128xf32, #tpu.memory_space<hbm>>, %arg7: memref<80x128xf32, #tpu.memory_space<hbm>>, %arg8: memref<2x10240x128xf32, #tpu.memory_space<hbm>>, %arg9: memref<32x80x128xf32, #tpu.memory_space<hbm>>, %arg10: memref<32x80x128xf32, #tpu.memory_space<hbm>>, %arg11: memref<80xi32, #tpu.memory_space<vmem>>, %arg12: memref<80xi32, #tpu.memory_space<vmem>>, %arg13: memref<80xi32, #tpu.memory_space<vmem>>, %arg14: memref<80xi32, #tpu.memory_space<vmem>>, %arg15: memref<80xi32, #tpu.memory_space<vmem>>, %arg16: memref<80xi32, #tpu.memory_space<vmem>>, %arg17: memref<80xi32, #tpu.memory_space<vmem>>, %arg18: memref<80xi32, #tpu.memory_space<vmem>>, %arg19: memref<80xf32, #tpu.memory_space<vmem>>, %arg20: memref<80xf32, #tpu.memory_space<vmem>>, %arg21: memref<80xf32, #tpu.memory_space<vmem>>, %arg22: memref<80xf32, #tpu.memory_space<vmem>>, %arg23: memref<80x128xf32, #tpu.memory_space<vmem>>, %arg24: memref<80x128xf32, #tpu.memory_space<vmem>>, %arg25: memref<80x128xf32, #tpu.memory_space<vmem>>, %arg26: memref<80x128xf32, #tpu.memory_space<vmem>>, %arg27: memref<10240x128xf32, #tpu.memory_space<vmem_shared>>, %arg28: memref<!tpu.dma_semaphore, #tpu.memory_space<semaphore_mem>>, %arg29: memref<!tpu.dma_semaphore, #tpu.memory_space<semaphore_mem>>, %arg30: memref<!tpu.dma_semaphore, #tpu.memory_space<semaphore_mem>>, %arg31: memref<!tpu.dma_semaphore, #tpu.memory_space<semaphore_mem>>, %arg32: memref<!tpu.dma_semaphore, #tpu.memory_space<semaphore_mem>>, %arg33: memref<!tpu.dma_semaphore, #tpu.memory_space<semaphore_mem>>, %arg34: memref<!tpu.dma_semaphore, #tpu.memory_space<semaphore_mem>>, %arg35: memref<!tpu.dma_semaphore, #tpu.memory_space<semaphore_mem>>) attributes {dimension_semantics = [#tpu.dimension_semantics<core_parallel>, #tpu.dimension_semantics<subcore_parallel>], iteration_bounds = array<i64: 2, 16>, scalar_prefetch = 0 : i64, scratch_operands = 25 : i64, tpu.core_type = #tpu.core_type<sc_vector_subcore>, window_params = [{transform_indices = #map}, {transform_indices = #map1}, {transform_indices = #map1}, {transform_indices = #map1}, {transform_indices = #map}, {transform_indices = #map}, {transform_indices = #map2}, {transform_indices = #map2}, {transform_indices = #map2}]} {
    %mul3A = arith.constant 2 : i32
    %mul3A_0 = arith.muli %arg1, %mul3A : i32
    %add3A = arith.addi %mul3A_0, %arg0 : i32
    %mul3A_1 = arith.constant 10000 : i32
    %mul3A_2 = arith.muli %add3A, %mul3A_1 : i32
    %broadcast_in_dim3A = arith.constant 1.000000e+00 : f32
    %broadcast_in_dim3A_3 = vector.broadcast %broadcast_in_dim3A : f32 to vector<16xf32>
    %add3A_4 = arith.constant 0 : i32
    %add3A_5 = arith.addi %mul3A_2, %add3A_4 : i32
    %dma_start3A = tpu.memref_slice %arg3[%add3A_5] : memref<320000xi32, #tpu.memory_space<hbm>> -> memref<80xi32, #tpu.memory_space<hbm>>
    %dma_start3A_6 = tpu.memref_slice %arg3[%add3A_5] : memref<320000xi32, #tpu.memory_space<hbm>> -> memref<80xi32, #tpu.memory_space<hbm>>
    tpu.enqueue_dma source(%dma_start3A_6 : memref<80xi32, #tpu.memory_space<hbm>>) target(%arg11 : memref<80xi32, #tpu.memory_space<vmem>>) target_semaphore(%arg28 : memref<!tpu.dma_semaphore, #tpu.memory_space<semaphore_mem>>)
    %dma_start3A_7 = tpu.memref_slice %arg4[%add3A_5] : memref<320000xi32, #tpu.memory_space<hbm>> -> memref<80xi32, #tpu.memory_space<hbm>>
    %dma_start3A_8 = tpu.memref_slice %arg4[%add3A_5] : memref<320000xi32, #tpu.memory_space<hbm>> -> memref<80xi32, #tpu.memory_space<hbm>>
    tpu.enqueue_dma source(%dma_start3A_8 : memref<80xi32, #tpu.memory_space<hbm>>) target(%arg15 : memref<80xi32, #tpu.memory_space<vmem>>) target_semaphore(%arg28 : memref<!tpu.dma_semaphore, #tpu.memory_space<semaphore_mem>>)
    %dma_start3A_9 = tpu.memref_slice %arg5[%add3A_5] : memref<320000xf32, #tpu.memory_space<hbm>> -> memref<80xf32, #tpu.memory_space<hbm>>
    %dma_start3A_10 = tpu.memref_slice %arg5[%add3A_5] : memref<320000xf32, #tpu.memory_space<hbm>> -> memref<80xf32, #tpu.memory_space<hbm>>
    tpu.enqueue_dma source(%dma_start3A_10 : memref<80xf32, #tpu.memory_space<hbm>>) target(%arg19 : memref<80xf32, #tpu.memory_space<vmem>>) target_semaphore(%arg28 : memref<!tpu.dma_semaphore, #tpu.memory_space<semaphore_mem>>)
    %add3A_11 = arith.constant 80 : i32
    %add3A_12 = arith.addi %mul3A_2, %add3A_11 : i32
    %dma_start3A_13 = tpu.memref_slice %arg3[%add3A_12] : memref<320000xi32, #tpu.memory_space<hbm>> -> memref<80xi32, #tpu.memory_space<hbm>>
    %dma_start3A_14 = tpu.memref_slice %arg3[%add3A_12] : memref<320000xi32, #tpu.memory_space<hbm>> -> memref<80xi32, #tpu.memory_space<hbm>>
    tpu.enqueue_dma source(%dma_start3A_14 : memref<80xi32, #tpu.memory_space<hbm>>) target(%arg12 : memref<80xi32, #tpu.memory_space<vmem>>) target_semaphore(%arg29 : memref<!tpu.dma_semaphore, #tpu.memory_space<semaphore_mem>>)
    %dma_start3A_15 = tpu.memref_slice %arg4[%add3A_12] : memref<320000xi32, #tpu.memory_space<hbm>> -> memref<80xi32, #tpu.memory_space<hbm>>
    %dma_start3A_16 = tpu.memref_slice %arg4[%add3A_12] : memref<320000xi32, #tpu.memory_space<hbm>> -> memref<80xi32, #tpu.memory_space<hbm>>
    tpu.enqueue_dma source(%dma_start3A_16 : memref<80xi32, #tpu.memory_space<hbm>>) target(%arg16 : memref<80xi32, #tpu.memory_space<vmem>>) target_semaphore(%arg29 : memref<!tpu.dma_semaphore, #tpu.memory_space<semaphore_mem>>)
    %dma_start3A_17 = tpu.memref_slice %arg5[%add3A_12] : memref<320000xf32, #tpu.memory_space<hbm>> -> memref<80xf32, #tpu.memory_space<hbm>>
    %dma_start3A_18 = tpu.memref_slice %arg5[%add3A_12] : memref<320000xf32, #tpu.memory_space<hbm>> -> memref<80xf32, #tpu.memory_space<hbm>>
    tpu.enqueue_dma source(%dma_start3A_18 : memref<80xf32, #tpu.memory_space<hbm>>) target(%arg20 : memref<80xf32, #tpu.memory_space<vmem>>) target_semaphore(%arg29 : memref<!tpu.dma_semaphore, #tpu.memory_space<semaphore_mem>>)
    %add3A_19 = arith.constant 160 : i32
    %add3A_20 = arith.addi %mul3A_2, %add3A_19 : i32
    %dma_start3A_21 = tpu.memref_slice %arg3[%add3A_20] : memref<320000xi32, #tpu.memory_space<hbm>> -> memref<80xi32, #tpu.memory_space<hbm>>
    %dma_start3A_22 = tpu.memref_slice %arg3[%add3A_20] : memref<320000xi32, #tpu.memory_space<hbm>> -> memref<80xi32, #tpu.memory_space<hbm>>
    tpu.enqueue_dma source(%dma_start3A_22 : memref<80xi32, #tpu.memory_space<hbm>>) target(%arg13 : memref<80xi32, #tpu.memory_space<vmem>>) target_semaphore(%arg30 : memref<!tpu.dma_semaphore, #tpu.memory_space<semaphore_mem>>)
    %dma_start3A_23 = tpu.memref_slice %arg4[%add3A_20] : memref<320000xi32, #tpu.memory_space<hbm>> -> memref<80xi32, #tpu.memory_space<hbm>>
    %dma_start3A_24 = tpu.memref_slice %arg4[%add3A_20] : memref<320000xi32, #tpu.memory_space<hbm>> -> memref<80xi32, #tpu.memory_space<hbm>>
    tpu.enqueue_dma source(%dma_start3A_24 : memref<80xi32, #tpu.memory_space<hbm>>) target(%arg17 : memref<80xi32, #tpu.memory_space<vmem>>) target_semaphore(%arg30 : memref<!tpu.dma_semaphore, #tpu.memory_space<semaphore_mem>>)
    %dma_start3A_25 = tpu.memref_slice %arg5[%add3A_20] : memref<320000xf32, #tpu.memory_space<hbm>> -> memref<80xf32, #tpu.memory_space<hbm>>
    %dma_start3A_26 = tpu.memref_slice %arg5[%add3A_20] : memref<320000xf32, #tpu.memory_space<hbm>> -> memref<80xf32, #tpu.memory_space<hbm>>
    tpu.enqueue_dma source(%dma_start3A_26 : memref<80xf32, #tpu.memory_space<hbm>>) target(%arg21 : memref<80xf32, #tpu.memory_space<vmem>>) target_semaphore(%arg30 : memref<!tpu.dma_semaphore, #tpu.memory_space<semaphore_mem>>)
    %add3A_27 = arith.constant 240 : i32
    %add3A_28 = arith.addi %mul3A_2, %add3A_27 : i32
    %dma_start3A_29 = tpu.memref_slice %arg3[%add3A_28] : memref<320000xi32, #tpu.memory_space<hbm>> -> memref<80xi32, #tpu.memory_space<hbm>>
    %dma_start3A_30 = tpu.memref_slice %arg3[%add3A_28] : memref<320000xi32, #tpu.memory_space<hbm>> -> memref<80xi32, #tpu.memory_space<hbm>>
    tpu.enqueue_dma source(%dma_start3A_30 : memref<80xi32, #tpu.memory_space<hbm>>) target(%arg14 : memref<80xi32, #tpu.memory_space<vmem>>) target_semaphore(%arg31 : memref<!tpu.dma_semaphore, #tpu.memory_space<semaphore_mem>>)
    %dma_start3A_31 = tpu.memref_slice %arg4[%add3A_28] : memref<320000xi32, #tpu.memory_space<hbm>> -> memref<80xi32, #tpu.memory_space<hbm>>
    %dma_start3A_32 = tpu.memref_slice %arg4[%add3A_28] : memref<320000xi32, #tpu.memory_space<hbm>> -> memref<80xi32, #tpu.memory_space<hbm>>
    tpu.enqueue_dma source(%dma_start3A_32 : memref<80xi32, #tpu.memory_space<hbm>>) target(%arg18 : memref<80xi32, #tpu.memory_space<vmem>>) target_semaphore(%arg31 : memref<!tpu.dma_semaphore, #tpu.memory_space<semaphore_mem>>)
    %dma_start3A_33 = tpu.memref_slice %arg5[%add3A_28] : memref<320000xf32, #tpu.memory_space<hbm>> -> memref<80xf32, #tpu.memory_space<hbm>>
    %dma_start3A_34 = tpu.memref_slice %arg5[%add3A_28] : memref<320000xf32, #tpu.memory_space<hbm>> -> memref<80xf32, #tpu.memory_space<hbm>>
    tpu.enqueue_dma source(%dma_start3A_34 : memref<80xf32, #tpu.memory_space<hbm>>) target(%arg22 : memref<80xf32, #tpu.memory_space<vmem>>) target_semaphore(%arg31 : memref<!tpu.dma_semaphore, #tpu.memory_space<semaphore_mem>>)
    %add3A_35 = arith.constant 0 : i32
    %add3A_36 = arith.addi %mul3A_2, %add3A_35 : i32
    %dma_wait3A = tpu.memref_slice %arg3[%add3A_36] : memref<320000xi32, #tpu.memory_space<hbm>> -> memref<80xi32, #tpu.memory_space<hbm>>
    %dma_wait3A_37 = tpu.memref_slice %arg3[%add3A_36] : memref<320000xi32, #tpu.memory_space<hbm>> -> memref<80xi32, #tpu.memory_space<hbm>>
    tpu.wait_dma2 semaphore(%arg28 : memref<!tpu.dma_semaphore, #tpu.memory_space<semaphore_mem>>) src(%dma_wait3A_37 : memref<80xi32, #tpu.memory_space<hbm>>) dst(%arg11 : memref<80xi32, #tpu.memory_space<vmem>>)
    %dma_wait3A_38 = tpu.memref_slice %arg4[%add3A_36] : memref<320000xi32, #tpu.memory_space<hbm>> -> memref<80xi32, #tpu.memory_space<hbm>>
    %dma_wait3A_39 = tpu.memref_slice %arg4[%add3A_36] : memref<320000xi32, #tpu.memory_space<hbm>> -> memref<80xi32, #tpu.memory_space<hbm>>
    tpu.wait_dma2 semaphore(%arg28 : memref<!tpu.dma_semaphore, #tpu.memory_space<semaphore_mem>>) src(%dma_wait3A_39 : memref<80xi32, #tpu.memory_space<hbm>>) dst(%arg15 : memref<80xi32, #tpu.memory_space<vmem>>)
    %dma_wait3A_40 = tpu.memref_slice %arg5[%add3A_36] : memref<320000xf32, #tpu.memory_space<hbm>> -> memref<80xf32, #tpu.memory_space<hbm>>
    %dma_wait3A_41 = tpu.memref_slice %arg5[%add3A_36] : memref<320000xf32, #tpu.memory_space<hbm>> -> memref<80xf32, #tpu.memory_space<hbm>>
    tpu.wait_dma2 semaphore(%arg28 : memref<!tpu.dma_semaphore, #tpu.memory_space<semaphore_mem>>) src(%dma_wait3A_41 : memref<80xf32, #tpu.memory_space<hbm>>) dst(%arg19 : memref<80xf32, #tpu.memory_space<vmem>>)
    %dma_start3A_42 = arith.constant 0 : i32
    %dma_start3A_43 = arith.constant 0 : i32
    %dma_start3A_44 = tpu.memref_slice %arg2[%dma_start3A_42, %dma_start3A_43] : memref<10000x128xf32, #tpu.memory_space<hbm>> -> memref<10000x128xf32, #tpu.memory_space<hbm>>
    tpu.enqueue_indirect_dma source(%dma_start3A_44 : memref<10000x128xf32, #tpu.memory_space<hbm>>) target(%arg23 : memref<80x128xf32, #tpu.memory_space<vmem>>) offsets(%arg11 : memref<80xi32, #tpu.memory_space<vmem>>) semaphore(%arg32 : memref<!tpu.dma_semaphore, #tpu.memory_space<semaphore_mem>>)
    %add3A_45 = arith.constant 80 : i32
    %add3A_46 = arith.addi %mul3A_2, %add3A_45 : i32
    %dma_wait3A_47 = tpu.memref_slice %arg3[%add3A_46] : memref<320000xi32, #tpu.memory_space<hbm>> -> memref<80xi32, #tpu.memory_space<hbm>>
    %dma_wait3A_48 = tpu.memref_slice %arg3[%add3A_46] : memref<320000xi32, #tpu.memory_space<hbm>> -> memref<80xi32, #tpu.memory_space<hbm>>
    tpu.wait_dma2 semaphore(%arg29 : memref<!tpu.dma_semaphore, #tpu.memory_space<semaphore_mem>>) src(%dma_wait3A_48 : memref<80xi32, #tpu.memory_space<hbm>>) dst(%arg12 : memref<80xi32, #tpu.memory_space<vmem>>)
    %dma_wait3A_49 = tpu.memref_slice %arg4[%add3A_46] : memref<320000xi32, #tpu.memory_space<hbm>> -> memref<80xi32, #tpu.memory_space<hbm>>
    %dma_wait3A_50 = tpu.memref_slice %arg4[%add3A_46] : memref<320000xi32, #tpu.memory_space<hbm>> -> memref<80xi32, #tpu.memory_space<hbm>>
    tpu.wait_dma2 semaphore(%arg29 : memref<!tpu.dma_semaphore, #tpu.memory_space<semaphore_mem>>) src(%dma_wait3A_50 : memref<80xi32, #tpu.memory_space<hbm>>) dst(%arg16 : memref<80xi32, #tpu.memory_space<vmem>>)
    %dma_wait3A_51 = tpu.memref_slice %arg5[%add3A_46] : memref<320000xf32, #tpu.memory_space<hbm>> -> memref<80xf32, #tpu.memory_space<hbm>>
    %dma_wait3A_52 = tpu.memref_slice %arg5[%add3A_46] : memref<320000xf32, #tpu.memory_space<hbm>> -> memref<80xf32, #tpu.memory_space<hbm>>
    tpu.wait_dma2 semaphore(%arg29 : memref<!tpu.dma_semaphore, #tpu.memory_space<semaphore_mem>>) src(%dma_wait3A_52 : memref<80xf32, #tpu.memory_space<hbm>>) dst(%arg20 : memref<80xf32, #tpu.memory_space<vmem>>)
    %dma_start3A_53 = arith.constant 0 : i32
    %dma_start3A_54 = arith.constant 0 : i32
    %dma_start3A_55 = tpu.memref_slice %arg2[%dma_start3A_53, %dma_start3A_54] : memref<10000x128xf32, #tpu.memory_space<hbm>> -> memref<10000x128xf32, #tpu.memory_space<hbm>>
    tpu.enqueue_indirect_dma source(%dma_start3A_55 : memref<10000x128xf32, #tpu.memory_space<hbm>>) target(%arg24 : memref<80x128xf32, #tpu.memory_space<vmem>>) offsets(%arg12 : memref<80xi32, #tpu.memory_space<vmem>>) semaphore(%arg33 : memref<!tpu.dma_semaphore, #tpu.memory_space<semaphore_mem>>)
    %mul3A_56 = arith.constant 640 : i32
    %mul3A_57 = arith.muli %arg1, %mul3A_56 : i32
    "tpu.region"() ({
      %run_scoped3A = tpu.sem_alloc : memref<!tpu.dma_semaphore, #tpu.memory_space<semaphore_mem>>
      %dma_start3A_550 = arith.constant 0 : i32
      %dma_start3A_551 = tpu.memref_slice %arg27[%mul3A_57, %dma_start3A_550] : memref<10240x128xf32, #tpu.memory_space<vmem_shared>> -> memref<640x128xf32, #tpu.memory_space<vmem_shared>>
      tpu.enqueue_dma source(%arg6 : memref<640x128xf32, #tpu.memory_space<hbm>>) target(%dma_start3A_551 : memref<640x128xf32, #tpu.memory_space<vmem_shared>>) target_semaphore(%run_scoped3A : memref<!tpu.dma_semaphore, #tpu.memory_space<semaphore_mem>>)
      %dma_wait3A_552 = arith.constant 0 : i32
      %dma_wait3A_553 = tpu.memref_slice %arg27[%mul3A_57, %dma_wait3A_552] : memref<10240x128xf32, #tpu.memory_space<vmem_shared>> -> memref<640x128xf32, #tpu.memory_space<vmem_shared>>
      tpu.wait_dma2 semaphore(%run_scoped3A : memref<!tpu.dma_semaphore, #tpu.memory_space<semaphore_mem>>) src(%arg6 : memref<640x128xf32, #tpu.memory_space<hbm>>) dst(%dma_wait3A_553 : memref<640x128xf32, #tpu.memory_space<vmem_shared>>)
      tpu.yield
    }) : () -> ()
    "tpu.region"() ({
      %run_scoped3A = tpu.sem_alloc : memref<!tpu.dma_semaphore, #tpu.memory_space<semaphore_mem>>
      tpu.enqueue_dma source(%arg7 : memref<80x128xf32, #tpu.memory_space<hbm>>) target(%arg25 : memref<80x128xf32, #tpu.memory_space<vmem>>) target_semaphore(%run_scoped3A : memref<!tpu.dma_semaphore, #tpu.memory_space<semaphore_mem>>)
      tpu.wait_dma2 semaphore(%run_scoped3A : memref<!tpu.dma_semaphore, #tpu.memory_space<semaphore_mem>>) src(%arg7 : memref<80x128xf32, #tpu.memory_space<hbm>>) dst(%arg25 : memref<80x128xf32, #tpu.memory_space<vmem>>)
      tpu.yield
    }) : () -> ()
    "tpu.region"() ({
      %run_scoped3A = tpu.sem_alloc : memref<!tpu.dma_semaphore, #tpu.memory_space<semaphore_mem>>
      tpu.enqueue_dma source(%arg7 : memref<80x128xf32, #tpu.memory_space<hbm>>) target(%arg26 : memref<80x128xf32, #tpu.memory_space<vmem>>) target_semaphore(%run_scoped3A : memref<!tpu.dma_semaphore, #tpu.memory_space<semaphore_mem>>)
      tpu.wait_dma2 semaphore(%run_scoped3A : memref<!tpu.dma_semaphore, #tpu.memory_space<semaphore_mem>>) src(%arg7 : memref<80x128xf32, #tpu.memory_space<hbm>>) dst(%arg26 : memref<80x128xf32, #tpu.memory_space<vmem>>)
      tpu.yield
    }) : () -> ()
    %barrier3A = arith.constant 0 : index
    tpu.barrier barrier_id(%barrier3A)
    %get3A = arith.constant 0 : index
    %get3A_58 = tpu.vector_load %arg15[%get3A] {strides = array<i32>} : memref<80xi32, #tpu.memory_space<vmem>>, vector<16xi32>,
    %get3A_59 = arith.constant 0 : index
    %get3A_60 = tpu.vector_load %arg19[%get3A_59] {strides = array<i32>} : memref<80xf32, #tpu.memory_space<vmem>>, vector<16xf32>,
    %shift_right_arithmetic3A = arith.constant 7 : i32
    %shift_right_arithmetic3A_61 = vector.broadcast %shift_right_arithmetic3A : i32 to vector<16xi32>
    %shift_right_arithmetic3A_62 = arith.shrsi %get3A_58, %shift_right_arithmetic3A_61 : vector<16xi32>
    %and3A = arith.constant 127 : i32
    %and3A_63 = vector.broadcast %and3A : i32 to vector<16xi32>
    %and3A_64 = arith.andi %get3A_58, %and3A_63 : vector<16xi32>
    tpu.vector_store_idx %arg25[%shift_right_arithmetic3A_62, %and3A_64], %get3A_60 {add = true} : memref<80x128xf32, #tpu.memory_space<vmem>>[vector<16xi32>, vector<16xi32>], vector<16xf32>,
    %shift_right_arithmetic3A_65 = arith.constant 7 : i32
    %shift_right_arithmetic3A_66 = vector.broadcast %shift_right_arithmetic3A_65 : i32 to vector<16xi32>
    %shift_right_arithmetic3A_67 = arith.shrsi %get3A_58, %shift_right_arithmetic3A_66 : vector<16xi32>
    %and3A_68 = arith.constant 127 : i32
    %and3A_69 = vector.broadcast %and3A_68 : i32 to vector<16xi32>
    %and3A_70 = arith.andi %get3A_58, %and3A_69 : vector<16xi32>
    tpu.vector_store_idx %arg26[%shift_right_arithmetic3A_67, %and3A_70], %broadcast_in_dim3A_3 {add = true} : memref<80x128xf32, #tpu.memory_space<vmem>>[vector<16xi32>, vector<16xi32>], vector<16xf32>,
    %get3A_71 = arith.constant 16 : index
    %get3A_72 = tpu.vector_load %arg15[%get3A_71] {strides = array<i32>} : memref<80xi32, #tpu.memory_space<vmem>>, vector<16xi32>,
    %get3A_73 = arith.constant 16 : index
    %get3A_74 = tpu.vector_load %arg19[%get3A_73] {strides = array<i32>} : memref<80xf32, #tpu.memory_space<vmem>>, vector<16xf32>,
    %shift_right_arithmetic3A_75 = arith.constant 7 : i32
    %shift_right_arithmetic3A_76 = vector.broadcast %shift_right_arithmetic3A_75 : i32 to vector<16xi32>
    %shift_right_arithmetic3A_77 = arith.shrsi %get3A_72, %shift_right_arithmetic3A_76 : vector<16xi32>
    %and3A_78 = arith.constant 127 : i32
    %and3A_79 = vector.broadcast %and3A_78 : i32 to vector<16xi32>
    %and3A_80 = arith.andi %get3A_72, %and3A_79 : vector<16xi32>
    tpu.vector_store_idx %arg25[%shift_right_arithmetic3A_77, %and3A_80], %get3A_74 {add = true} : memref<80x128xf32, #tpu.memory_space<vmem>>[vector<16xi32>, vector<16xi32>], vector<16xf32>,
    %shift_right_arithmetic3A_81 = arith.constant 7 : i32
    %shift_right_arithmetic3A_82 = vector.broadcast %shift_right_arithmetic3A_81 : i32 to vector<16xi32>
    %shift_right_arithmetic3A_83 = arith.shrsi %get3A_72, %shift_right_arithmetic3A_82 : vector<16xi32>
    %and3A_84 = arith.constant 127 : i32
    %and3A_85 = vector.broadcast %and3A_84 : i32 to vector<16xi32>
    %and3A_86 = arith.andi %get3A_72, %and3A_85 : vector<16xi32>
    tpu.vector_store_idx %arg26[%shift_right_arithmetic3A_83, %and3A_86], %broadcast_in_dim3A_3 {add = true} : memref<80x128xf32, #tpu.memory_space<vmem>>[vector<16xi32>, vector<16xi32>], vector<16xf32>,
    %get3A_87 = arith.constant 32 : index
    %get3A_88 = tpu.vector_load %arg15[%get3A_87] {strides = array<i32>} : memref<80xi32, #tpu.memory_space<vmem>>, vector<16xi32>,
    %get3A_89 = arith.constant 32 : index
    %get3A_90 = tpu.vector_load %arg19[%get3A_89] {strides = array<i32>} : memref<80xf32, #tpu.memory_space<vmem>>, vector<16xf32>,
    %shift_right_arithmetic3A_91 = arith.constant 7 : i32
    %shift_right_arithmetic3A_92 = vector.broadcast %shift_right_arithmetic3A_91 : i32 to vector<16xi32>
    %shift_right_arithmetic3A_93 = arith.shrsi %get3A_88, %shift_right_arithmetic3A_92 : vector<16xi32>
    %and3A_94 = arith.constant 127 : i32
    %and3A_95 = vector.broadcast %and3A_94 : i32 to vector<16xi32>
    %and3A_96 = arith.andi %get3A_88, %and3A_95 : vector<16xi32>
    tpu.vector_store_idx %arg25[%shift_right_arithmetic3A_93, %and3A_96], %get3A_90 {add = true} : memref<80x128xf32, #tpu.memory_space<vmem>>[vector<16xi32>, vector<16xi32>], vector<16xf32>,
    %shift_right_arithmetic3A_97 = arith.constant 7 : i32
    %shift_right_arithmetic3A_98 = vector.broadcast %shift_right_arithmetic3A_97 : i32 to vector<16xi32>
    %shift_right_arithmetic3A_99 = arith.shrsi %get3A_88, %shift_right_arithmetic3A_98 : vector<16xi32>
    %and3A_100 = arith.constant 127 : i32
    %and3A_101 = vector.broadcast %and3A_100 : i32 to vector<16xi32>
    %and3A_102 = arith.andi %get3A_88, %and3A_101 : vector<16xi32>
    tpu.vector_store_idx %arg26[%shift_right_arithmetic3A_99, %and3A_102], %broadcast_in_dim3A_3 {add = true} : memref<80x128xf32, #tpu.memory_space<vmem>>[vector<16xi32>, vector<16xi32>], vector<16xf32>,
    %get3A_103 = arith.constant 48 : index
    %get3A_104 = tpu.vector_load %arg15[%get3A_103] {strides = array<i32>} : memref<80xi32, #tpu.memory_space<vmem>>, vector<16xi32>,
    %get3A_105 = arith.constant 48 : index
    %get3A_106 = tpu.vector_load %arg19[%get3A_105] {strides = array<i32>} : memref<80xf32, #tpu.memory_space<vmem>>, vector<16xf32>,
    %shift_right_arithmetic3A_107 = arith.constant 7 : i32
    %shift_right_arithmetic3A_108 = vector.broadcast %shift_right_arithmetic3A_107 : i32 to vector<16xi32>
    %shift_right_arithmetic3A_109 = arith.shrsi %get3A_104, %shift_right_arithmetic3A_108 : vector<16xi32>
    %and3A_110 = arith.constant 127 : i32
    %and3A_111 = vector.broadcast %and3A_110 : i32 to vector<16xi32>
    %and3A_112 = arith.andi %get3A_104, %and3A_111 : vector<16xi32>
    tpu.vector_store_idx %arg25[%shift_right_arithmetic3A_109, %and3A_112], %get3A_106 {add = true} : memref<80x128xf32, #tpu.memory_space<vmem>>[vector<16xi32>, vector<16xi32>], vector<16xf32>,
    %shift_right_arithmetic3A_113 = arith.constant 7 : i32
    %shift_right_arithmetic3A_114 = vector.broadcast %shift_right_arithmetic3A_113 : i32 to vector<16xi32>
    %shift_right_arithmetic3A_115 = arith.shrsi %get3A_104, %shift_right_arithmetic3A_114 : vector<16xi32>
    %and3A_116 = arith.constant 127 : i32
    %and3A_117 = vector.broadcast %and3A_116 : i32 to vector<16xi32>
    %and3A_118 = arith.andi %get3A_104, %and3A_117 : vector<16xi32>
    tpu.vector_store_idx %arg26[%shift_right_arithmetic3A_115, %and3A_118], %broadcast_in_dim3A_3 {add = true} : memref<80x128xf32, #tpu.memory_space<vmem>>[vector<16xi32>, vector<16xi32>], vector<16xf32>,
    %get3A_119 = arith.constant 64 : index
    %get3A_120 = tpu.vector_load %arg15[%get3A_119] {strides = array<i32>} : memref<80xi32, #tpu.memory_space<vmem>>, vector<16xi32>,
    %get3A_121 = arith.constant 64 : index
    %get3A_122 = tpu.vector_load %arg19[%get3A_121] {strides = array<i32>} : memref<80xf32, #tpu.memory_space<vmem>>, vector<16xf32>,
    %shift_right_arithmetic3A_123 = arith.constant 7 : i32
    %shift_right_arithmetic3A_124 = vector.broadcast %shift_right_arithmetic3A_123 : i32 to vector<16xi32>
    %shift_right_arithmetic3A_125 = arith.shrsi %get3A_120, %shift_right_arithmetic3A_124 : vector<16xi32>
    %and3A_126 = arith.constant 127 : i32
    %and3A_127 = vector.broadcast %and3A_126 : i32 to vector<16xi32>
    %and3A_128 = arith.andi %get3A_120, %and3A_127 : vector<16xi32>
    tpu.vector_store_idx %arg25[%shift_right_arithmetic3A_125, %and3A_128], %get3A_122 {add = true} : memref<80x128xf32, #tpu.memory_space<vmem>>[vector<16xi32>, vector<16xi32>], vector<16xf32>,
    %shift_right_arithmetic3A_129 = arith.constant 7 : i32
    %shift_right_arithmetic3A_130 = vector.broadcast %shift_right_arithmetic3A_129 : i32 to vector<16xi32>
    %shift_right_arithmetic3A_131 = arith.shrsi %get3A_120, %shift_right_arithmetic3A_130 : vector<16xi32>
    %and3A_132 = arith.constant 127 : i32
    %and3A_133 = vector.broadcast %and3A_132 : i32 to vector<16xi32>
    %and3A_134 = arith.andi %get3A_120, %and3A_133 : vector<16xi32>
    tpu.vector_store_idx %arg26[%shift_right_arithmetic3A_131, %and3A_134], %broadcast_in_dim3A_3 {add = true} : memref<80x128xf32, #tpu.memory_space<vmem>>[vector<16xi32>, vector<16xi32>], vector<16xf32>,
    %get3A_135 = arith.constant 0 : index
    %get3A_136 = tpu.vector_load %arg16[%get3A_135] {strides = array<i32>} : memref<80xi32, #tpu.memory_space<vmem>>, vector<16xi32>,
    %get3A_137 = arith.constant 0 : index
    %get3A_138 = tpu.vector_load %arg20[%get3A_137] {strides = array<i32>} : memref<80xf32, #tpu.memory_space<vmem>>, vector<16xf32>,
    %shift_right_arithmetic3A_139 = arith.constant 7 : i32
    %shift_right_arithmetic3A_140 = vector.broadcast %shift_right_arithmetic3A_139 : i32 to vector<16xi32>
    %shift_right_arithmetic3A_141 = arith.shrsi %get3A_136, %shift_right_arithmetic3A_140 : vector<16xi32>
    %and3A_142 = arith.constant 127 : i32
    %and3A_143 = vector.broadcast %and3A_142 : i32 to vector<16xi32>
    %and3A_144 = arith.andi %get3A_136, %and3A_143 : vector<16xi32>
    tpu.vector_store_idx %arg25[%shift_right_arithmetic3A_141, %and3A_144], %get3A_138 {add = true} : memref<80x128xf32, #tpu.memory_space<vmem>>[vector<16xi32>, vector<16xi32>], vector<16xf32>,
    %shift_right_arithmetic3A_145 = arith.constant 7 : i32
    %shift_right_arithmetic3A_146 = vector.broadcast %shift_right_arithmetic3A_145 : i32 to vector<16xi32>
    %shift_right_arithmetic3A_147 = arith.shrsi %get3A_136, %shift_right_arithmetic3A_146 : vector<16xi32>
    %and3A_148 = arith.constant 127 : i32
    %and3A_149 = vector.broadcast %and3A_148 : i32 to vector<16xi32>
    %and3A_150 = arith.andi %get3A_136, %and3A_149 : vector<16xi32>
    tpu.vector_store_idx %arg26[%shift_right_arithmetic3A_147, %and3A_150], %broadcast_in_dim3A_3 {add = true} : memref<80x128xf32, #tpu.memory_space<vmem>>[vector<16xi32>, vector<16xi32>], vector<16xf32>,
    %get3A_151 = arith.constant 16 : index
    %get3A_152 = tpu.vector_load %arg16[%get3A_151] {strides = array<i32>} : memref<80xi32, #tpu.memory_space<vmem>>, vector<16xi32>,
    %get3A_153 = arith.constant 16 : index
    %get3A_154 = tpu.vector_load %arg20[%get3A_153] {strides = array<i32>} : memref<80xf32, #tpu.memory_space<vmem>>, vector<16xf32>,
    %shift_right_arithmetic3A_155 = arith.constant 7 : i32
    %shift_right_arithmetic3A_156 = vector.broadcast %shift_right_arithmetic3A_155 : i32 to vector<16xi32>
    %shift_right_arithmetic3A_157 = arith.shrsi %get3A_152, %shift_right_arithmetic3A_156 : vector<16xi32>
    %and3A_158 = arith.constant 127 : i32
    %and3A_159 = vector.broadcast %and3A_158 : i32 to vector<16xi32>
    %and3A_160 = arith.andi %get3A_152, %and3A_159 : vector<16xi32>
    tpu.vector_store_idx %arg25[%shift_right_arithmetic3A_157, %and3A_160], %get3A_154 {add = true} : memref<80x128xf32, #tpu.memory_space<vmem>>[vector<16xi32>, vector<16xi32>], vector<16xf32>,
    %shift_right_arithmetic3A_161 = arith.constant 7 : i32
    %shift_right_arithmetic3A_162 = vector.broadcast %shift_right_arithmetic3A_161 : i32 to vector<16xi32>
    %shift_right_arithmetic3A_163 = arith.shrsi %get3A_152, %shift_right_arithmetic3A_162 : vector<16xi32>
    %and3A_164 = arith.constant 127 : i32
    %and3A_165 = vector.broadcast %and3A_164 : i32 to vector<16xi32>
    %and3A_166 = arith.andi %get3A_152, %and3A_165 : vector<16xi32>
    tpu.vector_store_idx %arg26[%shift_right_arithmetic3A_163, %and3A_166], %broadcast_in_dim3A_3 {add = true} : memref<80x128xf32, #tpu.memory_space<vmem>>[vector<16xi32>, vector<16xi32>], vector<16xf32>,
    %get3A_167 = arith.constant 32 : index
    %get3A_168 = tpu.vector_load %arg16[%get3A_167] {strides = array<i32>} : memref<80xi32, #tpu.memory_space<vmem>>, vector<16xi32>,
    %get3A_169 = arith.constant 32 : index
    %get3A_170 = tpu.vector_load %arg20[%get3A_169] {strides = array<i32>} : memref<80xf32, #tpu.memory_space<vmem>>, vector<16xf32>,
    %shift_right_arithmetic3A_171 = arith.constant 7 : i32
    %shift_right_arithmetic3A_172 = vector.broadcast %shift_right_arithmetic3A_171 : i32 to vector<16xi32>
    %shift_right_arithmetic3A_173 = arith.shrsi %get3A_168, %shift_right_arithmetic3A_172 : vector<16xi32>
    %and3A_174 = arith.constant 127 : i32
    %and3A_175 = vector.broadcast %and3A_174 : i32 to vector<16xi32>
    %and3A_176 = arith.andi %get3A_168, %and3A_175 : vector<16xi32>
    tpu.vector_store_idx %arg25[%shift_right_arithmetic3A_173, %and3A_176], %get3A_170 {add = true} : memref<80x128xf32, #tpu.memory_space<vmem>>[vector<16xi32>, vector<16xi32>], vector<16xf32>,
    %shift_right_arithmetic3A_177 = arith.constant 7 : i32
    %shift_right_arithmetic3A_178 = vector.broadcast %shift_right_arithmetic3A_177 : i32 to vector<16xi32>
    %shift_right_arithmetic3A_179 = arith.shrsi %get3A_168, %shift_right_arithmetic3A_178 : vector<16xi32>
    %and3A_180 = arith.constant 127 : i32
    %and3A_181 = vector.broadcast %and3A_180 : i32 to vector<16xi32>
    %and3A_182 = arith.andi %get3A_168, %and3A_181 : vector<16xi32>
    tpu.vector_store_idx %arg26[%shift_right_arithmetic3A_179, %and3A_182], %broadcast_in_dim3A_3 {add = true} : memref<80x128xf32, #tpu.memory_space<vmem>>[vector<16xi32>, vector<16xi32>], vector<16xf32>,
    %get3A_183 = arith.constant 48 : index
    %get3A_184 = tpu.vector_load %arg16[%get3A_183] {strides = array<i32>} : memref<80xi32, #tpu.memory_space<vmem>>, vector<16xi32>,
    %get3A_185 = arith.constant 48 : index
    %get3A_186 = tpu.vector_load %arg20[%get3A_185] {strides = array<i32>} : memref<80xf32, #tpu.memory_space<vmem>>, vector<16xf32>,
    %shift_right_arithmetic3A_187 = arith.constant 7 : i32
    %shift_right_arithmetic3A_188 = vector.broadcast %shift_right_arithmetic3A_187 : i32 to vector<16xi32>
    %shift_right_arithmetic3A_189 = arith.shrsi %get3A_184, %shift_right_arithmetic3A_188 : vector<16xi32>
    %and3A_190 = arith.constant 127 : i32
    %and3A_191 = vector.broadcast %and3A_190 : i32 to vector<16xi32>
    %and3A_192 = arith.andi %get3A_184, %and3A_191 : vector<16xi32>
    tpu.vector_store_idx %arg25[%shift_right_arithmetic3A_189, %and3A_192], %get3A_186 {add = true} : memref<80x128xf32, #tpu.memory_space<vmem>>[vector<16xi32>, vector<16xi32>], vector<16xf32>,
    %shift_right_arithmetic3A_193 = arith.constant 7 : i32
    %shift_right_arithmetic3A_194 = vector.broadcast %shift_right_arithmetic3A_193 : i32 to vector<16xi32>
    %shift_right_arithmetic3A_195 = arith.shrsi %get3A_184, %shift_right_arithmetic3A_194 : vector<16xi32>
    %and3A_196 = arith.constant 127 : i32
    %and3A_197 = vector.broadcast %and3A_196 : i32 to vector<16xi32>
    %and3A_198 = arith.andi %get3A_184, %and3A_197 : vector<16xi32>
    tpu.vector_store_idx %arg26[%shift_right_arithmetic3A_195, %and3A_198], %broadcast_in_dim3A_3 {add = true} : memref<80x128xf32, #tpu.memory_space<vmem>>[vector<16xi32>, vector<16xi32>], vector<16xf32>,
    %get3A_199 = arith.constant 64 : index
    %get3A_200 = tpu.vector_load %arg16[%get3A_199] {strides = array<i32>} : memref<80xi32, #tpu.memory_space<vmem>>, vector<16xi32>,
    %get3A_201 = arith.constant 64 : index
    %get3A_202 = tpu.vector_load %arg20[%get3A_201] {strides = array<i32>} : memref<80xf32, #tpu.memory_space<vmem>>, vector<16xf32>,
    %shift_right_arithmetic3A_203 = arith.constant 7 : i32
    %shift_right_arithmetic3A_204 = vector.broadcast %shift_right_arithmetic3A_203 : i32 to vector<16xi32>
    %shift_right_arithmetic3A_205 = arith.shrsi %get3A_200, %shift_right_arithmetic3A_204 : vector<16xi32>
    %and3A_206 = arith.constant 127 : i32
    %and3A_207 = vector.broadcast %and3A_206 : i32 to vector<16xi32>
    %and3A_208 = arith.andi %get3A_200, %and3A_207 : vector<16xi32>
    tpu.vector_store_idx %arg25[%shift_right_arithmetic3A_205, %and3A_208], %get3A_202 {add = true} : memref<80x128xf32, #tpu.memory_space<vmem>>[vector<16xi32>, vector<16xi32>], vector<16xf32>,
    %shift_right_arithmetic3A_209 = arith.constant 7 : i32
    %shift_right_arithmetic3A_210 = vector.broadcast %shift_right_arithmetic3A_209 : i32 to vector<16xi32>
    %shift_right_arithmetic3A_211 = arith.shrsi %get3A_200, %shift_right_arithmetic3A_210 : vector<16xi32>
    %and3A_212 = arith.constant 127 : i32
    %and3A_213 = vector.broadcast %and3A_212 : i32 to vector<16xi32>
    %and3A_214 = arith.andi %get3A_200, %and3A_213 : vector<16xi32>
    tpu.vector_store_idx %arg26[%shift_right_arithmetic3A_211, %and3A_214], %broadcast_in_dim3A_3 {add = true} : memref<80x128xf32, #tpu.memory_space<vmem>>[vector<16xi32>, vector<16xi32>], vector<16xf32>,
    %dma_wait3A_215 = arith.constant 0 : i32
    %dma_wait3A_216 = arith.constant 0 : i32
    %dma_wait3A_217 = tpu.memref_slice %arg2[%dma_wait3A_215, %dma_wait3A_216] : memref<10000x128xf32, #tpu.memory_space<hbm>> -> memref<10000x128xf32, #tpu.memory_space<hbm>>
    tpu.wait_indirect_dma semaphore(%arg32 : memref<!tpu.dma_semaphore, #tpu.memory_space<semaphore_mem>>) src(%dma_wait3A_217 : memref<10000x128xf32, #tpu.memory_space<hbm>>) dst(%arg23 : memref<80x128xf32, #tpu.memory_space<vmem>>)
    %dma_start3A_218 = arith.constant 0 : i32
    %dma_start3A_219 = arith.constant 0 : i32
    %dma_start3A_220 = tpu.memref_slice %arg27[%dma_start3A_218, %dma_start3A_219] : memref<10240x128xf32, #tpu.memory_space<vmem_shared>> -> memref<10240x128xf32, #tpu.memory_space<vmem_shared>>
    tpu.enqueue_indirect_dma source(%arg23 : memref<80x128xf32, #tpu.memory_space<vmem>>) target(%dma_start3A_220 : memref<10240x128xf32, #tpu.memory_space<vmem_shared>>) offsets(%arg15 : memref<80xi32, #tpu.memory_space<vmem>>) semaphore(%arg34 : memref<!tpu.dma_semaphore, #tpu.memory_space<semaphore_mem>>) {add = true}
    %scan3A = arith.constant 0 : i32
    %scan3A_221 = arith.constant 30 : i32
    %scan3A_222 = arith.addi %scan3A, %scan3A_221 : i32
    %scan3A_223 = arith.constant 1 : i32
    scf.for %scan3A_550 = %scan3A to %scan3A_222 step %scan3A_223  : i32 {
      %mul3A_551 = arith.constant 1 : i32
      %mul3A_552 = arith.muli %scan3A_550, %mul3A_551 : i32
      %add3A_553 = arith.constant 0 : i32
      %add3A_554 = arith.addi %add3A_553, %mul3A_552 : i32
      %mul3A_555 = arith.constant 4 : i32
      %mul3A_556 = arith.muli %mul3A_555, %add3A_554 : i32
      %add3A_557 = arith.constant 2 : i32
      %add3A_558 = arith.addi %mul3A_556, %add3A_557 : i32
      %add3A_559 = arith.constant 0 : i32
      %add3A_560 = arith.addi %add3A_558, %add3A_559 : i32
      %mul3A_561 = arith.constant 80 : i32
      %mul3A_562 = arith.muli %add3A_560, %mul3A_561 : i32
      %add3A_563 = arith.addi %mul3A_2, %mul3A_562 : i32
      %dma_wait3A_564 = tpu.memref_slice %arg3[%add3A_563] : memref<320000xi32, #tpu.memory_space<hbm>> -> memref<80xi32, #tpu.memory_space<hbm>>
      %dma_wait3A_565 = tpu.memref_slice %arg3[%add3A_563] : memref<320000xi32, #tpu.memory_space<hbm>> -> memref<80xi32, #tpu.memory_space<hbm>>
      tpu.wait_dma2 semaphore(%arg30 : memref<!tpu.dma_semaphore, #tpu.memory_space<semaphore_mem>>) src(%dma_wait3A_565 : memref<80xi32, #tpu.memory_space<hbm>>) dst(%arg13 : memref<80xi32, #tpu.memory_space<vmem>>)
      %dma_wait3A_566 = tpu.memref_slice %arg4[%add3A_563] : memref<320000xi32, #tpu.memory_space<hbm>> -> memref<80xi32, #tpu.memory_space<hbm>>
      %dma_wait3A_567 = tpu.memref_slice %arg4[%add3A_563] : memref<320000xi32, #tpu.memory_space<hbm>> -> memref<80xi32, #tpu.memory_space<hbm>>
      tpu.wait_dma2 semaphore(%arg30 : memref<!tpu.dma_semaphore, #tpu.memory_space<semaphore_mem>>) src(%dma_wait3A_567 : memref<80xi32, #tpu.memory_space<hbm>>) dst(%arg17 : memref<80xi32, #tpu.memory_space<vmem>>)
      %dma_wait3A_568 = tpu.memref_slice %arg5[%add3A_563] : memref<320000xf32, #tpu.memory_space<hbm>> -> memref<80xf32, #tpu.memory_space<hbm>>
      %dma_wait3A_569 = tpu.memref_slice %arg5[%add3A_563] : memref<320000xf32, #tpu.memory_space<hbm>> -> memref<80xf32, #tpu.memory_space<hbm>>
      tpu.wait_dma2 semaphore(%arg30 : memref<!tpu.dma_semaphore, #tpu.memory_space<semaphore_mem>>) src(%dma_wait3A_569 : memref<80xf32, #tpu.memory_space<hbm>>) dst(%arg21 : memref<80xf32, #tpu.memory_space<vmem>>)
      %dma_wait3A_570 = arith.constant 0 : i32
      %dma_wait3A_571 = arith.constant 0 : i32
      %dma_wait3A_572 = tpu.memref_slice %arg27[%dma_wait3A_570, %dma_wait3A_571] : memref<10240x128xf32, #tpu.memory_space<vmem_shared>> -> memref<10240x128xf32, #tpu.memory_space<vmem_shared>>
      tpu.wait_indirect_dma semaphore(%arg34 : memref<!tpu.dma_semaphore, #tpu.memory_space<semaphore_mem>>) src(%arg23 : memref<80x128xf32, #tpu.memory_space<vmem>>) dst(%dma_wait3A_572 : memref<10240x128xf32, #tpu.memory_space<vmem_shared>>)
      %dma_start3A_573 = arith.constant 0 : i32
      %dma_start3A_574 = arith.constant 0 : i32
      %dma_start3A_575 = tpu.memref_slice %arg2[%dma_start3A_573, %dma_start3A_574] : memref<10000x128xf32, #tpu.memory_space<hbm>> -> memref<10000x128xf32, #tpu.memory_space<hbm>>
      tpu.enqueue_indirect_dma source(%dma_start3A_575 : memref<10000x128xf32, #tpu.memory_space<hbm>>) target(%arg23 : memref<80x128xf32, #tpu.memory_space<vmem>>) offsets(%arg13 : memref<80xi32, #tpu.memory_space<vmem>>) semaphore(%arg32 : memref<!tpu.dma_semaphore, #tpu.memory_space<semaphore_mem>>)
      %get3A_576 = arith.constant 0 : index
      %get3A_577 = tpu.vector_load %arg17[%get3A_576] {strides = array<i32>} : memref<80xi32, #tpu.memory_space<vmem>>, vector<16xi32>,
      %get3A_578 = arith.constant 0 : index
      %get3A_579 = tpu.vector_load %arg21[%get3A_578] {strides = array<i32>} : memref<80xf32, #tpu.memory_space<vmem>>, vector<16xf32>,
      %shift_right_arithmetic3A_580 = arith.constant 7 : i32
      %shift_right_arithmetic3A_581 = vector.broadcast %shift_right_arithmetic3A_580 : i32 to vector<16xi32>
      %shift_right_arithmetic3A_582 = arith.shrsi %get3A_577, %shift_right_arithmetic3A_581 : vector<16xi32>
      %and3A_583 = arith.constant 127 : i32
      %and3A_584 = vector.broadcast %and3A_583 : i32 to vector<16xi32>
      %and3A_585 = arith.andi %get3A_577, %and3A_584 : vector<16xi32>
      tpu.vector_store_idx %arg25[%shift_right_arithmetic3A_582, %and3A_585], %get3A_579 {add = true} : memref<80x128xf32, #tpu.memory_space<vmem>>[vector<16xi32>, vector<16xi32>], vector<16xf32>,
      %shift_right_arithmetic3A_586 = arith.constant 7 : i32
      %shift_right_arithmetic3A_587 = vector.broadcast %shift_right_arithmetic3A_586 : i32 to vector<16xi32>
      %shift_right_arithmetic3A_588 = arith.shrsi %get3A_577, %shift_right_arithmetic3A_587 : vector<16xi32>
      %and3A_589 = arith.constant 127 : i32
      %and3A_590 = vector.broadcast %and3A_589 : i32 to vector<16xi32>
      %and3A_591 = arith.andi %get3A_577, %and3A_590 : vector<16xi32>
      tpu.vector_store_idx %arg26[%shift_right_arithmetic3A_588, %and3A_591], %broadcast_in_dim3A_3 {add = true} : memref<80x128xf32, #tpu.memory_space<vmem>>[vector<16xi32>, vector<16xi32>], vector<16xf32>,
      %get3A_592 = arith.constant 16 : index
      %get3A_593 = tpu.vector_load %arg17[%get3A_592] {strides = array<i32>} : memref<80xi32, #tpu.memory_space<vmem>>, vector<16xi32>,
      %get3A_594 = arith.constant 16 : index
      %get3A_595 = tpu.vector_load %arg21[%get3A_594] {strides = array<i32>} : memref<80xf32, #tpu.memory_space<vmem>>, vector<16xf32>,
      %shift_right_arithmetic3A_596 = arith.constant 7 : i32
      %shift_right_arithmetic3A_597 = vector.broadcast %shift_right_arithmetic3A_596 : i32 to vector<16xi32>
      %shift_right_arithmetic3A_598 = arith.shrsi %get3A_593, %shift_right_arithmetic3A_597 : vector<16xi32>
      %and3A_599 = arith.constant 127 : i32
      %and3A_600 = vector.broadcast %and3A_599 : i32 to vector<16xi32>
      %and3A_601 = arith.andi %get3A_593, %and3A_600 : vector<16xi32>
      tpu.vector_store_idx %arg25[%shift_right_arithmetic3A_598, %and3A_601], %get3A_595 {add = true} : memref<80x128xf32, #tpu.memory_space<vmem>>[vector<16xi32>, vector<16xi32>], vector<16xf32>,
      %shift_right_arithmetic3A_602 = arith.constant 7 : i32
      %shift_right_arithmetic3A_603 = vector.broadcast %shift_right_arithmetic3A_602 : i32 to vector<16xi32>
      %shift_right_arithmetic3A_604 = arith.shrsi %get3A_593, %shift_right_arithmetic3A_603 : vector<16xi32>
      %and3A_605 = arith.constant 127 : i32
      %and3A_606 = vector.broadcast %and3A_605 : i32 to vector<16xi32>
      %and3A_607 = arith.andi %get3A_593, %and3A_606 : vector<16xi32>
      tpu.vector_store_idx %arg26[%shift_right_arithmetic3A_604, %and3A_607], %broadcast_in_dim3A_3 {add = true} : memref<80x128xf32, #tpu.memory_space<vmem>>[vector<16xi32>, vector<16xi32>], vector<16xf32>,
      %get3A_608 = arith.constant 32 : index
      %get3A_609 = tpu.vector_load %arg17[%get3A_608] {strides = array<i32>} : memref<80xi32, #tpu.memory_space<vmem>>, vector<16xi32>,
      %get3A_610 = arith.constant 32 : index
      %get3A_611 = tpu.vector_load %arg21[%get3A_610] {strides = array<i32>} : memref<80xf32, #tpu.memory_space<vmem>>, vector<16xf32>,
      %shift_right_arithmetic3A_612 = arith.constant 7 : i32
      %shift_right_arithmetic3A_613 = vector.broadcast %shift_right_arithmetic3A_612 : i32 to vector<16xi32>
      %shift_right_arithmetic3A_614 = arith.shrsi %get3A_609, %shift_right_arithmetic3A_613 : vector<16xi32>
      %and3A_615 = arith.constant 127 : i32
      %and3A_616 = vector.broadcast %and3A_615 : i32 to vector<16xi32>
      %and3A_617 = arith.andi %get3A_609, %and3A_616 : vector<16xi32>
      tpu.vector_store_idx %arg25[%shift_right_arithmetic3A_614, %and3A_617], %get3A_611 {add = true} : memref<80x128xf32, #tpu.memory_space<vmem>>[vector<16xi32>, vector<16xi32>], vector<16xf32>,
      %shift_right_arithmetic3A_618 = arith.constant 7 : i32
      %shift_right_arithmetic3A_619 = vector.broadcast %shift_right_arithmetic3A_618 : i32 to vector<16xi32>
      %shift_right_arithmetic3A_620 = arith.shrsi %get3A_609, %shift_right_arithmetic3A_619 : vector<16xi32>
      %and3A_621 = arith.constant 127 : i32
      %and3A_622 = vector.broadcast %and3A_621 : i32 to vector<16xi32>
      %and3A_623 = arith.andi %get3A_609, %and3A_622 : vector<16xi32>
      tpu.vector_store_idx %arg26[%shift_right_arithmetic3A_620, %and3A_623], %broadcast_in_dim3A_3 {add = true} : memref<80x128xf32, #tpu.memory_space<vmem>>[vector<16xi32>, vector<16xi32>], vector<16xf32>,
      %get3A_624 = arith.constant 48 : index
      %get3A_625 = tpu.vector_load %arg17[%get3A_624] {strides = array<i32>} : memref<80xi32, #tpu.memory_space<vmem>>, vector<16xi32>,
      %get3A_626 = arith.constant 48 : index
      %get3A_627 = tpu.vector_load %arg21[%get3A_626] {strides = array<i32>} : memref<80xf32, #tpu.memory_space<vmem>>, vector<16xf32>,
      %shift_right_arithmetic3A_628 = arith.constant 7 : i32
      %shift_right_arithmetic3A_629 = vector.broadcast %shift_right_arithmetic3A_628 : i32 to vector<16xi32>
      %shift_right_arithmetic3A_630 = arith.shrsi %get3A_625, %shift_right_arithmetic3A_629 : vector<16xi32>
      %and3A_631 = arith.constant 127 : i32
      %and3A_632 = vector.broadcast %and3A_631 : i32 to vector<16xi32>
      %and3A_633 = arith.andi %get3A_625, %and3A_632 : vector<16xi32>
      tpu.vector_store_idx %arg25[%shift_right_arithmetic3A_630, %and3A_633], %get3A_627 {add = true} : memref<80x128xf32, #tpu.memory_space<vmem>>[vector<16xi32>, vector<16xi32>], vector<16xf32>,
      %shift_right_arithmetic3A_634 = arith.constant 7 : i32
      %shift_right_arithmetic3A_635 = vector.broadcast %shift_right_arithmetic3A_634 : i32 to vector<16xi32>
      %shift_right_arithmetic3A_636 = arith.shrsi %get3A_625, %shift_right_arithmetic3A_635 : vector<16xi32>
      %and3A_637 = arith.constant 127 : i32
      %and3A_638 = vector.broadcast %and3A_637 : i32 to vector<16xi32>
      %and3A_639 = arith.andi %get3A_625, %and3A_638 : vector<16xi32>
      tpu.vector_store_idx %arg26[%shift_right_arithmetic3A_636, %and3A_639], %broadcast_in_dim3A_3 {add = true} : memref<80x128xf32, #tpu.memory_space<vmem>>[vector<16xi32>, vector<16xi32>], vector<16xf32>,
      %get3A_640 = arith.constant 64 : index
      %get3A_641 = tpu.vector_load %arg17[%get3A_640] {strides = array<i32>} : memref<80xi32, #tpu.memory_space<vmem>>, vector<16xi32>,
      %get3A_642 = arith.constant 64 : index
      %get3A_643 = tpu.vector_load %arg21[%get3A_642] {strides = array<i32>} : memref<80xf32, #tpu.memory_space<vmem>>, vector<16xf32>,
      %shift_right_arithmetic3A_644 = arith.constant 7 : i32
      %shift_right_arithmetic3A_645 = vector.broadcast %shift_right_arithmetic3A_644 : i32 to vector<16xi32>
      %shift_right_arithmetic3A_646 = arith.shrsi %get3A_641, %shift_right_arithmetic3A_645 : vector<16xi32>
      %and3A_647 = arith.constant 127 : i32
      %and3A_648 = vector.broadcast %and3A_647 : i32 to vector<16xi32>
      %and3A_649 = arith.andi %get3A_641, %and3A_648 : vector<16xi32>
      tpu.vector_store_idx %arg25[%shift_right_arithmetic3A_646, %and3A_649], %get3A_643 {add = true} : memref<80x128xf32, #tpu.memory_space<vmem>>[vector<16xi32>, vector<16xi32>], vector<16xf32>,
      %shift_right_arithmetic3A_650 = arith.constant 7 : i32
      %shift_right_arithmetic3A_651 = vector.broadcast %shift_right_arithmetic3A_650 : i32 to vector<16xi32>
      %shift_right_arithmetic3A_652 = arith.shrsi %get3A_641, %shift_right_arithmetic3A_651 : vector<16xi32>
      %and3A_653 = arith.constant 127 : i32
      %and3A_654 = vector.broadcast %and3A_653 : i32 to vector<16xi32>
      %and3A_655 = arith.andi %get3A_641, %and3A_654 : vector<16xi32>
      tpu.vector_store_idx %arg26[%shift_right_arithmetic3A_652, %and3A_655], %broadcast_in_dim3A_3 {add = true} : memref<80x128xf32, #tpu.memory_space<vmem>>[vector<16xi32>, vector<16xi32>], vector<16xf32>,
      %dma_wait3A_656 = arith.constant 0 : i32
      %dma_wait3A_657 = arith.constant 0 : i32
      %dma_wait3A_658 = tpu.memref_slice %arg2[%dma_wait3A_656, %dma_wait3A_657] : memref<10000x128xf32, #tpu.memory_space<hbm>> -> memref<10000x128xf32, #tpu.memory_space<hbm>>
      tpu.wait_indirect_dma semaphore(%arg33 : memref<!tpu.dma_semaphore, #tpu.memory_space<semaphore_mem>>) src(%dma_wait3A_658 : memref<10000x128xf32, #tpu.memory_space<hbm>>) dst(%arg24 : memref<80x128xf32, #tpu.memory_space<vmem>>)
      %dma_start3A_659 = arith.constant 0 : i32
      %dma_start3A_660 = arith.constant 0 : i32
      %dma_start3A_661 = tpu.memref_slice %arg27[%dma_start3A_659, %dma_start3A_660] : memref<10240x128xf32, #tpu.memory_space<vmem_shared>> -> memref<10240x128xf32, #tpu.memory_space<vmem_shared>>
      tpu.enqueue_indirect_dma source(%arg24 : memref<80x128xf32, #tpu.memory_space<vmem>>) target(%dma_start3A_661 : memref<10240x128xf32, #tpu.memory_space<vmem_shared>>) offsets(%arg16 : memref<80xi32, #tpu.memory_space<vmem>>) semaphore(%arg35 : memref<!tpu.dma_semaphore, #tpu.memory_space<semaphore_mem>>) {add = true}
      %add3A_662 = arith.constant 2 : i32
      %add3A_663 = arith.addi %add3A_560, %add3A_662 : i32
      %mul3A_664 = arith.constant 80 : i32
      %mul3A_665 = arith.muli %add3A_663, %mul3A_664 : i32
      %add3A_666 = arith.addi %mul3A_2, %mul3A_665 : i32
      %dma_start3A_667 = tpu.memref_slice %arg3[%add3A_666] : memref<320000xi32, #tpu.memory_space<hbm>> -> memref<80xi32, #tpu.memory_space<hbm>>
      %dma_start3A_668 = tpu.memref_slice %arg3[%add3A_666] : memref<320000xi32, #tpu.memory_space<hbm>> -> memref<80xi32, #tpu.memory_space<hbm>>
      tpu.enqueue_dma source(%dma_start3A_668 : memref<80xi32, #tpu.memory_space<hbm>>) target(%arg11 : memref<80xi32, #tpu.memory_space<vmem>>) target_semaphore(%arg28 : memref<!tpu.dma_semaphore, #tpu.memory_space<semaphore_mem>>)
      %dma_start3A_669 = tpu.memref_slice %arg4[%add3A_666] : memref<320000xi32, #tpu.memory_space<hbm>> -> memref<80xi32, #tpu.memory_space<hbm>>
      %dma_start3A_670 = tpu.memref_slice %arg4[%add3A_666] : memref<320000xi32, #tpu.memory_space<hbm>> -> memref<80xi32, #tpu.memory_space<hbm>>
      tpu.enqueue_dma source(%dma_start3A_670 : memref<80xi32, #tpu.memory_space<hbm>>) target(%arg15 : memref<80xi32, #tpu.memory_space<vmem>>) target_semaphore(%arg28 : memref<!tpu.dma_semaphore, #tpu.memory_space<semaphore_mem>>)
      %dma_start3A_671 = tpu.memref_slice %arg5[%add3A_666] : memref<320000xf32, #tpu.memory_space<hbm>> -> memref<80xf32, #tpu.memory_space<hbm>>
      %dma_start3A_672 = tpu.memref_slice %arg5[%add3A_666] : memref<320000xf32, #tpu.memory_space<hbm>> -> memref<80xf32, #tpu.memory_space<hbm>>
      tpu.enqueue_dma source(%dma_start3A_672 : memref<80xf32, #tpu.memory_space<hbm>>) target(%arg19 : memref<80xf32, #tpu.memory_space<vmem>>) target_semaphore(%arg28 : memref<!tpu.dma_semaphore, #tpu.memory_space<semaphore_mem>>)
      %add3A_673 = arith.constant 1 : i32
      %add3A_674 = arith.addi %add3A_558, %add3A_673 : i32
      %mul3A_675 = arith.constant 80 : i32
      %mul3A_676 = arith.muli %add3A_674, %mul3A_675 : i32
      %add3A_677 = arith.addi %mul3A_2, %mul3A_676 : i32
      %dma_wait3A_678 = tpu.memref_slice %arg3[%add3A_677] : memref<320000xi32, #tpu.memory_space<hbm>> -> memref<80xi32, #tpu.memory_space<hbm>>
      %dma_wait3A_679 = tpu.memref_slice %arg3[%add3A_677] : memref<320000xi32, #tpu.memory_space<hbm>> -> memref<80xi32, #tpu.memory_space<hbm>>
      tpu.wait_dma2 semaphore(%arg31 : memref<!tpu.dma_semaphore, #tpu.memory_space<semaphore_mem>>) src(%dma_wait3A_679 : memref<80xi32, #tpu.memory_space<hbm>>) dst(%arg14 : memref<80xi32, #tpu.memory_space<vmem>>)
      %dma_wait3A_680 = tpu.memref_slice %arg4[%add3A_677] : memref<320000xi32, #tpu.memory_space<hbm>> -> memref<80xi32, #tpu.memory_space<hbm>>
      %dma_wait3A_681 = tpu.memref_slice %arg4[%add3A_677] : memref<320000xi32, #tpu.memory_space<hbm>> -> memref<80xi32, #tpu.memory_space<hbm>>
      tpu.wait_dma2 semaphore(%arg31 : memref<!tpu.dma_semaphore, #tpu.memory_space<semaphore_mem>>) src(%dma_wait3A_681 : memref<80xi32, #tpu.memory_space<hbm>>) dst(%arg18 : memref<80xi32, #tpu.memory_space<vmem>>)
      %dma_wait3A_682 = tpu.memref_slice %arg5[%add3A_677] : memref<320000xf32, #tpu.memory_space<hbm>> -> memref<80xf32, #tpu.memory_space<hbm>>
      %dma_wait3A_683 = tpu.memref_slice %arg5[%add3A_677] : memref<320000xf32, #tpu.memory_space<hbm>> -> memref<80xf32, #tpu.memory_space<hbm>>
      tpu.wait_dma2 semaphore(%arg31 : memref<!tpu.dma_semaphore, #tpu.memory_space<semaphore_mem>>) src(%dma_wait3A_683 : memref<80xf32, #tpu.memory_space<hbm>>) dst(%arg22 : memref<80xf32, #tpu.memory_space<vmem>>)
      %dma_wait3A_684 = arith.constant 0 : i32
      %dma_wait3A_685 = arith.constant 0 : i32
      %dma_wait3A_686 = tpu.memref_slice %arg27[%dma_wait3A_684, %dma_wait3A_685] : memref<10240x128xf32, #tpu.memory_space<vmem_shared>> -> memref<10240x128xf32, #tpu.memory_space<vmem_shared>>
      tpu.wait_indirect_dma semaphore(%arg35 : memref<!tpu.dma_semaphore, #tpu.memory_space<semaphore_mem>>) src(%arg24 : memref<80x128xf32, #tpu.memory_space<vmem>>) dst(%dma_wait3A_686 : memref<10240x128xf32, #tpu.memory_space<vmem_shared>>)
      %dma_start3A_687 = arith.constant 0 : i32
      %dma_start3A_688 = arith.constant 0 : i32
      %dma_start3A_689 = tpu.memref_slice %arg2[%dma_start3A_687, %dma_start3A_688] : memref<10000x128xf32, #tpu.memory_space<hbm>> -> memref<10000x128xf32, #tpu.memory_space<hbm>>
      tpu.enqueue_indirect_dma source(%dma_start3A_689 : memref<10000x128xf32, #tpu.memory_space<hbm>>) target(%arg24 : memref<80x128xf32, #tpu.memory_space<vmem>>) offsets(%arg14 : memref<80xi32, #tpu.memory_space<vmem>>) semaphore(%arg33 : memref<!tpu.dma_semaphore, #tpu.memory_space<semaphore_mem>>)
      %get3A_690 = arith.constant 0 : index
      %get3A_691 = tpu.vector_load %arg18[%get3A_690] {strides = array<i32>} : memref<80xi32, #tpu.memory_space<vmem>>, vector<16xi32>,
      %get3A_692 = arith.constant 0 : index
      %get3A_693 = tpu.vector_load %arg22[%get3A_692] {strides = array<i32>} : memref<80xf32, #tpu.memory_space<vmem>>, vector<16xf32>,
      %shift_right_arithmetic3A_694 = arith.constant 7 : i32
      %shift_right_arithmetic3A_695 = vector.broadcast %shift_right_arithmetic3A_694 : i32 to vector<16xi32>
      %shift_right_arithmetic3A_696 = arith.shrsi %get3A_691, %shift_right_arithmetic3A_695 : vector<16xi32>
      %and3A_697 = arith.constant 127 : i32
      %and3A_698 = vector.broadcast %and3A_697 : i32 to vector<16xi32>
      %and3A_699 = arith.andi %get3A_691, %and3A_698 : vector<16xi32>
      tpu.vector_store_idx %arg25[%shift_right_arithmetic3A_696, %and3A_699], %get3A_693 {add = true} : memref<80x128xf32, #tpu.memory_space<vmem>>[vector<16xi32>, vector<16xi32>], vector<16xf32>,
      %shift_right_arithmetic3A_700 = arith.constant 7 : i32
      %shift_right_arithmetic3A_701 = vector.broadcast %shift_right_arithmetic3A_700 : i32 to vector<16xi32>
      %shift_right_arithmetic3A_702 = arith.shrsi %get3A_691, %shift_right_arithmetic3A_701 : vector<16xi32>
      %and3A_703 = arith.constant 127 : i32
      %and3A_704 = vector.broadcast %and3A_703 : i32 to vector<16xi32>
      %and3A_705 = arith.andi %get3A_691, %and3A_704 : vector<16xi32>
      tpu.vector_store_idx %arg26[%shift_right_arithmetic3A_702, %and3A_705], %broadcast_in_dim3A_3 {add = true} : memref<80x128xf32, #tpu.memory_space<vmem>>[vector<16xi32>, vector<16xi32>], vector<16xf32>,
      %get3A_706 = arith.constant 16 : index
      %get3A_707 = tpu.vector_load %arg18[%get3A_706] {strides = array<i32>} : memref<80xi32, #tpu.memory_space<vmem>>, vector<16xi32>,
      %get3A_708 = arith.constant 16 : index
      %get3A_709 = tpu.vector_load %arg22[%get3A_708] {strides = array<i32>} : memref<80xf32, #tpu.memory_space<vmem>>, vector<16xf32>,
      %shift_right_arithmetic3A_710 = arith.constant 7 : i32
      %shift_right_arithmetic3A_711 = vector.broadcast %shift_right_arithmetic3A_710 : i32 to vector<16xi32>
      %shift_right_arithmetic3A_712 = arith.shrsi %get3A_707, %shift_right_arithmetic3A_711 : vector<16xi32>
      %and3A_713 = arith.constant 127 : i32
      %and3A_714 = vector.broadcast %and3A_713 : i32 to vector<16xi32>
      %and3A_715 = arith.andi %get3A_707, %and3A_714 : vector<16xi32>
      tpu.vector_store_idx %arg25[%shift_right_arithmetic3A_712, %and3A_715], %get3A_709 {add = true} : memref<80x128xf32, #tpu.memory_space<vmem>>[vector<16xi32>, vector<16xi32>], vector<16xf32>,
      %shift_right_arithmetic3A_716 = arith.constant 7 : i32
      %shift_right_arithmetic3A_717 = vector.broadcast %shift_right_arithmetic3A_716 : i32 to vector<16xi32>
      %shift_right_arithmetic3A_718 = arith.shrsi %get3A_707, %shift_right_arithmetic3A_717 : vector<16xi32>
      %and3A_719 = arith.constant 127 : i32
      %and3A_720 = vector.broadcast %and3A_719 : i32 to vector<16xi32>
      %and3A_721 = arith.andi %get3A_707, %and3A_720 : vector<16xi32>
      tpu.vector_store_idx %arg26[%shift_right_arithmetic3A_718, %and3A_721], %broadcast_in_dim3A_3 {add = true} : memref<80x128xf32, #tpu.memory_space<vmem>>[vector<16xi32>, vector<16xi32>], vector<16xf32>,
      %get3A_722 = arith.constant 32 : index
      %get3A_723 = tpu.vector_load %arg18[%get3A_722] {strides = array<i32>} : memref<80xi32, #tpu.memory_space<vmem>>, vector<16xi32>,
      %get3A_724 = arith.constant 32 : index
      %get3A_725 = tpu.vector_load %arg22[%get3A_724] {strides = array<i32>} : memref<80xf32, #tpu.memory_space<vmem>>, vector<16xf32>,
      %shift_right_arithmetic3A_726 = arith.constant 7 : i32
      %shift_right_arithmetic3A_727 = vector.broadcast %shift_right_arithmetic3A_726 : i32 to vector<16xi32>
      %shift_right_arithmetic3A_728 = arith.shrsi %get3A_723, %shift_right_arithmetic3A_727 : vector<16xi32>
      %and3A_729 = arith.constant 127 : i32
      %and3A_730 = vector.broadcast %and3A_729 : i32 to vector<16xi32>
      %and3A_731 = arith.andi %get3A_723, %and3A_730 : vector<16xi32>
      tpu.vector_store_idx %arg25[%shift_right_arithmetic3A_728, %and3A_731], %get3A_725 {add = true} : memref<80x128xf32, #tpu.memory_space<vmem>>[vector<16xi32>, vector<16xi32>], vector<16xf32>,
      %shift_right_arithmetic3A_732 = arith.constant 7 : i32
      %shift_right_arithmetic3A_733 = vector.broadcast %shift_right_arithmetic3A_732 : i32 to vector<16xi32>
      %shift_right_arithmetic3A_734 = arith.shrsi %get3A_723, %shift_right_arithmetic3A_733 : vector<16xi32>
      %and3A_735 = arith.constant 127 : i32
      %and3A_736 = vector.broadcast %and3A_735 : i32 to vector<16xi32>
      %and3A_737 = arith.andi %get3A_723, %and3A_736 : vector<16xi32>
      tpu.vector_store_idx %arg26[%shift_right_arithmetic3A_734, %and3A_737], %broadcast_in_dim3A_3 {add = true} : memref<80x128xf32, #tpu.memory_space<vmem>>[vector<16xi32>, vector<16xi32>], vector<16xf32>,
      %get3A_738 = arith.constant 48 : index
      %get3A_739 = tpu.vector_load %arg18[%get3A_738] {strides = array<i32>} : memref<80xi32, #tpu.memory_space<vmem>>, vector<16xi32>,
      %get3A_740 = arith.constant 48 : index
      %get3A_741 = tpu.vector_load %arg22[%get3A_740] {strides = array<i32>} : memref<80xf32, #tpu.memory_space<vmem>>, vector<16xf32>,
      %shift_right_arithmetic3A_742 = arith.constant 7 : i32
      %shift_right_arithmetic3A_743 = vector.broadcast %shift_right_arithmetic3A_742 : i32 to vector<16xi32>
      %shift_right_arithmetic3A_744 = arith.shrsi %get3A_739, %shift_right_arithmetic3A_743 : vector<16xi32>
      %and3A_745 = arith.constant 127 : i32
      %and3A_746 = vector.broadcast %and3A_745 : i32 to vector<16xi32>
      %and3A_747 = arith.andi %get3A_739, %and3A_746 : vector<16xi32>
      tpu.vector_store_idx %arg25[%shift_right_arithmetic3A_744, %and3A_747], %get3A_741 {add = true} : memref<80x128xf32, #tpu.memory_space<vmem>>[vector<16xi32>, vector<16xi32>], vector<16xf32>,
      %shift_right_arithmetic3A_748 = arith.constant 7 : i32
      %shift_right_arithmetic3A_749 = vector.broadcast %shift_right_arithmetic3A_748 : i32 to vector<16xi32>
      %shift_right_arithmetic3A_750 = arith.shrsi %get3A_739, %shift_right_arithmetic3A_749 : vector<16xi32>
      %and3A_751 = arith.constant 127 : i32
      %and3A_752 = vector.broadcast %and3A_751 : i32 to vector<16xi32>
      %and3A_753 = arith.andi %get3A_739, %and3A_752 : vector<16xi32>
      tpu.vector_store_idx %arg26[%shift_right_arithmetic3A_750, %and3A_753], %broadcast_in_dim3A_3 {add = true} : memref<80x128xf32, #tpu.memory_space<vmem>>[vector<16xi32>, vector<16xi32>], vector<16xf32>,
      %get3A_754 = arith.constant 64 : index
      %get3A_755 = tpu.vector_load %arg18[%get3A_754] {strides = array<i32>} : memref<80xi32, #tpu.memory_space<vmem>>, vector<16xi32>,
      %get3A_756 = arith.constant 64 : index
      %get3A_757 = tpu.vector_load %arg22[%get3A_756] {strides = array<i32>} : memref<80xf32, #tpu.memory_space<vmem>>, vector<16xf32>,
      %shift_right_arithmetic3A_758 = arith.constant 7 : i32
      %shift_right_arithmetic3A_759 = vector.broadcast %shift_right_arithmetic3A_758 : i32 to vector<16xi32>
      %shift_right_arithmetic3A_760 = arith.shrsi %get3A_755, %shift_right_arithmetic3A_759 : vector<16xi32>
      %and3A_761 = arith.constant 127 : i32
      %and3A_762 = vector.broadcast %and3A_761 : i32 to vector<16xi32>
      %and3A_763 = arith.andi %get3A_755, %and3A_762 : vector<16xi32>
      tpu.vector_store_idx %arg25[%shift_right_arithmetic3A_760, %and3A_763], %get3A_757 {add = true} : memref<80x128xf32, #tpu.memory_space<vmem>>[vector<16xi32>, vector<16xi32>], vector<16xf32>,
      %shift_right_arithmetic3A_764 = arith.constant 7 : i32
      %shift_right_arithmetic3A_765 = vector.broadcast %shift_right_arithmetic3A_764 : i32 to vector<16xi32>
      %shift_right_arithmetic3A_766 = arith.shrsi %get3A_755, %shift_right_arithmetic3A_765 : vector<16xi32>
      %and3A_767 = arith.constant 127 : i32
      %and3A_768 = vector.broadcast %and3A_767 : i32 to vector<16xi32>
      %and3A_769 = arith.andi %get3A_755, %and3A_768 : vector<16xi32>
      tpu.vector_store_idx %arg26[%shift_right_arithmetic3A_766, %and3A_769], %broadcast_in_dim3A_3 {add = true} : memref<80x128xf32, #tpu.memory_space<vmem>>[vector<16xi32>, vector<16xi32>], vector<16xf32>,
      %dma_wait3A_770 = arith.constant 0 : i32
      %dma_wait3A_771 = arith.constant 0 : i32
      %dma_wait3A_772 = tpu.memref_slice %arg2[%dma_wait3A_770, %dma_wait3A_771] : memref<10000x128xf32, #tpu.memory_space<hbm>> -> memref<10000x128xf32, #tpu.memory_space<hbm>>
      tpu.wait_indirect_dma semaphore(%arg32 : memref<!tpu.dma_semaphore, #tpu.memory_space<semaphore_mem>>) src(%dma_wait3A_772 : memref<10000x128xf32, #tpu.memory_space<hbm>>) dst(%arg23 : memref<80x128xf32, #tpu.memory_space<vmem>>)
      %dma_start3A_773 = arith.constant 0 : i32
      %dma_start3A_774 = arith.constant 0 : i32
      %dma_start3A_775 = tpu.memref_slice %arg27[%dma_start3A_773, %dma_start3A_774] : memref<10240x128xf32, #tpu.memory_space<vmem_shared>> -> memref<10240x128xf32, #tpu.memory_space<vmem_shared>>
      tpu.enqueue_indirect_dma source(%arg23 : memref<80x128xf32, #tpu.memory_space<vmem>>) target(%dma_start3A_775 : memref<10240x128xf32, #tpu.memory_space<vmem_shared>>) offsets(%arg17 : memref<80xi32, #tpu.memory_space<vmem>>) semaphore(%arg34 : memref<!tpu.dma_semaphore, #tpu.memory_space<semaphore_mem>>) {add = true}
      %add3A_776 = arith.constant 2 : i32
      %add3A_777 = arith.addi %add3A_674, %add3A_776 : i32
      %mul3A_778 = arith.constant 80 : i32
      %mul3A_779 = arith.muli %add3A_777, %mul3A_778 : i32
      %add3A_780 = arith.addi %mul3A_2, %mul3A_779 : i32
      %dma_start3A_781 = tpu.memref_slice %arg3[%add3A_780] : memref<320000xi32, #tpu.memory_space<hbm>> -> memref<80xi32, #tpu.memory_space<hbm>>
      %dma_start3A_782 = tpu.memref_slice %arg3[%add3A_780] : memref<320000xi32, #tpu.memory_space<hbm>> -> memref<80xi32, #tpu.memory_space<hbm>>
      tpu.enqueue_dma source(%dma_start3A_782 : memref<80xi32, #tpu.memory_space<hbm>>) target(%arg12 : memref<80xi32, #tpu.memory_space<vmem>>) target_semaphore(%arg29 : memref<!tpu.dma_semaphore, #tpu.memory_space<semaphore_mem>>)
      %dma_start3A_783 = tpu.memref_slice %arg4[%add3A_780] : memref<320000xi32, #tpu.memory_space<hbm>> -> memref<80xi32, #tpu.memory_space<hbm>>
      %dma_start3A_784 = tpu.memref_slice %arg4[%add3A_780] : memref<320000xi32, #tpu.memory_space<hbm>> -> memref<80xi32, #tpu.memory_space<hbm>>
      tpu.enqueue_dma source(%dma_start3A_784 : memref<80xi32, #tpu.memory_space<hbm>>) target(%arg16 : memref<80xi32, #tpu.memory_space<vmem>>) target_semaphore(%arg29 : memref<!tpu.dma_semaphore, #tpu.memory_space<semaphore_mem>>)
      %dma_start3A_785 = tpu.memref_slice %arg5[%add3A_780] : memref<320000xf32, #tpu.memory_space<hbm>> -> memref<80xf32, #tpu.memory_space<hbm>>
      %dma_start3A_786 = tpu.memref_slice %arg5[%add3A_780] : memref<320000xf32, #tpu.memory_space<hbm>> -> memref<80xf32, #tpu.memory_space<hbm>>
      tpu.enqueue_dma source(%dma_start3A_786 : memref<80xf32, #tpu.memory_space<hbm>>) target(%arg20 : memref<80xf32, #tpu.memory_space<vmem>>) target_semaphore(%arg29 : memref<!tpu.dma_semaphore, #tpu.memory_space<semaphore_mem>>)
      %add3A_787 = arith.constant 2 : i32
      %add3A_788 = arith.addi %add3A_558, %add3A_787 : i32
      %mul3A_789 = arith.constant 80 : i32
      %mul3A_790 = arith.muli %add3A_788, %mul3A_789 : i32
      %add3A_791 = arith.addi %mul3A_2, %mul3A_790 : i32
      %dma_wait3A_792 = tpu.memref_slice %arg3[%add3A_791] : memref<320000xi32, #tpu.memory_space<hbm>> -> memref<80xi32, #tpu.memory_space<hbm>>
      %dma_wait3A_793 = tpu.memref_slice %arg3[%add3A_791] : memref<320000xi32, #tpu.memory_space<hbm>> -> memref<80xi32, #tpu.memory_space<hbm>>
      tpu.wait_dma2 semaphore(%arg28 : memref<!tpu.dma_semaphore, #tpu.memory_space<semaphore_mem>>) src(%dma_wait3A_793 : memref<80xi32, #tpu.memory_space<hbm>>) dst(%arg11 : memref<80xi32, #tpu.memory_space<vmem>>)
      %dma_wait3A_794 = tpu.memref_slice %arg4[%add3A_791] : memref<320000xi32, #tpu.memory_space<hbm>> -> memref<80xi32, #tpu.memory_space<hbm>>
      %dma_wait3A_795 = tpu.memref_slice %arg4[%add3A_791] : memref<320000xi32, #tpu.memory_space<hbm>> -> memref<80xi32, #tpu.memory_space<hbm>>
      tpu.wait_dma2 semaphore(%arg28 : memref<!tpu.dma_semaphore, #tpu.memory_space<semaphore_mem>>) src(%dma_wait3A_795 : memref<80xi32, #tpu.memory_space<hbm>>) dst(%arg15 : memref<80xi32, #tpu.memory_space<vmem>>)
      %dma_wait3A_796 = tpu.memref_slice %arg5[%add3A_791] : memref<320000xf32, #tpu.memory_space<hbm>> -> memref<80xf32, #tpu.memory_space<hbm>>
      %dma_wait3A_797 = tpu.memref_slice %arg5[%add3A_791] : memref<320000xf32, #tpu.memory_space<hbm>> -> memref<80xf32, #tpu.memory_space<hbm>>
      tpu.wait_dma2 semaphore(%arg28 : memref<!tpu.dma_semaphore, #tpu.memory_space<semaphore_mem>>) src(%dma_wait3A_797 : memref<80xf32, #tpu.memory_space<hbm>>) dst(%arg19 : memref<80xf32, #tpu.memory_space<vmem>>)
      %dma_wait3A_798 = arith.constant 0 : i32
      %dma_wait3A_799 = arith.constant 0 : i32
      %dma_wait3A_800 = tpu.memref_slice %arg27[%dma_wait3A_798, %dma_wait3A_799] : memref<10240x128xf32, #tpu.memory_space<vmem_shared>> -> memref<10240x128xf32, #tpu.memory_space<vmem_shared>>
      tpu.wait_indirect_dma semaphore(%arg34 : memref<!tpu.dma_semaphore, #tpu.memory_space<semaphore_mem>>) src(%arg23 : memref<80x128xf32, #tpu.memory_space<vmem>>) dst(%dma_wait3A_800 : memref<10240x128xf32, #tpu.memory_space<vmem_shared>>)
      %dma_start3A_801 = arith.constant 0 : i32
      %dma_start3A_802 = arith.constant 0 : i32
      %dma_start3A_803 = tpu.memref_slice %arg2[%dma_start3A_801, %dma_start3A_802] : memref<10000x128xf32, #tpu.memory_space<hbm>> -> memref<10000x128xf32, #tpu.memory_space<hbm>>
      tpu.enqueue_indirect_dma source(%dma_start3A_803 : memref<10000x128xf32, #tpu.memory_space<hbm>>) target(%arg23 : memref<80x128xf32, #tpu.memory_space<vmem>>) offsets(%arg11 : memref<80xi32, #tpu.memory_space<vmem>>) semaphore(%arg32 : memref<!tpu.dma_semaphore, #tpu.memory_space<semaphore_mem>>)
      %get3A_804 = arith.constant 0 : index
      %get3A_805 = tpu.vector_load %arg15[%get3A_804] {strides = array<i32>} : memref<80xi32, #tpu.memory_space<vmem>>, vector<16xi32>,
      %get3A_806 = arith.constant 0 : index
      %get3A_807 = tpu.vector_load %arg19[%get3A_806] {strides = array<i32>} : memref<80xf32, #tpu.memory_space<vmem>>, vector<16xf32>,
      %shift_right_arithmetic3A_808 = arith.constant 7 : i32
      %shift_right_arithmetic3A_809 = vector.broadcast %shift_right_arithmetic3A_808 : i32 to vector<16xi32>
      %shift_right_arithmetic3A_810 = arith.shrsi %get3A_805, %shift_right_arithmetic3A_809 : vector<16xi32>
      %and3A_811 = arith.constant 127 : i32
      %and3A_812 = vector.broadcast %and3A_811 : i32 to vector<16xi32>
      %and3A_813 = arith.andi %get3A_805, %and3A_812 : vector<16xi32>
      tpu.vector_store_idx %arg25[%shift_right_arithmetic3A_810, %and3A_813], %get3A_807 {add = true} : memref<80x128xf32, #tpu.memory_space<vmem>>[vector<16xi32>, vector<16xi32>], vector<16xf32>,
      %shift_right_arithmetic3A_814 = arith.constant 7 : i32
      %shift_right_arithmetic3A_815 = vector.broadcast %shift_right_arithmetic3A_814 : i32 to vector<16xi32>
      %shift_right_arithmetic3A_816 = arith.shrsi %get3A_805, %shift_right_arithmetic3A_815 : vector<16xi32>
      %and3A_817 = arith.constant 127 : i32
      %and3A_818 = vector.broadcast %and3A_817 : i32 to vector<16xi32>
      %and3A_819 = arith.andi %get3A_805, %and3A_818 : vector<16xi32>
      tpu.vector_store_idx %arg26[%shift_right_arithmetic3A_816, %and3A_819], %broadcast_in_dim3A_3 {add = true} : memref<80x128xf32, #tpu.memory_space<vmem>>[vector<16xi32>, vector<16xi32>], vector<16xf32>,
      %get3A_820 = arith.constant 16 : index
      %get3A_821 = tpu.vector_load %arg15[%get3A_820] {strides = array<i32>} : memref<80xi32, #tpu.memory_space<vmem>>, vector<16xi32>,
      %get3A_822 = arith.constant 16 : index
      %get3A_823 = tpu.vector_load %arg19[%get3A_822] {strides = array<i32>} : memref<80xf32, #tpu.memory_space<vmem>>, vector<16xf32>,
      %shift_right_arithmetic3A_824 = arith.constant 7 : i32
      %shift_right_arithmetic3A_825 = vector.broadcast %shift_right_arithmetic3A_824 : i32 to vector<16xi32>
      %shift_right_arithmetic3A_826 = arith.shrsi %get3A_821, %shift_right_arithmetic3A_825 : vector<16xi32>
      %and3A_827 = arith.constant 127 : i32
      %and3A_828 = vector.broadcast %and3A_827 : i32 to vector<16xi32>
      %and3A_829 = arith.andi %get3A_821, %and3A_828 : vector<16xi32>
      tpu.vector_store_idx %arg25[%shift_right_arithmetic3A_826, %and3A_829], %get3A_823 {add = true} : memref<80x128xf32, #tpu.memory_space<vmem>>[vector<16xi32>, vector<16xi32>], vector<16xf32>,
      %shift_right_arithmetic3A_830 = arith.constant 7 : i32
      %shift_right_arithmetic3A_831 = vector.broadcast %shift_right_arithmetic3A_830 : i32 to vector<16xi32>
      %shift_right_arithmetic3A_832 = arith.shrsi %get3A_821, %shift_right_arithmetic3A_831 : vector<16xi32>
      %and3A_833 = arith.constant 127 : i32
      %and3A_834 = vector.broadcast %and3A_833 : i32 to vector<16xi32>
      %and3A_835 = arith.andi %get3A_821, %and3A_834 : vector<16xi32>
      tpu.vector_store_idx %arg26[%shift_right_arithmetic3A_832, %and3A_835], %broadcast_in_dim3A_3 {add = true} : memref<80x128xf32, #tpu.memory_space<vmem>>[vector<16xi32>, vector<16xi32>], vector<16xf32>,
      %get3A_836 = arith.constant 32 : index
      %get3A_837 = tpu.vector_load %arg15[%get3A_836] {strides = array<i32>} : memref<80xi32, #tpu.memory_space<vmem>>, vector<16xi32>,
      %get3A_838 = arith.constant 32 : index
      %get3A_839 = tpu.vector_load %arg19[%get3A_838] {strides = array<i32>} : memref<80xf32, #tpu.memory_space<vmem>>, vector<16xf32>,
      %shift_right_arithmetic3A_840 = arith.constant 7 : i32
      %shift_right_arithmetic3A_841 = vector.broadcast %shift_right_arithmetic3A_840 : i32 to vector<16xi32>
      %shift_right_arithmetic3A_842 = arith.shrsi %get3A_837, %shift_right_arithmetic3A_841 : vector<16xi32>
      %and3A_843 = arith.constant 127 : i32
      %and3A_844 = vector.broadcast %and3A_843 : i32 to vector<16xi32>
      %and3A_845 = arith.andi %get3A_837, %and3A_844 : vector<16xi32>
      tpu.vector_store_idx %arg25[%shift_right_arithmetic3A_842, %and3A_845], %get3A_839 {add = true} : memref<80x128xf32, #tpu.memory_space<vmem>>[vector<16xi32>, vector<16xi32>], vector<16xf32>,
      %shift_right_arithmetic3A_846 = arith.constant 7 : i32
      %shift_right_arithmetic3A_847 = vector.broadcast %shift_right_arithmetic3A_846 : i32 to vector<16xi32>
      %shift_right_arithmetic3A_848 = arith.shrsi %get3A_837, %shift_right_arithmetic3A_847 : vector<16xi32>
      %and3A_849 = arith.constant 127 : i32
      %and3A_850 = vector.broadcast %and3A_849 : i32 to vector<16xi32>
      %and3A_851 = arith.andi %get3A_837, %and3A_850 : vector<16xi32>
      tpu.vector_store_idx %arg26[%shift_right_arithmetic3A_848, %and3A_851], %broadcast_in_dim3A_3 {add = true} : memref<80x128xf32, #tpu.memory_space<vmem>>[vector<16xi32>, vector<16xi32>], vector<16xf32>,
      %get3A_852 = arith.constant 48 : index
      %get3A_853 = tpu.vector_load %arg15[%get3A_852] {strides = array<i32>} : memref<80xi32, #tpu.memory_space<vmem>>, vector<16xi32>,
      %get3A_854 = arith.constant 48 : index
      %get3A_855 = tpu.vector_load %arg19[%get3A_854] {strides = array<i32>} : memref<80xf32, #tpu.memory_space<vmem>>, vector<16xf32>,
      %shift_right_arithmetic3A_856 = arith.constant 7 : i32
      %shift_right_arithmetic3A_857 = vector.broadcast %shift_right_arithmetic3A_856 : i32 to vector<16xi32>
      %shift_right_arithmetic3A_858 = arith.shrsi %get3A_853, %shift_right_arithmetic3A_857 : vector<16xi32>
      %and3A_859 = arith.constant 127 : i32
      %and3A_860 = vector.broadcast %and3A_859 : i32 to vector<16xi32>
      %and3A_861 = arith.andi %get3A_853, %and3A_860 : vector<16xi32>
      tpu.vector_store_idx %arg25[%shift_right_arithmetic3A_858, %and3A_861], %get3A_855 {add = true} : memref<80x128xf32, #tpu.memory_space<vmem>>[vector<16xi32>, vector<16xi32>], vector<16xf32>,
      %shift_right_arithmetic3A_862 = arith.constant 7 : i32
      %shift_right_arithmetic3A_863 = vector.broadcast %shift_right_arithmetic3A_862 : i32 to vector<16xi32>
      %shift_right_arithmetic3A_864 = arith.shrsi %get3A_853, %shift_right_arithmetic3A_863 : vector<16xi32>
      %and3A_865 = arith.constant 127 : i32
      %and3A_866 = vector.broadcast %and3A_865 : i32 to vector<16xi32>
      %and3A_867 = arith.andi %get3A_853, %and3A_866 : vector<16xi32>
      tpu.vector_store_idx %arg26[%shift_right_arithmetic3A_864, %and3A_867], %broadcast_in_dim3A_3 {add = true} : memref<80x128xf32, #tpu.memory_space<vmem>>[vector<16xi32>, vector<16xi32>], vector<16xf32>,
      %get3A_868 = arith.constant 64 : index
      %get3A_869 = tpu.vector_load %arg15[%get3A_868] {strides = array<i32>} : memref<80xi32, #tpu.memory_space<vmem>>, vector<16xi32>,
      %get3A_870 = arith.constant 64 : index
      %get3A_871 = tpu.vector_load %arg19[%get3A_870] {strides = array<i32>} : memref<80xf32, #tpu.memory_space<vmem>>, vector<16xf32>,
      %shift_right_arithmetic3A_872 = arith.constant 7 : i32
      %shift_right_arithmetic3A_873 = vector.broadcast %shift_right_arithmetic3A_872 : i32 to vector<16xi32>
      %shift_right_arithmetic3A_874 = arith.shrsi %get3A_869, %shift_right_arithmetic3A_873 : vector<16xi32>
      %and3A_875 = arith.constant 127 : i32
      %and3A_876 = vector.broadcast %and3A_875 : i32 to vector<16xi32>
      %and3A_877 = arith.andi %get3A_869, %and3A_876 : vector<16xi32>
      tpu.vector_store_idx %arg25[%shift_right_arithmetic3A_874, %and3A_877], %get3A_871 {add = true} : memref<80x128xf32, #tpu.memory_space<vmem>>[vector<16xi32>, vector<16xi32>], vector<16xf32>,
      %shift_right_arithmetic3A_878 = arith.constant 7 : i32
      %shift_right_arithmetic3A_879 = vector.broadcast %shift_right_arithmetic3A_878 : i32 to vector<16xi32>
      %shift_right_arithmetic3A_880 = arith.shrsi %get3A_869, %shift_right_arithmetic3A_879 : vector<16xi32>
      %and3A_881 = arith.constant 127 : i32
      %and3A_882 = vector.broadcast %and3A_881 : i32 to vector<16xi32>
      %and3A_883 = arith.andi %get3A_869, %and3A_882 : vector<16xi32>
      tpu.vector_store_idx %arg26[%shift_right_arithmetic3A_880, %and3A_883], %broadcast_in_dim3A_3 {add = true} : memref<80x128xf32, #tpu.memory_space<vmem>>[vector<16xi32>, vector<16xi32>], vector<16xf32>,
      %dma_wait3A_884 = arith.constant 0 : i32
      %dma_wait3A_885 = arith.constant 0 : i32
      %dma_wait3A_886 = tpu.memref_slice %arg2[%dma_wait3A_884, %dma_wait3A_885] : memref<10000x128xf32, #tpu.memory_space<hbm>> -> memref<10000x128xf32, #tpu.memory_space<hbm>>
      tpu.wait_indirect_dma semaphore(%arg33 : memref<!tpu.dma_semaphore, #tpu.memory_space<semaphore_mem>>) src(%dma_wait3A_886 : memref<10000x128xf32, #tpu.memory_space<hbm>>) dst(%arg24 : memref<80x128xf32, #tpu.memory_space<vmem>>)
      %dma_start3A_887 = arith.constant 0 : i32
      %dma_start3A_888 = arith.constant 0 : i32
      %dma_start3A_889 = tpu.memref_slice %arg27[%dma_start3A_887, %dma_start3A_888] : memref<10240x128xf32, #tpu.memory_space<vmem_shared>> -> memref<10240x128xf32, #tpu.memory_space<vmem_shared>>
      tpu.enqueue_indirect_dma source(%arg24 : memref<80x128xf32, #tpu.memory_space<vmem>>) target(%dma_start3A_889 : memref<10240x128xf32, #tpu.memory_space<vmem_shared>>) offsets(%arg18 : memref<80xi32, #tpu.memory_space<vmem>>) semaphore(%arg35 : memref<!tpu.dma_semaphore, #tpu.memory_space<semaphore_mem>>) {add = true}
      %add3A_890 = arith.constant 2 : i32
      %add3A_891 = arith.addi %add3A_788, %add3A_890 : i32
      %mul3A_892 = arith.constant 80 : i32
      %mul3A_893 = arith.muli %add3A_891, %mul3A_892 : i32
      %add3A_894 = arith.addi %mul3A_2, %mul3A_893 : i32
      %dma_start3A_895 = tpu.memref_slice %arg3[%add3A_894] : memref<320000xi32, #tpu.memory_space<hbm>> -> memref<80xi32, #tpu.memory_space<hbm>>
      %dma_start3A_896 = tpu.memref_slice %arg3[%add3A_894] : memref<320000xi32, #tpu.memory_space<hbm>> -> memref<80xi32, #tpu.memory_space<hbm>>
      tpu.enqueue_dma source(%dma_start3A_896 : memref<80xi32, #tpu.memory_space<hbm>>) target(%arg13 : memref<80xi32, #tpu.memory_space<vmem>>) target_semaphore(%arg30 : memref<!tpu.dma_semaphore, #tpu.memory_space<semaphore_mem>>)
      %dma_start3A_897 = tpu.memref_slice %arg4[%add3A_894] : memref<320000xi32, #tpu.memory_space<hbm>> -> memref<80xi32, #tpu.memory_space<hbm>>
      %dma_start3A_898 = tpu.memref_slice %arg4[%add3A_894] : memref<320000xi32, #tpu.memory_space<hbm>> -> memref<80xi32, #tpu.memory_space<hbm>>
      tpu.enqueue_dma source(%dma_start3A_898 : memref<80xi32, #tpu.memory_space<hbm>>) target(%arg17 : memref<80xi32, #tpu.memory_space<vmem>>) target_semaphore(%arg30 : memref<!tpu.dma_semaphore, #tpu.memory_space<semaphore_mem>>)
      %dma_start3A_899 = tpu.memref_slice %arg5[%add3A_894] : memref<320000xf32, #tpu.memory_space<hbm>> -> memref<80xf32, #tpu.memory_space<hbm>>
      %dma_start3A_900 = tpu.memref_slice %arg5[%add3A_894] : memref<320000xf32, #tpu.memory_space<hbm>> -> memref<80xf32, #tpu.memory_space<hbm>>
      tpu.enqueue_dma source(%dma_start3A_900 : memref<80xf32, #tpu.memory_space<hbm>>) target(%arg21 : memref<80xf32, #tpu.memory_space<vmem>>) target_semaphore(%arg30 : memref<!tpu.dma_semaphore, #tpu.memory_space<semaphore_mem>>)
      %add3A_901 = arith.constant 3 : i32
      %add3A_902 = arith.addi %add3A_558, %add3A_901 : i32
      %mul3A_903 = arith.constant 80 : i32
      %mul3A_904 = arith.muli %add3A_902, %mul3A_903 : i32
      %add3A_905 = arith.addi %mul3A_2, %mul3A_904 : i32
      %dma_wait3A_906 = tpu.memref_slice %arg3[%add3A_905] : memref<320000xi32, #tpu.memory_space<hbm>> -> memref<80xi32, #tpu.memory_space<hbm>>
      %dma_wait3A_907 = tpu.memref_slice %arg3[%add3A_905] : memref<320000xi32, #tpu.memory_space<hbm>> -> memref<80xi32, #tpu.memory_space<hbm>>
      tpu.wait_dma2 semaphore(%arg29 : memref<!tpu.dma_semaphore, #tpu.memory_space<semaphore_mem>>) src(%dma_wait3A_907 : memref<80xi32, #tpu.memory_space<hbm>>) dst(%arg12 : memref<80xi32, #tpu.memory_space<vmem>>)
      %dma_wait3A_908 = tpu.memref_slice %arg4[%add3A_905] : memref<320000xi32, #tpu.memory_space<hbm>> -> memref<80xi32, #tpu.memory_space<hbm>>
      %dma_wait3A_909 = tpu.memref_slice %arg4[%add3A_905] : memref<320000xi32, #tpu.memory_space<hbm>> -> memref<80xi32, #tpu.memory_space<hbm>>
      tpu.wait_dma2 semaphore(%arg29 : memref<!tpu.dma_semaphore, #tpu.memory_space<semaphore_mem>>) src(%dma_wait3A_909 : memref<80xi32, #tpu.memory_space<hbm>>) dst(%arg16 : memref<80xi32, #tpu.memory_space<vmem>>)
      %dma_wait3A_910 = tpu.memref_slice %arg5[%add3A_905] : memref<320000xf32, #tpu.memory_space<hbm>> -> memref<80xf32, #tpu.memory_space<hbm>>
      %dma_wait3A_911 = tpu.memref_slice %arg5[%add3A_905] : memref<320000xf32, #tpu.memory_space<hbm>> -> memref<80xf32, #tpu.memory_space<hbm>>
      tpu.wait_dma2 semaphore(%arg29 : memref<!tpu.dma_semaphore, #tpu.memory_space<semaphore_mem>>) src(%dma_wait3A_911 : memref<80xf32, #tpu.memory_space<hbm>>) dst(%arg20 : memref<80xf32, #tpu.memory_space<vmem>>)
      %dma_wait3A_912 = arith.constant 0 : i32
      %dma_wait3A_913 = arith.constant 0 : i32
      %dma_wait3A_914 = tpu.memref_slice %arg27[%dma_wait3A_912, %dma_wait3A_913] : memref<10240x128xf32, #tpu.memory_space<vmem_shared>> -> memref<10240x128xf32, #tpu.memory_space<vmem_shared>>
      tpu.wait_indirect_dma semaphore(%arg35 : memref<!tpu.dma_semaphore, #tpu.memory_space<semaphore_mem>>) src(%arg24 : memref<80x128xf32, #tpu.memory_space<vmem>>) dst(%dma_wait3A_914 : memref<10240x128xf32, #tpu.memory_space<vmem_shared>>)
      %dma_start3A_915 = arith.constant 0 : i32
      %dma_start3A_916 = arith.constant 0 : i32
      %dma_start3A_917 = tpu.memref_slice %arg2[%dma_start3A_915, %dma_start3A_916] : memref<10000x128xf32, #tpu.memory_space<hbm>> -> memref<10000x128xf32, #tpu.memory_space<hbm>>
      tpu.enqueue_indirect_dma source(%dma_start3A_917 : memref<10000x128xf32, #tpu.memory_space<hbm>>) target(%arg24 : memref<80x128xf32, #tpu.memory_space<vmem>>) offsets(%arg12 : memref<80xi32, #tpu.memory_space<vmem>>) semaphore(%arg33 : memref<!tpu.dma_semaphore, #tpu.memory_space<semaphore_mem>>)
      %get3A_918 = arith.constant 0 : index
      %get3A_919 = tpu.vector_load %arg16[%get3A_918] {strides = array<i32>} : memref<80xi32, #tpu.memory_space<vmem>>, vector<16xi32>,
      %get3A_920 = arith.constant 0 : index
      %get3A_921 = tpu.vector_load %arg20[%get3A_920] {strides = array<i32>} : memref<80xf32, #tpu.memory_space<vmem>>, vector<16xf32>,
      %shift_right_arithmetic3A_922 = arith.constant 7 : i32
      %shift_right_arithmetic3A_923 = vector.broadcast %shift_right_arithmetic3A_922 : i32 to vector<16xi32>
      %shift_right_arithmetic3A_924 = arith.shrsi %get3A_919, %shift_right_arithmetic3A_923 : vector<16xi32>
      %and3A_925 = arith.constant 127 : i32
      %and3A_926 = vector.broadcast %and3A_925 : i32 to vector<16xi32>
      %and3A_927 = arith.andi %get3A_919, %and3A_926 : vector<16xi32>
      tpu.vector_store_idx %arg25[%shift_right_arithmetic3A_924, %and3A_927], %get3A_921 {add = true} : memref<80x128xf32, #tpu.memory_space<vmem>>[vector<16xi32>, vector<16xi32>], vector<16xf32>,
      %shift_right_arithmetic3A_928 = arith.constant 7 : i32
      %shift_right_arithmetic3A_929 = vector.broadcast %shift_right_arithmetic3A_928 : i32 to vector<16xi32>
      %shift_right_arithmetic3A_930 = arith.shrsi %get3A_919, %shift_right_arithmetic3A_929 : vector<16xi32>
      %and3A_931 = arith.constant 127 : i32
      %and3A_932 = vector.broadcast %and3A_931 : i32 to vector<16xi32>
      %and3A_933 = arith.andi %get3A_919, %and3A_932 : vector<16xi32>
      tpu.vector_store_idx %arg26[%shift_right_arithmetic3A_930, %and3A_933], %broadcast_in_dim3A_3 {add = true} : memref<80x128xf32, #tpu.memory_space<vmem>>[vector<16xi32>, vector<16xi32>], vector<16xf32>,
      %get3A_934 = arith.constant 16 : index
      %get3A_935 = tpu.vector_load %arg16[%get3A_934] {strides = array<i32>} : memref<80xi32, #tpu.memory_space<vmem>>, vector<16xi32>,
      %get3A_936 = arith.constant 16 : index
      %get3A_937 = tpu.vector_load %arg20[%get3A_936] {strides = array<i32>} : memref<80xf32, #tpu.memory_space<vmem>>, vector<16xf32>,
      %shift_right_arithmetic3A_938 = arith.constant 7 : i32
      %shift_right_arithmetic3A_939 = vector.broadcast %shift_right_arithmetic3A_938 : i32 to vector<16xi32>
      %shift_right_arithmetic3A_940 = arith.shrsi %get3A_935, %shift_right_arithmetic3A_939 : vector<16xi32>
      %and3A_941 = arith.constant 127 : i32
      %and3A_942 = vector.broadcast %and3A_941 : i32 to vector<16xi32>
      %and3A_943 = arith.andi %get3A_935, %and3A_942 : vector<16xi32>
      tpu.vector_store_idx %arg25[%shift_right_arithmetic3A_940, %and3A_943], %get3A_937 {add = true} : memref<80x128xf32, #tpu.memory_space<vmem>>[vector<16xi32>, vector<16xi32>], vector<16xf32>,
      %shift_right_arithmetic3A_944 = arith.constant 7 : i32
      %shift_right_arithmetic3A_945 = vector.broadcast %shift_right_arithmetic3A_944 : i32 to vector<16xi32>
      %shift_right_arithmetic3A_946 = arith.shrsi %get3A_935, %shift_right_arithmetic3A_945 : vector<16xi32>
      %and3A_947 = arith.constant 127 : i32
      %and3A_948 = vector.broadcast %and3A_947 : i32 to vector<16xi32>
      %and3A_949 = arith.andi %get3A_935, %and3A_948 : vector<16xi32>
      tpu.vector_store_idx %arg26[%shift_right_arithmetic3A_946, %and3A_949], %broadcast_in_dim3A_3 {add = true} : memref<80x128xf32, #tpu.memory_space<vmem>>[vector<16xi32>, vector<16xi32>], vector<16xf32>,
      %get3A_950 = arith.constant 32 : index
      %get3A_951 = tpu.vector_load %arg16[%get3A_950] {strides = array<i32>} : memref<80xi32, #tpu.memory_space<vmem>>, vector<16xi32>,
      %get3A_952 = arith.constant 32 : index
      %get3A_953 = tpu.vector_load %arg20[%get3A_952] {strides = array<i32>} : memref<80xf32, #tpu.memory_space<vmem>>, vector<16xf32>,
      %shift_right_arithmetic3A_954 = arith.constant 7 : i32
      %shift_right_arithmetic3A_955 = vector.broadcast %shift_right_arithmetic3A_954 : i32 to vector<16xi32>
      %shift_right_arithmetic3A_956 = arith.shrsi %get3A_951, %shift_right_arithmetic3A_955 : vector<16xi32>
      %and3A_957 = arith.constant 127 : i32
      %and3A_958 = vector.broadcast %and3A_957 : i32 to vector<16xi32>
      %and3A_959 = arith.andi %get3A_951, %and3A_958 : vector<16xi32>
      tpu.vector_store_idx %arg25[%shift_right_arithmetic3A_956, %and3A_959], %get3A_953 {add = true} : memref<80x128xf32, #tpu.memory_space<vmem>>[vector<16xi32>, vector<16xi32>], vector<16xf32>,
      %shift_right_arithmetic3A_960 = arith.constant 7 : i32
      %shift_right_arithmetic3A_961 = vector.broadcast %shift_right_arithmetic3A_960 : i32 to vector<16xi32>
      %shift_right_arithmetic3A_962 = arith.shrsi %get3A_951, %shift_right_arithmetic3A_961 : vector<16xi32>
      %and3A_963 = arith.constant 127 : i32
      %and3A_964 = vector.broadcast %and3A_963 : i32 to vector<16xi32>
      %and3A_965 = arith.andi %get3A_951, %and3A_964 : vector<16xi32>
      tpu.vector_store_idx %arg26[%shift_right_arithmetic3A_962, %and3A_965], %broadcast_in_dim3A_3 {add = true} : memref<80x128xf32, #tpu.memory_space<vmem>>[vector<16xi32>, vector<16xi32>], vector<16xf32>,
      %get3A_966 = arith.constant 48 : index
      %get3A_967 = tpu.vector_load %arg16[%get3A_966] {strides = array<i32>} : memref<80xi32, #tpu.memory_space<vmem>>, vector<16xi32>,
      %get3A_968 = arith.constant 48 : index
      %get3A_969 = tpu.vector_load %arg20[%get3A_968] {strides = array<i32>} : memref<80xf32, #tpu.memory_space<vmem>>, vector<16xf32>,
      %shift_right_arithmetic3A_970 = arith.constant 7 : i32
      %shift_right_arithmetic3A_971 = vector.broadcast %shift_right_arithmetic3A_970 : i32 to vector<16xi32>
      %shift_right_arithmetic3A_972 = arith.shrsi %get3A_967, %shift_right_arithmetic3A_971 : vector<16xi32>
      %and3A_973 = arith.constant 127 : i32
      %and3A_974 = vector.broadcast %and3A_973 : i32 to vector<16xi32>
      %and3A_975 = arith.andi %get3A_967, %and3A_974 : vector<16xi32>
      tpu.vector_store_idx %arg25[%shift_right_arithmetic3A_972, %and3A_975], %get3A_969 {add = true} : memref<80x128xf32, #tpu.memory_space<vmem>>[vector<16xi32>, vector<16xi32>], vector<16xf32>,
      %shift_right_arithmetic3A_976 = arith.constant 7 : i32
      %shift_right_arithmetic3A_977 = vector.broadcast %shift_right_arithmetic3A_976 : i32 to vector<16xi32>
      %shift_right_arithmetic3A_978 = arith.shrsi %get3A_967, %shift_right_arithmetic3A_977 : vector<16xi32>
      %and3A_979 = arith.constant 127 : i32
      %and3A_980 = vector.broadcast %and3A_979 : i32 to vector<16xi32>
      %and3A_981 = arith.andi %get3A_967, %and3A_980 : vector<16xi32>
      tpu.vector_store_idx %arg26[%shift_right_arithmetic3A_978, %and3A_981], %broadcast_in_dim3A_3 {add = true} : memref<80x128xf32, #tpu.memory_space<vmem>>[vector<16xi32>, vector<16xi32>], vector<16xf32>,
      %get3A_982 = arith.constant 64 : index
      %get3A_983 = tpu.vector_load %arg16[%get3A_982] {strides = array<i32>} : memref<80xi32, #tpu.memory_space<vmem>>, vector<16xi32>,
      %get3A_984 = arith.constant 64 : index
      %get3A_985 = tpu.vector_load %arg20[%get3A_984] {strides = array<i32>} : memref<80xf32, #tpu.memory_space<vmem>>, vector<16xf32>,
      %shift_right_arithmetic3A_986 = arith.constant 7 : i32
      %shift_right_arithmetic3A_987 = vector.broadcast %shift_right_arithmetic3A_986 : i32 to vector<16xi32>
      %shift_right_arithmetic3A_988 = arith.shrsi %get3A_983, %shift_right_arithmetic3A_987 : vector<16xi32>
      %and3A_989 = arith.constant 127 : i32
      %and3A_990 = vector.broadcast %and3A_989 : i32 to vector<16xi32>
      %and3A_991 = arith.andi %get3A_983, %and3A_990 : vector<16xi32>
      tpu.vector_store_idx %arg25[%shift_right_arithmetic3A_988, %and3A_991], %get3A_985 {add = true} : memref<80x128xf32, #tpu.memory_space<vmem>>[vector<16xi32>, vector<16xi32>], vector<16xf32>,
      %shift_right_arithmetic3A_992 = arith.constant 7 : i32
      %shift_right_arithmetic3A_993 = vector.broadcast %shift_right_arithmetic3A_992 : i32 to vector<16xi32>
      %shift_right_arithmetic3A_994 = arith.shrsi %get3A_983, %shift_right_arithmetic3A_993 : vector<16xi32>
      %and3A_995 = arith.constant 127 : i32
      %and3A_996 = vector.broadcast %and3A_995 : i32 to vector<16xi32>
      %and3A_997 = arith.andi %get3A_983, %and3A_996 : vector<16xi32>
      tpu.vector_store_idx %arg26[%shift_right_arithmetic3A_994, %and3A_997], %broadcast_in_dim3A_3 {add = true} : memref<80x128xf32, #tpu.memory_space<vmem>>[vector<16xi32>, vector<16xi32>], vector<16xf32>,
      %dma_wait3A_998 = arith.constant 0 : i32
      %dma_wait3A_999 = arith.constant 0 : i32
      %dma_wait3A_1000 = tpu.memref_slice %arg2[%dma_wait3A_998, %dma_wait3A_999] : memref<10000x128xf32, #tpu.memory_space<hbm>> -> memref<10000x128xf32, #tpu.memory_space<hbm>>
      tpu.wait_indirect_dma semaphore(%arg32 : memref<!tpu.dma_semaphore, #tpu.memory_space<semaphore_mem>>) src(%dma_wait3A_1000 : memref<10000x128xf32, #tpu.memory_space<hbm>>) dst(%arg23 : memref<80x128xf32, #tpu.memory_space<vmem>>)
      %dma_start3A_1001 = arith.constant 0 : i32
      %dma_start3A_1002 = arith.constant 0 : i32
      %dma_start3A_1003 = tpu.memref_slice %arg27[%dma_start3A_1001, %dma_start3A_1002] : memref<10240x128xf32, #tpu.memory_space<vmem_shared>> -> memref<10240x128xf32, #tpu.memory_space<vmem_shared>>
      tpu.enqueue_indirect_dma source(%arg23 : memref<80x128xf32, #tpu.memory_space<vmem>>) target(%dma_start3A_1003 : memref<10240x128xf32, #tpu.memory_space<vmem_shared>>) offsets(%arg15 : memref<80xi32, #tpu.memory_space<vmem>>) semaphore(%arg34 : memref<!tpu.dma_semaphore, #tpu.memory_space<semaphore_mem>>) {add = true}
      %add3A_1004 = arith.constant 2 : i32
      %add3A_1005 = arith.addi %add3A_902, %add3A_1004 : i32
      %mul3A_1006 = arith.constant 80 : i32
      %mul3A_1007 = arith.muli %add3A_1005, %mul3A_1006 : i32
      %add3A_1008 = arith.addi %mul3A_2, %mul3A_1007 : i32
      %dma_start3A_1009 = tpu.memref_slice %arg3[%add3A_1008] : memref<320000xi32, #tpu.memory_space<hbm>> -> memref<80xi32, #tpu.memory_space<hbm>>
      %dma_start3A_1010 = tpu.memref_slice %arg3[%add3A_1008] : memref<320000xi32, #tpu.memory_space<hbm>> -> memref<80xi32, #tpu.memory_space<hbm>>
      tpu.enqueue_dma source(%dma_start3A_1010 : memref<80xi32, #tpu.memory_space<hbm>>) target(%arg14 : memref<80xi32, #tpu.memory_space<vmem>>) target_semaphore(%arg31 : memref<!tpu.dma_semaphore, #tpu.memory_space<semaphore_mem>>)
      %dma_start3A_1011 = tpu.memref_slice %arg4[%add3A_1008] : memref<320000xi32, #tpu.memory_space<hbm>> -> memref<80xi32, #tpu.memory_space<hbm>>
      %dma_start3A_1012 = tpu.memref_slice %arg4[%add3A_1008] : memref<320000xi32, #tpu.memory_space<hbm>> -> memref<80xi32, #tpu.memory_space<hbm>>
      tpu.enqueue_dma source(%dma_start3A_1012 : memref<80xi32, #tpu.memory_space<hbm>>) target(%arg18 : memref<80xi32, #tpu.memory_space<vmem>>) target_semaphore(%arg31 : memref<!tpu.dma_semaphore, #tpu.memory_space<semaphore_mem>>)
      %dma_start3A_1013 = tpu.memref_slice %arg5[%add3A_1008] : memref<320000xf32, #tpu.memory_space<hbm>> -> memref<80xf32, #tpu.memory_space<hbm>>
      %dma_start3A_1014 = tpu.memref_slice %arg5[%add3A_1008] : memref<320000xf32, #tpu.memory_space<hbm>> -> memref<80xf32, #tpu.memory_space<hbm>>
      tpu.enqueue_dma source(%dma_start3A_1014 : memref<80xf32, #tpu.memory_space<hbm>>) target(%arg22 : memref<80xf32, #tpu.memory_space<vmem>>) target_semaphore(%arg31 : memref<!tpu.dma_semaphore, #tpu.memory_space<semaphore_mem>>)
    }
    %scan3A_224 = arith.constant 30 : i32
    %add3A_225 = arith.constant 9760 : i32
    %add3A_226 = arith.addi %mul3A_2, %add3A_225 : i32
    %dma_wait3A_227 = tpu.memref_slice %arg3[%add3A_226] : memref<320000xi32, #tpu.memory_space<hbm>> -> memref<80xi32, #tpu.memory_space<hbm>>
    %dma_wait3A_228 = tpu.memref_slice %arg3[%add3A_226] : memref<320000xi32, #tpu.memory_space<hbm>> -> memref<80xi32, #tpu.memory_space<hbm>>
    tpu.wait_dma2 semaphore(%arg30 : memref<!tpu.dma_semaphore, #tpu.memory_space<semaphore_mem>>) src(%dma_wait3A_228 : memref<80xi32, #tpu.memory_space<hbm>>) dst(%arg13 : memref<80xi32, #tpu.memory_space<vmem>>)
    %dma_wait3A_229 = tpu.memref_slice %arg4[%add3A_226] : memref<320000xi32, #tpu.memory_space<hbm>> -> memref<80xi32, #tpu.memory_space<hbm>>
    %dma_wait3A_230 = tpu.memref_slice %arg4[%add3A_226] : memref<320000xi32, #tpu.memory_space<hbm>> -> memref<80xi32, #tpu.memory_space<hbm>>
    tpu.wait_dma2 semaphore(%arg30 : memref<!tpu.dma_semaphore, #tpu.memory_space<semaphore_mem>>) src(%dma_wait3A_230 : memref<80xi32, #tpu.memory_space<hbm>>) dst(%arg17 : memref<80xi32, #tpu.memory_space<vmem>>)
    %dma_wait3A_231 = tpu.memref_slice %arg5[%add3A_226] : memref<320000xf32, #tpu.memory_space<hbm>> -> memref<80xf32, #tpu.memory_space<hbm>>
    %dma_wait3A_232 = tpu.memref_slice %arg5[%add3A_226] : memref<320000xf32, #tpu.memory_space<hbm>> -> memref<80xf32, #tpu.memory_space<hbm>>
    tpu.wait_dma2 semaphore(%arg30 : memref<!tpu.dma_semaphore, #tpu.memory_space<semaphore_mem>>) src(%dma_wait3A_232 : memref<80xf32, #tpu.memory_space<hbm>>) dst(%arg21 : memref<80xf32, #tpu.memory_space<vmem>>)
    %dma_wait3A_233 = arith.constant 0 : i32
    %dma_wait3A_234 = arith.constant 0 : i32
    %dma_wait3A_235 = tpu.memref_slice %arg27[%dma_wait3A_233, %dma_wait3A_234] : memref<10240x128xf32, #tpu.memory_space<vmem_shared>> -> memref<10240x128xf32, #tpu.memory_space<vmem_shared>>
    tpu.wait_indirect_dma semaphore(%arg34 : memref<!tpu.dma_semaphore, #tpu.memory_space<semaphore_mem>>) src(%arg23 : memref<80x128xf32, #tpu.memory_space<vmem>>) dst(%dma_wait3A_235 : memref<10240x128xf32, #tpu.memory_space<vmem_shared>>)
    %dma_start3A_236 = arith.constant 0 : i32
    %dma_start3A_237 = arith.constant 0 : i32
    %dma_start3A_238 = tpu.memref_slice %arg2[%dma_start3A_236, %dma_start3A_237] : memref<10000x128xf32, #tpu.memory_space<hbm>> -> memref<10000x128xf32, #tpu.memory_space<hbm>>
    tpu.enqueue_indirect_dma source(%dma_start3A_238 : memref<10000x128xf32, #tpu.memory_space<hbm>>) target(%arg23 : memref<80x128xf32, #tpu.memory_space<vmem>>) offsets(%arg13 : memref<80xi32, #tpu.memory_space<vmem>>) semaphore(%arg32 : memref<!tpu.dma_semaphore, #tpu.memory_space<semaphore_mem>>)
    %get3A_239 = arith.constant 0 : index
    %get3A_240 = tpu.vector_load %arg17[%get3A_239] {strides = array<i32>} : memref<80xi32, #tpu.memory_space<vmem>>, vector<16xi32>,
    %get3A_241 = arith.constant 0 : index
    %get3A_242 = tpu.vector_load %arg21[%get3A_241] {strides = array<i32>} : memref<80xf32, #tpu.memory_space<vmem>>, vector<16xf32>,
    %shift_right_arithmetic3A_243 = arith.constant 7 : i32
    %shift_right_arithmetic3A_244 = vector.broadcast %shift_right_arithmetic3A_243 : i32 to vector<16xi32>
    %shift_right_arithmetic3A_245 = arith.shrsi %get3A_240, %shift_right_arithmetic3A_244 : vector<16xi32>
    %and3A_246 = arith.constant 127 : i32
    %and3A_247 = vector.broadcast %and3A_246 : i32 to vector<16xi32>
    %and3A_248 = arith.andi %get3A_240, %and3A_247 : vector<16xi32>
    tpu.vector_store_idx %arg25[%shift_right_arithmetic3A_245, %and3A_248], %get3A_242 {add = true} : memref<80x128xf32, #tpu.memory_space<vmem>>[vector<16xi32>, vector<16xi32>], vector<16xf32>,
    %shift_right_arithmetic3A_249 = arith.constant 7 : i32
    %shift_right_arithmetic3A_250 = vector.broadcast %shift_right_arithmetic3A_249 : i32 to vector<16xi32>
    %shift_right_arithmetic3A_251 = arith.shrsi %get3A_240, %shift_right_arithmetic3A_250 : vector<16xi32>
    %and3A_252 = arith.constant 127 : i32
    %and3A_253 = vector.broadcast %and3A_252 : i32 to vector<16xi32>
    %and3A_254 = arith.andi %get3A_240, %and3A_253 : vector<16xi32>
    tpu.vector_store_idx %arg26[%shift_right_arithmetic3A_251, %and3A_254], %broadcast_in_dim3A_3 {add = true} : memref<80x128xf32, #tpu.memory_space<vmem>>[vector<16xi32>, vector<16xi32>], vector<16xf32>,
    %get3A_255 = arith.constant 16 : index
    %get3A_256 = tpu.vector_load %arg17[%get3A_255] {strides = array<i32>} : memref<80xi32, #tpu.memory_space<vmem>>, vector<16xi32>,
    %get3A_257 = arith.constant 16 : index
    %get3A_258 = tpu.vector_load %arg21[%get3A_257] {strides = array<i32>} : memref<80xf32, #tpu.memory_space<vmem>>, vector<16xf32>,
    %shift_right_arithmetic3A_259 = arith.constant 7 : i32
    %shift_right_arithmetic3A_260 = vector.broadcast %shift_right_arithmetic3A_259 : i32 to vector<16xi32>
    %shift_right_arithmetic3A_261 = arith.shrsi %get3A_256, %shift_right_arithmetic3A_260 : vector<16xi32>
    %and3A_262 = arith.constant 127 : i32
    %and3A_263 = vector.broadcast %and3A_262 : i32 to vector<16xi32>
    %and3A_264 = arith.andi %get3A_256, %and3A_263 : vector<16xi32>
    tpu.vector_store_idx %arg25[%shift_right_arithmetic3A_261, %and3A_264], %get3A_258 {add = true} : memref<80x128xf32, #tpu.memory_space<vmem>>[vector<16xi32>, vector<16xi32>], vector<16xf32>,
    %shift_right_arithmetic3A_265 = arith.constant 7 : i32
    %shift_right_arithmetic3A_266 = vector.broadcast %shift_right_arithmetic3A_265 : i32 to vector<16xi32>
    %shift_right_arithmetic3A_267 = arith.shrsi %get3A_256, %shift_right_arithmetic3A_266 : vector<16xi32>
    %and3A_268 = arith.constant 127 : i32
    %and3A_269 = vector.broadcast %and3A_268 : i32 to vector<16xi32>
    %and3A_270 = arith.andi %get3A_256, %and3A_269 : vector<16xi32>
    tpu.vector_store_idx %arg26[%shift_right_arithmetic3A_267, %and3A_270], %broadcast_in_dim3A_3 {add = true} : memref<80x128xf32, #tpu.memory_space<vmem>>[vector<16xi32>, vector<16xi32>], vector<16xf32>,
    %get3A_271 = arith.constant 32 : index
    %get3A_272 = tpu.vector_load %arg17[%get3A_271] {strides = array<i32>} : memref<80xi32, #tpu.memory_space<vmem>>, vector<16xi32>,
    %get3A_273 = arith.constant 32 : index
    %get3A_274 = tpu.vector_load %arg21[%get3A_273] {strides = array<i32>} : memref<80xf32, #tpu.memory_space<vmem>>, vector<16xf32>,
    %shift_right_arithmetic3A_275 = arith.constant 7 : i32
    %shift_right_arithmetic3A_276 = vector.broadcast %shift_right_arithmetic3A_275 : i32 to vector<16xi32>
    %shift_right_arithmetic3A_277 = arith.shrsi %get3A_272, %shift_right_arithmetic3A_276 : vector<16xi32>
    %and3A_278 = arith.constant 127 : i32
    %and3A_279 = vector.broadcast %and3A_278 : i32 to vector<16xi32>
    %and3A_280 = arith.andi %get3A_272, %and3A_279 : vector<16xi32>
    tpu.vector_store_idx %arg25[%shift_right_arithmetic3A_277, %and3A_280], %get3A_274 {add = true} : memref<80x128xf32, #tpu.memory_space<vmem>>[vector<16xi32>, vector<16xi32>], vector<16xf32>,
    %shift_right_arithmetic3A_281 = arith.constant 7 : i32
    %shift_right_arithmetic3A_282 = vector.broadcast %shift_right_arithmetic3A_281 : i32 to vector<16xi32>
    %shift_right_arithmetic3A_283 = arith.shrsi %get3A_272, %shift_right_arithmetic3A_282 : vector<16xi32>
    %and3A_284 = arith.constant 127 : i32
    %and3A_285 = vector.broadcast %and3A_284 : i32 to vector<16xi32>
    %and3A_286 = arith.andi %get3A_272, %and3A_285 : vector<16xi32>
    tpu.vector_store_idx %arg26[%shift_right_arithmetic3A_283, %and3A_286], %broadcast_in_dim3A_3 {add = true} : memref<80x128xf32, #tpu.memory_space<vmem>>[vector<16xi32>, vector<16xi32>], vector<16xf32>,
    %get3A_287 = arith.constant 48 : index
    %get3A_288 = tpu.vector_load %arg17[%get3A_287] {strides = array<i32>} : memref<80xi32, #tpu.memory_space<vmem>>, vector<16xi32>,
    %get3A_289 = arith.constant 48 : index
    %get3A_290 = tpu.vector_load %arg21[%get3A_289] {strides = array<i32>} : memref<80xf32, #tpu.memory_space<vmem>>, vector<16xf32>,
    %shift_right_arithmetic3A_291 = arith.constant 7 : i32
    %shift_right_arithmetic3A_292 = vector.broadcast %shift_right_arithmetic3A_291 : i32 to vector<16xi32>
    %shift_right_arithmetic3A_293 = arith.shrsi %get3A_288, %shift_right_arithmetic3A_292 : vector<16xi32>
    %and3A_294 = arith.constant 127 : i32
    %and3A_295 = vector.broadcast %and3A_294 : i32 to vector<16xi32>
    %and3A_296 = arith.andi %get3A_288, %and3A_295 : vector<16xi32>
    tpu.vector_store_idx %arg25[%shift_right_arithmetic3A_293, %and3A_296], %get3A_290 {add = true} : memref<80x128xf32, #tpu.memory_space<vmem>>[vector<16xi32>, vector<16xi32>], vector<16xf32>,
    %shift_right_arithmetic3A_297 = arith.constant 7 : i32
    %shift_right_arithmetic3A_298 = vector.broadcast %shift_right_arithmetic3A_297 : i32 to vector<16xi32>
    %shift_right_arithmetic3A_299 = arith.shrsi %get3A_288, %shift_right_arithmetic3A_298 : vector<16xi32>
    %and3A_300 = arith.constant 127 : i32
    %and3A_301 = vector.broadcast %and3A_300 : i32 to vector<16xi32>
    %and3A_302 = arith.andi %get3A_288, %and3A_301 : vector<16xi32>
    tpu.vector_store_idx %arg26[%shift_right_arithmetic3A_299, %and3A_302], %broadcast_in_dim3A_3 {add = true} : memref<80x128xf32, #tpu.memory_space<vmem>>[vector<16xi32>, vector<16xi32>], vector<16xf32>,
    %get3A_303 = arith.constant 64 : index
    %get3A_304 = tpu.vector_load %arg17[%get3A_303] {strides = array<i32>} : memref<80xi32, #tpu.memory_space<vmem>>, vector<16xi32>,
    %get3A_305 = arith.constant 64 : index
    %get3A_306 = tpu.vector_load %arg21[%get3A_305] {strides = array<i32>} : memref<80xf32, #tpu.memory_space<vmem>>, vector<16xf32>,
    %shift_right_arithmetic3A_307 = arith.constant 7 : i32
    %shift_right_arithmetic3A_308 = vector.broadcast %shift_right_arithmetic3A_307 : i32 to vector<16xi32>
    %shift_right_arithmetic3A_309 = arith.shrsi %get3A_304, %shift_right_arithmetic3A_308 : vector<16xi32>
    %and3A_310 = arith.constant 127 : i32
    %and3A_311 = vector.broadcast %and3A_310 : i32 to vector<16xi32>
    %and3A_312 = arith.andi %get3A_304, %and3A_311 : vector<16xi32>
    tpu.vector_store_idx %arg25[%shift_right_arithmetic3A_309, %and3A_312], %get3A_306 {add = true} : memref<80x128xf32, #tpu.memory_space<vmem>>[vector<16xi32>, vector<16xi32>], vector<16xf32>,
    %shift_right_arithmetic3A_313 = arith.constant 7 : i32
    %shift_right_arithmetic3A_314 = vector.broadcast %shift_right_arithmetic3A_313 : i32 to vector<16xi32>
    %shift_right_arithmetic3A_315 = arith.shrsi %get3A_304, %shift_right_arithmetic3A_314 : vector<16xi32>
    %and3A_316 = arith.constant 127 : i32
    %and3A_317 = vector.broadcast %and3A_316 : i32 to vector<16xi32>
    %and3A_318 = arith.andi %get3A_304, %and3A_317 : vector<16xi32>
    tpu.vector_store_idx %arg26[%shift_right_arithmetic3A_315, %and3A_318], %broadcast_in_dim3A_3 {add = true} : memref<80x128xf32, #tpu.memory_space<vmem>>[vector<16xi32>, vector<16xi32>], vector<16xf32>,
    %dma_wait3A_319 = arith.constant 0 : i32
    %dma_wait3A_320 = arith.constant 0 : i32
    %dma_wait3A_321 = tpu.memref_slice %arg2[%dma_wait3A_319, %dma_wait3A_320] : memref<10000x128xf32, #tpu.memory_space<hbm>> -> memref<10000x128xf32, #tpu.memory_space<hbm>>
    tpu.wait_indirect_dma semaphore(%arg33 : memref<!tpu.dma_semaphore, #tpu.memory_space<semaphore_mem>>) src(%dma_wait3A_321 : memref<10000x128xf32, #tpu.memory_space<hbm>>) dst(%arg24 : memref<80x128xf32, #tpu.memory_space<vmem>>)
    %dma_start3A_322 = arith.constant 0 : i32
    %dma_start3A_323 = arith.constant 0 : i32
    %dma_start3A_324 = tpu.memref_slice %arg27[%dma_start3A_322, %dma_start3A_323] : memref<10240x128xf32, #tpu.memory_space<vmem_shared>> -> memref<10240x128xf32, #tpu.memory_space<vmem_shared>>
    tpu.enqueue_indirect_dma source(%arg24 : memref<80x128xf32, #tpu.memory_space<vmem>>) target(%dma_start3A_324 : memref<10240x128xf32, #tpu.memory_space<vmem_shared>>) offsets(%arg16 : memref<80xi32, #tpu.memory_space<vmem>>) semaphore(%arg35 : memref<!tpu.dma_semaphore, #tpu.memory_space<semaphore_mem>>) {add = true}
    %add3A_325 = arith.constant 9920 : i32
    %add3A_326 = arith.addi %mul3A_2, %add3A_325 : i32
    %dma_start3A_327 = tpu.memref_slice %arg3[%add3A_326] : memref<320000xi32, #tpu.memory_space<hbm>> -> memref<80xi32, #tpu.memory_space<hbm>>
    %dma_start3A_328 = tpu.memref_slice %arg3[%add3A_326] : memref<320000xi32, #tpu.memory_space<hbm>> -> memref<80xi32, #tpu.memory_space<hbm>>
    tpu.enqueue_dma source(%dma_start3A_328 : memref<80xi32, #tpu.memory_space<hbm>>) target(%arg11 : memref<80xi32, #tpu.memory_space<vmem>>) target_semaphore(%arg28 : memref<!tpu.dma_semaphore, #tpu.memory_space<semaphore_mem>>)
    %dma_start3A_329 = tpu.memref_slice %arg4[%add3A_326] : memref<320000xi32, #tpu.memory_space<hbm>> -> memref<80xi32, #tpu.memory_space<hbm>>
    %dma_start3A_330 = tpu.memref_slice %arg4[%add3A_326] : memref<320000xi32, #tpu.memory_space<hbm>> -> memref<80xi32, #tpu.memory_space<hbm>>
    tpu.enqueue_dma source(%dma_start3A_330 : memref<80xi32, #tpu.memory_space<hbm>>) target(%arg15 : memref<80xi32, #tpu.memory_space<vmem>>) target_semaphore(%arg28 : memref<!tpu.dma_semaphore, #tpu.memory_space<semaphore_mem>>)
    %dma_start3A_331 = tpu.memref_slice %arg5[%add3A_326] : memref<320000xf32, #tpu.memory_space<hbm>> -> memref<80xf32, #tpu.memory_space<hbm>>
    %dma_start3A_332 = tpu.memref_slice %arg5[%add3A_326] : memref<320000xf32, #tpu.memory_space<hbm>> -> memref<80xf32, #tpu.memory_space<hbm>>
    tpu.enqueue_dma source(%dma_start3A_332 : memref<80xf32, #tpu.memory_space<hbm>>) target(%arg19 : memref<80xf32, #tpu.memory_space<vmem>>) target_semaphore(%arg28 : memref<!tpu.dma_semaphore, #tpu.memory_space<semaphore_mem>>)
    %add3A_333 = arith.constant 9840 : i32
    %add3A_334 = arith.addi %mul3A_2, %add3A_333 : i32
    %dma_wait3A_335 = tpu.memref_slice %arg3[%add3A_334] : memref<320000xi32, #tpu.memory_space<hbm>> -> memref<80xi32, #tpu.memory_space<hbm>>
    %dma_wait3A_336 = tpu.memref_slice %arg3[%add3A_334] : memref<320000xi32, #tpu.memory_space<hbm>> -> memref<80xi32, #tpu.memory_space<hbm>>
    tpu.wait_dma2 semaphore(%arg31 : memref<!tpu.dma_semaphore, #tpu.memory_space<semaphore_mem>>) src(%dma_wait3A_336 : memref<80xi32, #tpu.memory_space<hbm>>) dst(%arg14 : memref<80xi32, #tpu.memory_space<vmem>>)
    %dma_wait3A_337 = tpu.memref_slice %arg4[%add3A_334] : memref<320000xi32, #tpu.memory_space<hbm>> -> memref<80xi32, #tpu.memory_space<hbm>>
    %dma_wait3A_338 = tpu.memref_slice %arg4[%add3A_334] : memref<320000xi32, #tpu.memory_space<hbm>> -> memref<80xi32, #tpu.memory_space<hbm>>
    tpu.wait_dma2 semaphore(%arg31 : memref<!tpu.dma_semaphore, #tpu.memory_space<semaphore_mem>>) src(%dma_wait3A_338 : memref<80xi32, #tpu.memory_space<hbm>>) dst(%arg18 : memref<80xi32, #tpu.memory_space<vmem>>)
    %dma_wait3A_339 = tpu.memref_slice %arg5[%add3A_334] : memref<320000xf32, #tpu.memory_space<hbm>> -> memref<80xf32, #tpu.memory_space<hbm>>
    %dma_wait3A_340 = tpu.memref_slice %arg5[%add3A_334] : memref<320000xf32, #tpu.memory_space<hbm>> -> memref<80xf32, #tpu.memory_space<hbm>>
    tpu.wait_dma2 semaphore(%arg31 : memref<!tpu.dma_semaphore, #tpu.memory_space<semaphore_mem>>) src(%dma_wait3A_340 : memref<80xf32, #tpu.memory_space<hbm>>) dst(%arg22 : memref<80xf32, #tpu.memory_space<vmem>>)
    %dma_wait3A_341 = arith.constant 0 : i32
    %dma_wait3A_342 = arith.constant 0 : i32
    %dma_wait3A_343 = tpu.memref_slice %arg27[%dma_wait3A_341, %dma_wait3A_342] : memref<10240x128xf32, #tpu.memory_space<vmem_shared>> -> memref<10240x128xf32, #tpu.memory_space<vmem_shared>>
    tpu.wait_indirect_dma semaphore(%arg35 : memref<!tpu.dma_semaphore, #tpu.memory_space<semaphore_mem>>) src(%arg24 : memref<80x128xf32, #tpu.memory_space<vmem>>) dst(%dma_wait3A_343 : memref<10240x128xf32, #tpu.memory_space<vmem_shared>>)
    %dma_start3A_344 = arith.constant 0 : i32
    %dma_start3A_345 = arith.constant 0 : i32
    %dma_start3A_346 = tpu.memref_slice %arg2[%dma_start3A_344, %dma_start3A_345] : memref<10000x128xf32, #tpu.memory_space<hbm>> -> memref<10000x128xf32, #tpu.memory_space<hbm>>
    tpu.enqueue_indirect_dma source(%dma_start3A_346 : memref<10000x128xf32, #tpu.memory_space<hbm>>) target(%arg24 : memref<80x128xf32, #tpu.memory_space<vmem>>) offsets(%arg14 : memref<80xi32, #tpu.memory_space<vmem>>) semaphore(%arg33 : memref<!tpu.dma_semaphore, #tpu.memory_space<semaphore_mem>>)
    %get3A_347 = arith.constant 0 : index
    %get3A_348 = tpu.vector_load %arg18[%get3A_347] {strides = array<i32>} : memref<80xi32, #tpu.memory_space<vmem>>, vector<16xi32>,
    %get3A_349 = arith.constant 0 : index
    %get3A_350 = tpu.vector_load %arg22[%get3A_349] {strides = array<i32>} : memref<80xf32, #tpu.memory_space<vmem>>, vector<16xf32>,
    %shift_right_arithmetic3A_351 = arith.constant 7 : i32
    %shift_right_arithmetic3A_352 = vector.broadcast %shift_right_arithmetic3A_351 : i32 to vector<16xi32>
    %shift_right_arithmetic3A_353 = arith.shrsi %get3A_348, %shift_right_arithmetic3A_352 : vector<16xi32>
    %and3A_354 = arith.constant 127 : i32
    %and3A_355 = vector.broadcast %and3A_354 : i32 to vector<16xi32>
    %and3A_356 = arith.andi %get3A_348, %and3A_355 : vector<16xi32>
    tpu.vector_store_idx %arg25[%shift_right_arithmetic3A_353, %and3A_356], %get3A_350 {add = true} : memref<80x128xf32, #tpu.memory_space<vmem>>[vector<16xi32>, vector<16xi32>], vector<16xf32>,
    %shift_right_arithmetic3A_357 = arith.constant 7 : i32
    %shift_right_arithmetic3A_358 = vector.broadcast %shift_right_arithmetic3A_357 : i32 to vector<16xi32>
    %shift_right_arithmetic3A_359 = arith.shrsi %get3A_348, %shift_right_arithmetic3A_358 : vector<16xi32>
    %and3A_360 = arith.constant 127 : i32
    %and3A_361 = vector.broadcast %and3A_360 : i32 to vector<16xi32>
    %and3A_362 = arith.andi %get3A_348, %and3A_361 : vector<16xi32>
    tpu.vector_store_idx %arg26[%shift_right_arithmetic3A_359, %and3A_362], %broadcast_in_dim3A_3 {add = true} : memref<80x128xf32, #tpu.memory_space<vmem>>[vector<16xi32>, vector<16xi32>], vector<16xf32>,
    %get3A_363 = arith.constant 16 : index
    %get3A_364 = tpu.vector_load %arg18[%get3A_363] {strides = array<i32>} : memref<80xi32, #tpu.memory_space<vmem>>, vector<16xi32>,
    %get3A_365 = arith.constant 16 : index
    %get3A_366 = tpu.vector_load %arg22[%get3A_365] {strides = array<i32>} : memref<80xf32, #tpu.memory_space<vmem>>, vector<16xf32>,
    %shift_right_arithmetic3A_367 = arith.constant 7 : i32
    %shift_right_arithmetic3A_368 = vector.broadcast %shift_right_arithmetic3A_367 : i32 to vector<16xi32>
    %shift_right_arithmetic3A_369 = arith.shrsi %get3A_364, %shift_right_arithmetic3A_368 : vector<16xi32>
    %and3A_370 = arith.constant 127 : i32
    %and3A_371 = vector.broadcast %and3A_370 : i32 to vector<16xi32>
    %and3A_372 = arith.andi %get3A_364, %and3A_371 : vector<16xi32>
    tpu.vector_store_idx %arg25[%shift_right_arithmetic3A_369, %and3A_372], %get3A_366 {add = true} : memref<80x128xf32, #tpu.memory_space<vmem>>[vector<16xi32>, vector<16xi32>], vector<16xf32>,
    %shift_right_arithmetic3A_373 = arith.constant 7 : i32
    %shift_right_arithmetic3A_374 = vector.broadcast %shift_right_arithmetic3A_373 : i32 to vector<16xi32>
    %shift_right_arithmetic3A_375 = arith.shrsi %get3A_364, %shift_right_arithmetic3A_374 : vector<16xi32>
    %and3A_376 = arith.constant 127 : i32
    %and3A_377 = vector.broadcast %and3A_376 : i32 to vector<16xi32>
    %and3A_378 = arith.andi %get3A_364, %and3A_377 : vector<16xi32>
    tpu.vector_store_idx %arg26[%shift_right_arithmetic3A_375, %and3A_378], %broadcast_in_dim3A_3 {add = true} : memref<80x128xf32, #tpu.memory_space<vmem>>[vector<16xi32>, vector<16xi32>], vector<16xf32>,
    %get3A_379 = arith.constant 32 : index
    %get3A_380 = tpu.vector_load %arg18[%get3A_379] {strides = array<i32>} : memref<80xi32, #tpu.memory_space<vmem>>, vector<16xi32>,
    %get3A_381 = arith.constant 32 : index
    %get3A_382 = tpu.vector_load %arg22[%get3A_381] {strides = array<i32>} : memref<80xf32, #tpu.memory_space<vmem>>, vector<16xf32>,
    %shift_right_arithmetic3A_383 = arith.constant 7 : i32
    %shift_right_arithmetic3A_384 = vector.broadcast %shift_right_arithmetic3A_383 : i32 to vector<16xi32>
    %shift_right_arithmetic3A_385 = arith.shrsi %get3A_380, %shift_right_arithmetic3A_384 : vector<16xi32>
    %and3A_386 = arith.constant 127 : i32
    %and3A_387 = vector.broadcast %and3A_386 : i32 to vector<16xi32>
    %and3A_388 = arith.andi %get3A_380, %and3A_387 : vector<16xi32>
    tpu.vector_store_idx %arg25[%shift_right_arithmetic3A_385, %and3A_388], %get3A_382 {add = true} : memref<80x128xf32, #tpu.memory_space<vmem>>[vector<16xi32>, vector<16xi32>], vector<16xf32>,
    %shift_right_arithmetic3A_389 = arith.constant 7 : i32
    %shift_right_arithmetic3A_390 = vector.broadcast %shift_right_arithmetic3A_389 : i32 to vector<16xi32>
    %shift_right_arithmetic3A_391 = arith.shrsi %get3A_380, %shift_right_arithmetic3A_390 : vector<16xi32>
    %and3A_392 = arith.constant 127 : i32
    %and3A_393 = vector.broadcast %and3A_392 : i32 to vector<16xi32>
    %and3A_394 = arith.andi %get3A_380, %and3A_393 : vector<16xi32>
    tpu.vector_store_idx %arg26[%shift_right_arithmetic3A_391, %and3A_394], %broadcast_in_dim3A_3 {add = true} : memref<80x128xf32, #tpu.memory_space<vmem>>[vector<16xi32>, vector<16xi32>], vector<16xf32>,
    %get3A_395 = arith.constant 48 : index
    %get3A_396 = tpu.vector_load %arg18[%get3A_395] {strides = array<i32>} : memref<80xi32, #tpu.memory_space<vmem>>, vector<16xi32>,
    %get3A_397 = arith.constant 48 : index
    %get3A_398 = tpu.vector_load %arg22[%get3A_397] {strides = array<i32>} : memref<80xf32, #tpu.memory_space<vmem>>, vector<16xf32>,
    %shift_right_arithmetic3A_399 = arith.constant 7 : i32
    %shift_right_arithmetic3A_400 = vector.broadcast %shift_right_arithmetic3A_399 : i32 to vector<16xi32>
    %shift_right_arithmetic3A_401 = arith.shrsi %get3A_396, %shift_right_arithmetic3A_400 : vector<16xi32>
    %and3A_402 = arith.constant 127 : i32
    %and3A_403 = vector.broadcast %and3A_402 : i32 to vector<16xi32>
    %and3A_404 = arith.andi %get3A_396, %and3A_403 : vector<16xi32>
    tpu.vector_store_idx %arg25[%shift_right_arithmetic3A_401, %and3A_404], %get3A_398 {add = true} : memref<80x128xf32, #tpu.memory_space<vmem>>[vector<16xi32>, vector<16xi32>], vector<16xf32>,
    %shift_right_arithmetic3A_405 = arith.constant 7 : i32
    %shift_right_arithmetic3A_406 = vector.broadcast %shift_right_arithmetic3A_405 : i32 to vector<16xi32>
    %shift_right_arithmetic3A_407 = arith.shrsi %get3A_396, %shift_right_arithmetic3A_406 : vector<16xi32>
    %and3A_408 = arith.constant 127 : i32
    %and3A_409 = vector.broadcast %and3A_408 : i32 to vector<16xi32>
    %and3A_410 = arith.andi %get3A_396, %and3A_409 : vector<16xi32>
    tpu.vector_store_idx %arg26[%shift_right_arithmetic3A_407, %and3A_410], %broadcast_in_dim3A_3 {add = true} : memref<80x128xf32, #tpu.memory_space<vmem>>[vector<16xi32>, vector<16xi32>], vector<16xf32>,
    %get3A_411 = arith.constant 64 : index
    %get3A_412 = tpu.vector_load %arg18[%get3A_411] {strides = array<i32>} : memref<80xi32, #tpu.memory_space<vmem>>, vector<16xi32>,
    %get3A_413 = arith.constant 64 : index
    %get3A_414 = tpu.vector_load %arg22[%get3A_413] {strides = array<i32>} : memref<80xf32, #tpu.memory_space<vmem>>, vector<16xf32>,
    %shift_right_arithmetic3A_415 = arith.constant 7 : i32
    %shift_right_arithmetic3A_416 = vector.broadcast %shift_right_arithmetic3A_415 : i32 to vector<16xi32>
    %shift_right_arithmetic3A_417 = arith.shrsi %get3A_412, %shift_right_arithmetic3A_416 : vector<16xi32>
    %and3A_418 = arith.constant 127 : i32
    %and3A_419 = vector.broadcast %and3A_418 : i32 to vector<16xi32>
    %and3A_420 = arith.andi %get3A_412, %and3A_419 : vector<16xi32>
    tpu.vector_store_idx %arg25[%shift_right_arithmetic3A_417, %and3A_420], %get3A_414 {add = true} : memref<80x128xf32, #tpu.memory_space<vmem>>[vector<16xi32>, vector<16xi32>], vector<16xf32>,
    %shift_right_arithmetic3A_421 = arith.constant 7 : i32
    %shift_right_arithmetic3A_422 = vector.broadcast %shift_right_arithmetic3A_421 : i32 to vector<16xi32>
    %shift_right_arithmetic3A_423 = arith.shrsi %get3A_412, %shift_right_arithmetic3A_422 : vector<16xi32>
    %and3A_424 = arith.constant 127 : i32
    %and3A_425 = vector.broadcast %and3A_424 : i32 to vector<16xi32>
    %and3A_426 = arith.andi %get3A_412, %and3A_425 : vector<16xi32>
    tpu.vector_store_idx %arg26[%shift_right_arithmetic3A_423, %and3A_426], %broadcast_in_dim3A_3 {add = true} : memref<80x128xf32, #tpu.memory_space<vmem>>[vector<16xi32>, vector<16xi32>], vector<16xf32>,
    %dma_wait3A_427 = arith.constant 0 : i32
    %dma_wait3A_428 = arith.constant 0 : i32
    %dma_wait3A_429 = tpu.memref_slice %arg2[%dma_wait3A_427, %dma_wait3A_428] : memref<10000x128xf32, #tpu.memory_space<hbm>> -> memref<10000x128xf32, #tpu.memory_space<hbm>>
    tpu.wait_indirect_dma semaphore(%arg32 : memref<!tpu.dma_semaphore, #tpu.memory_space<semaphore_mem>>) src(%dma_wait3A_429 : memref<10000x128xf32, #tpu.memory_space<hbm>>) dst(%arg23 : memref<80x128xf32, #tpu.memory_space<vmem>>)
    %dma_start3A_430 = arith.constant 0 : i32
    %dma_start3A_431 = arith.constant 0 : i32
    %dma_start3A_432 = tpu.memref_slice %arg27[%dma_start3A_430, %dma_start3A_431] : memref<10240x128xf32, #tpu.memory_space<vmem_shared>> -> memref<10240x128xf32, #tpu.memory_space<vmem_shared>>
    tpu.enqueue_indirect_dma source(%arg23 : memref<80x128xf32, #tpu.memory_space<vmem>>) target(%dma_start3A_432 : memref<10240x128xf32, #tpu.memory_space<vmem_shared>>) offsets(%arg17 : memref<80xi32, #tpu.memory_space<vmem>>) semaphore(%arg34 : memref<!tpu.dma_semaphore, #tpu.memory_space<semaphore_mem>>) {add = true}
    %add3A_433 = arith.constant 9920 : i32
    %add3A_434 = arith.addi %mul3A_2, %add3A_433 : i32
    %dma_wait3A_435 = tpu.memref_slice %arg3[%add3A_434] : memref<320000xi32, #tpu.memory_space<hbm>> -> memref<80xi32, #tpu.memory_space<hbm>>
    %dma_wait3A_436 = tpu.memref_slice %arg3[%add3A_434] : memref<320000xi32, #tpu.memory_space<hbm>> -> memref<80xi32, #tpu.memory_space<hbm>>
    tpu.wait_dma2 semaphore(%arg28 : memref<!tpu.dma_semaphore, #tpu.memory_space<semaphore_mem>>) src(%dma_wait3A_436 : memref<80xi32, #tpu.memory_space<hbm>>) dst(%arg11 : memref<80xi32, #tpu.memory_space<vmem>>)
    %dma_wait3A_437 = tpu.memref_slice %arg4[%add3A_434] : memref<320000xi32, #tpu.memory_space<hbm>> -> memref<80xi32, #tpu.memory_space<hbm>>
    %dma_wait3A_438 = tpu.memref_slice %arg4[%add3A_434] : memref<320000xi32, #tpu.memory_space<hbm>> -> memref<80xi32, #tpu.memory_space<hbm>>
    tpu.wait_dma2 semaphore(%arg28 : memref<!tpu.dma_semaphore, #tpu.memory_space<semaphore_mem>>) src(%dma_wait3A_438 : memref<80xi32, #tpu.memory_space<hbm>>) dst(%arg15 : memref<80xi32, #tpu.memory_space<vmem>>)
    %dma_wait3A_439 = tpu.memref_slice %arg5[%add3A_434] : memref<320000xf32, #tpu.memory_space<hbm>> -> memref<80xf32, #tpu.memory_space<hbm>>
    %dma_wait3A_440 = tpu.memref_slice %arg5[%add3A_434] : memref<320000xf32, #tpu.memory_space<hbm>> -> memref<80xf32, #tpu.memory_space<hbm>>
    tpu.wait_dma2 semaphore(%arg28 : memref<!tpu.dma_semaphore, #tpu.memory_space<semaphore_mem>>) src(%dma_wait3A_440 : memref<80xf32, #tpu.memory_space<hbm>>) dst(%arg19 : memref<80xf32, #tpu.memory_space<vmem>>)
    %dma_wait3A_441 = arith.constant 0 : i32
    %dma_wait3A_442 = arith.constant 0 : i32
    %dma_wait3A_443 = tpu.memref_slice %arg27[%dma_wait3A_441, %dma_wait3A_442] : memref<10240x128xf32, #tpu.memory_space<vmem_shared>> -> memref<10240x128xf32, #tpu.memory_space<vmem_shared>>
    tpu.wait_indirect_dma semaphore(%arg34 : memref<!tpu.dma_semaphore, #tpu.memory_space<semaphore_mem>>) src(%arg23 : memref<80x128xf32, #tpu.memory_space<vmem>>) dst(%dma_wait3A_443 : memref<10240x128xf32, #tpu.memory_space<vmem_shared>>)
    %dma_start3A_444 = arith.constant 0 : i32
    %dma_start3A_445 = arith.constant 0 : i32
    %dma_start3A_446 = tpu.memref_slice %arg2[%dma_start3A_444, %dma_start3A_445] : memref<10000x128xf32, #tpu.memory_space<hbm>> -> memref<10000x128xf32, #tpu.memory_space<hbm>>
    tpu.enqueue_indirect_dma source(%dma_start3A_446 : memref<10000x128xf32, #tpu.memory_space<hbm>>) target(%arg23 : memref<80x128xf32, #tpu.memory_space<vmem>>) offsets(%arg11 : memref<80xi32, #tpu.memory_space<vmem>>) semaphore(%arg32 : memref<!tpu.dma_semaphore, #tpu.memory_space<semaphore_mem>>)
    %get3A_447 = arith.constant 0 : index
    %get3A_448 = tpu.vector_load %arg15[%get3A_447] {strides = array<i32>} : memref<80xi32, #tpu.memory_space<vmem>>, vector<16xi32>,
    %get3A_449 = arith.constant 0 : index
    %get3A_450 = tpu.vector_load %arg19[%get3A_449] {strides = array<i32>} : memref<80xf32, #tpu.memory_space<vmem>>, vector<16xf32>,
    %shift_right_arithmetic3A_451 = arith.constant 7 : i32
    %shift_right_arithmetic3A_452 = vector.broadcast %shift_right_arithmetic3A_451 : i32 to vector<16xi32>
    %shift_right_arithmetic3A_453 = arith.shrsi %get3A_448, %shift_right_arithmetic3A_452 : vector<16xi32>
    %and3A_454 = arith.constant 127 : i32
    %and3A_455 = vector.broadcast %and3A_454 : i32 to vector<16xi32>
    %and3A_456 = arith.andi %get3A_448, %and3A_455 : vector<16xi32>
    tpu.vector_store_idx %arg25[%shift_right_arithmetic3A_453, %and3A_456], %get3A_450 {add = true} : memref<80x128xf32, #tpu.memory_space<vmem>>[vector<16xi32>, vector<16xi32>], vector<16xf32>,
    %shift_right_arithmetic3A_457 = arith.constant 7 : i32
    %shift_right_arithmetic3A_458 = vector.broadcast %shift_right_arithmetic3A_457 : i32 to vector<16xi32>
    %shift_right_arithmetic3A_459 = arith.shrsi %get3A_448, %shift_right_arithmetic3A_458 : vector<16xi32>
    %and3A_460 = arith.constant 127 : i32
    %and3A_461 = vector.broadcast %and3A_460 : i32 to vector<16xi32>
    %and3A_462 = arith.andi %get3A_448, %and3A_461 : vector<16xi32>
    tpu.vector_store_idx %arg26[%shift_right_arithmetic3A_459, %and3A_462], %broadcast_in_dim3A_3 {add = true} : memref<80x128xf32, #tpu.memory_space<vmem>>[vector<16xi32>, vector<16xi32>], vector<16xf32>,
    %get3A_463 = arith.constant 16 : index
    %get3A_464 = tpu.vector_load %arg15[%get3A_463] {strides = array<i32>} : memref<80xi32, #tpu.memory_space<vmem>>, vector<16xi32>,
    %get3A_465 = arith.constant 16 : index
    %get3A_466 = tpu.vector_load %arg19[%get3A_465] {strides = array<i32>} : memref<80xf32, #tpu.memory_space<vmem>>, vector<16xf32>,
    %shift_right_arithmetic3A_467 = arith.constant 7 : i32
    %shift_right_arithmetic3A_468 = vector.broadcast %shift_right_arithmetic3A_467 : i32 to vector<16xi32>
    %shift_right_arithmetic3A_469 = arith.shrsi %get3A_464, %shift_right_arithmetic3A_468 : vector<16xi32>
    %and3A_470 = arith.constant 127 : i32
    %and3A_471 = vector.broadcast %and3A_470 : i32 to vector<16xi32>
    %and3A_472 = arith.andi %get3A_464, %and3A_471 : vector<16xi32>
    tpu.vector_store_idx %arg25[%shift_right_arithmetic3A_469, %and3A_472], %get3A_466 {add = true} : memref<80x128xf32, #tpu.memory_space<vmem>>[vector<16xi32>, vector<16xi32>], vector<16xf32>,
    %shift_right_arithmetic3A_473 = arith.constant 7 : i32
    %shift_right_arithmetic3A_474 = vector.broadcast %shift_right_arithmetic3A_473 : i32 to vector<16xi32>
    %shift_right_arithmetic3A_475 = arith.shrsi %get3A_464, %shift_right_arithmetic3A_474 : vector<16xi32>
    %and3A_476 = arith.constant 127 : i32
    %and3A_477 = vector.broadcast %and3A_476 : i32 to vector<16xi32>
    %and3A_478 = arith.andi %get3A_464, %and3A_477 : vector<16xi32>
    tpu.vector_store_idx %arg26[%shift_right_arithmetic3A_475, %and3A_478], %broadcast_in_dim3A_3 {add = true} : memref<80x128xf32, #tpu.memory_space<vmem>>[vector<16xi32>, vector<16xi32>], vector<16xf32>,
    %get3A_479 = arith.constant 32 : index
    %get3A_480 = tpu.vector_load %arg15[%get3A_479] {strides = array<i32>} : memref<80xi32, #tpu.memory_space<vmem>>, vector<16xi32>,
    %get3A_481 = arith.constant 32 : index
    %get3A_482 = tpu.vector_load %arg19[%get3A_481] {strides = array<i32>} : memref<80xf32, #tpu.memory_space<vmem>>, vector<16xf32>,
    %shift_right_arithmetic3A_483 = arith.constant 7 : i32
    %shift_right_arithmetic3A_484 = vector.broadcast %shift_right_arithmetic3A_483 : i32 to vector<16xi32>
    %shift_right_arithmetic3A_485 = arith.shrsi %get3A_480, %shift_right_arithmetic3A_484 : vector<16xi32>
    %and3A_486 = arith.constant 127 : i32
    %and3A_487 = vector.broadcast %and3A_486 : i32 to vector<16xi32>
    %and3A_488 = arith.andi %get3A_480, %and3A_487 : vector<16xi32>
    tpu.vector_store_idx %arg25[%shift_right_arithmetic3A_485, %and3A_488], %get3A_482 {add = true} : memref<80x128xf32, #tpu.memory_space<vmem>>[vector<16xi32>, vector<16xi32>], vector<16xf32>,
    %shift_right_arithmetic3A_489 = arith.constant 7 : i32
    %shift_right_arithmetic3A_490 = vector.broadcast %shift_right_arithmetic3A_489 : i32 to vector<16xi32>
    %shift_right_arithmetic3A_491 = arith.shrsi %get3A_480, %shift_right_arithmetic3A_490 : vector<16xi32>
    %and3A_492 = arith.constant 127 : i32
    %and3A_493 = vector.broadcast %and3A_492 : i32 to vector<16xi32>
    %and3A_494 = arith.andi %get3A_480, %and3A_493 : vector<16xi32>
    tpu.vector_store_idx %arg26[%shift_right_arithmetic3A_491, %and3A_494], %broadcast_in_dim3A_3 {add = true} : memref<80x128xf32, #tpu.memory_space<vmem>>[vector<16xi32>, vector<16xi32>], vector<16xf32>,
    %get3A_495 = arith.constant 48 : index
    %get3A_496 = tpu.vector_load %arg15[%get3A_495] {strides = array<i32>} : memref<80xi32, #tpu.memory_space<vmem>>, vector<16xi32>,
    %get3A_497 = arith.constant 48 : index
    %get3A_498 = tpu.vector_load %arg19[%get3A_497] {strides = array<i32>} : memref<80xf32, #tpu.memory_space<vmem>>, vector<16xf32>,
    %shift_right_arithmetic3A_499 = arith.constant 7 : i32
    %shift_right_arithmetic3A_500 = vector.broadcast %shift_right_arithmetic3A_499 : i32 to vector<16xi32>
    %shift_right_arithmetic3A_501 = arith.shrsi %get3A_496, %shift_right_arithmetic3A_500 : vector<16xi32>
    %and3A_502 = arith.constant 127 : i32
    %and3A_503 = vector.broadcast %and3A_502 : i32 to vector<16xi32>
    %and3A_504 = arith.andi %get3A_496, %and3A_503 : vector<16xi32>
    tpu.vector_store_idx %arg25[%shift_right_arithmetic3A_501, %and3A_504], %get3A_498 {add = true} : memref<80x128xf32, #tpu.memory_space<vmem>>[vector<16xi32>, vector<16xi32>], vector<16xf32>,
    %shift_right_arithmetic3A_505 = arith.constant 7 : i32
    %shift_right_arithmetic3A_506 = vector.broadcast %shift_right_arithmetic3A_505 : i32 to vector<16xi32>
    %shift_right_arithmetic3A_507 = arith.shrsi %get3A_496, %shift_right_arithmetic3A_506 : vector<16xi32>
    %and3A_508 = arith.constant 127 : i32
    %and3A_509 = vector.broadcast %and3A_508 : i32 to vector<16xi32>
    %and3A_510 = arith.andi %get3A_496, %and3A_509 : vector<16xi32>
    tpu.vector_store_idx %arg26[%shift_right_arithmetic3A_507, %and3A_510], %broadcast_in_dim3A_3 {add = true} : memref<80x128xf32, #tpu.memory_space<vmem>>[vector<16xi32>, vector<16xi32>], vector<16xf32>,
    %get3A_511 = arith.constant 64 : index
    %get3A_512 = tpu.vector_load %arg15[%get3A_511] {strides = array<i32>} : memref<80xi32, #tpu.memory_space<vmem>>, vector<16xi32>,
    %get3A_513 = arith.constant 64 : index
    %get3A_514 = tpu.vector_load %arg19[%get3A_513] {strides = array<i32>} : memref<80xf32, #tpu.memory_space<vmem>>, vector<16xf32>,
    %shift_right_arithmetic3A_515 = arith.constant 7 : i32
    %shift_right_arithmetic3A_516 = vector.broadcast %shift_right_arithmetic3A_515 : i32 to vector<16xi32>
    %shift_right_arithmetic3A_517 = arith.shrsi %get3A_512, %shift_right_arithmetic3A_516 : vector<16xi32>
    %and3A_518 = arith.constant 127 : i32
    %and3A_519 = vector.broadcast %and3A_518 : i32 to vector<16xi32>
    %and3A_520 = arith.andi %get3A_512, %and3A_519 : vector<16xi32>
    tpu.vector_store_idx %arg25[%shift_right_arithmetic3A_517, %and3A_520], %get3A_514 {add = true} : memref<80x128xf32, #tpu.memory_space<vmem>>[vector<16xi32>, vector<16xi32>], vector<16xf32>,
    %shift_right_arithmetic3A_521 = arith.constant 7 : i32
    %shift_right_arithmetic3A_522 = vector.broadcast %shift_right_arithmetic3A_521 : i32 to vector<16xi32>
    %shift_right_arithmetic3A_523 = arith.shrsi %get3A_512, %shift_right_arithmetic3A_522 : vector<16xi32>
    %and3A_524 = arith.constant 127 : i32
    %and3A_525 = vector.broadcast %and3A_524 : i32 to vector<16xi32>
    %and3A_526 = arith.andi %get3A_512, %and3A_525 : vector<16xi32>
    tpu.vector_store_idx %arg26[%shift_right_arithmetic3A_523, %and3A_526], %broadcast_in_dim3A_3 {add = true} : memref<80x128xf32, #tpu.memory_space<vmem>>[vector<16xi32>, vector<16xi32>], vector<16xf32>,
    %dma_wait3A_527 = arith.constant 0 : i32
    %dma_wait3A_528 = arith.constant 0 : i32
    %dma_wait3A_529 = tpu.memref_slice %arg2[%dma_wait3A_527, %dma_wait3A_528] : memref<10000x128xf32, #tpu.memory_space<hbm>> -> memref<10000x128xf32, #tpu.memory_space<hbm>>
    tpu.wait_indirect_dma semaphore(%arg33 : memref<!tpu.dma_semaphore, #tpu.memory_space<semaphore_mem>>) src(%dma_wait3A_529 : memref<10000x128xf32, #tpu.memory_space<hbm>>) dst(%arg24 : memref<80x128xf32, #tpu.memory_space<vmem>>)
    %dma_start3A_530 = arith.constant 0 : i32
    %dma_start3A_531 = arith.constant 0 : i32
    %dma_start3A_532 = tpu.memref_slice %arg27[%dma_start3A_530, %dma_start3A_531] : memref<10240x128xf32, #tpu.memory_space<vmem_shared>> -> memref<10240x128xf32, #tpu.memory_space<vmem_shared>>
    tpu.enqueue_indirect_dma source(%arg24 : memref<80x128xf32, #tpu.memory_space<vmem>>) target(%dma_start3A_532 : memref<10240x128xf32, #tpu.memory_space<vmem_shared>>) offsets(%arg18 : memref<80xi32, #tpu.memory_space<vmem>>) semaphore(%arg35 : memref<!tpu.dma_semaphore, #tpu.memory_space<semaphore_mem>>) {add = true}
    %dma_wait3A_533 = arith.constant 0 : i32
    %dma_wait3A_534 = arith.constant 0 : i32
    %dma_wait3A_535 = tpu.memref_slice %arg2[%dma_wait3A_533, %dma_wait3A_534] : memref<10000x128xf32, #tpu.memory_space<hbm>> -> memref<10000x128xf32, #tpu.memory_space<hbm>>
    tpu.wait_indirect_dma semaphore(%arg32 : memref<!tpu.dma_semaphore, #tpu.memory_space<semaphore_mem>>) src(%dma_wait3A_535 : memref<10000x128xf32, #tpu.memory_space<hbm>>) dst(%arg23 : memref<80x128xf32, #tpu.memory_space<vmem>>)
    %dma_start3A_536 = arith.constant 0 : i32
    %dma_start3A_537 = arith.constant 0 : i32
    %dma_start3A_538 = tpu.memref_slice %arg27[%dma_start3A_536, %dma_start3A_537] : memref<10240x128xf32, #tpu.memory_space<vmem_shared>> -> memref<10240x128xf32, #tpu.memory_space<vmem_shared>>
    tpu.enqueue_indirect_dma source(%arg23 : memref<80x128xf32, #tpu.memory_space<vmem>>) target(%dma_start3A_538 : memref<10240x128xf32, #tpu.memory_space<vmem_shared>>) offsets(%arg15 : memref<80xi32, #tpu.memory_space<vmem>>) semaphore(%arg34 : memref<!tpu.dma_semaphore, #tpu.memory_space<semaphore_mem>>) {add = true}
    %dma_wait3A_539 = arith.constant 0 : i32
    %dma_wait3A_540 = arith.constant 0 : i32
    %dma_wait3A_541 = tpu.memref_slice %arg27[%dma_wait3A_539, %dma_wait3A_540] : memref<10240x128xf32, #tpu.memory_space<vmem_shared>> -> memref<10240x128xf32, #tpu.memory_space<vmem_shared>>
    tpu.wait_indirect_dma semaphore(%arg35 : memref<!tpu.dma_semaphore, #tpu.memory_space<semaphore_mem>>) src(%arg24 : memref<80x128xf32, #tpu.memory_space<vmem>>) dst(%dma_wait3A_541 : memref<10240x128xf32, #tpu.memory_space<vmem_shared>>)
    %dma_wait3A_542 = arith.constant 0 : i32
    %dma_wait3A_543 = arith.constant 0 : i32
    %dma_wait3A_544 = tpu.memref_slice %arg27[%dma_wait3A_542, %dma_wait3A_543] : memref<10240x128xf32, #tpu.memory_space<vmem_shared>> -> memref<10240x128xf32, #tpu.memory_space<vmem_shared>>
    tpu.wait_indirect_dma semaphore(%arg34 : memref<!tpu.dma_semaphore, #tpu.memory_space<semaphore_mem>>) src(%arg23 : memref<80x128xf32, #tpu.memory_space<vmem>>) dst(%dma_wait3A_544 : memref<10240x128xf32, #tpu.memory_space<vmem_shared>>)
    "tpu.region"() ({
      %run_scoped3A = tpu.sem_alloc : memref<!tpu.dma_semaphore, #tpu.memory_space<semaphore_mem>>
      %dma_start3A_550 = arith.constant 0 : i32
      %dma_start3A_551 = arith.constant 0 : i32
      %dma_start3A_552 = tpu.memref_slice %arg9[%add3A, %dma_start3A_550, %dma_start3A_551] : memref<32x80x128xf32, #tpu.memory_space<hbm>> -> memref<1x80x128xf32, #tpu.memory_space<hbm>>
      %dma_start3A_553 = tpu.memref_squeeze %dma_start3A_552 : memref<1x80x128xf32, #tpu.memory_space<hbm>> -> memref<80x128xf32, #tpu.memory_space<hbm>>
      %dma_start3A_554 = arith.constant 0 : i32
      %dma_start3A_555 = arith.constant 0 : i32
      %dma_start3A_556 = tpu.memref_slice %arg9[%add3A, %dma_start3A_554, %dma_start3A_555] : memref<32x80x128xf32, #tpu.memory_space<hbm>> -> memref<1x80x128xf32, #tpu.memory_space<hbm>>
      %dma_start3A_557 = tpu.memref_squeeze %dma_start3A_556 : memref<1x80x128xf32, #tpu.memory_space<hbm>> -> memref<80x128xf32, #tpu.memory_space<hbm>>
      tpu.enqueue_dma source(%arg25 : memref<80x128xf32, #tpu.memory_space<vmem>>) target(%dma_start3A_557 : memref<80x128xf32, #tpu.memory_space<hbm>>) target_semaphore(%run_scoped3A : memref<!tpu.dma_semaphore, #tpu.memory_space<semaphore_mem>>)
      %dma_wait3A_558 = arith.constant 0 : i32
      %dma_wait3A_559 = arith.constant 0 : i32
      %dma_wait3A_560 = tpu.memref_slice %arg9[%add3A, %dma_wait3A_558, %dma_wait3A_559] : memref<32x80x128xf32, #tpu.memory_space<hbm>> -> memref<1x80x128xf32, #tpu.memory_space<hbm>>
      %dma_wait3A_561 = tpu.memref_squeeze %dma_wait3A_560 : memref<1x80x128xf32, #tpu.memory_space<hbm>> -> memref<80x128xf32, #tpu.memory_space<hbm>>
      %dma_wait3A_562 = arith.constant 0 : i32
      %dma_wait3A_563 = arith.constant 0 : i32
      %dma_wait3A_564 = tpu.memref_slice %arg9[%add3A, %dma_wait3A_562, %dma_wait3A_563] : memref<32x80x128xf32, #tpu.memory_space<hbm>> -> memref<1x80x128xf32, #tpu.memory_space<hbm>>
      %dma_wait3A_565 = tpu.memref_squeeze %dma_wait3A_564 : memref<1x80x128xf32, #tpu.memory_space<hbm>> -> memref<80x128xf32, #tpu.memory_space<hbm>>
      tpu.wait_dma2 semaphore(%run_scoped3A : memref<!tpu.dma_semaphore, #tpu.memory_space<semaphore_mem>>) src(%arg25 : memref<80x128xf32, #tpu.memory_space<vmem>>) dst(%dma_wait3A_565 : memref<80x128xf32, #tpu.memory_space<hbm>>)
      tpu.yield
    }) : () -> ()
    "tpu.region"() ({
      %run_scoped3A = tpu.sem_alloc : memref<!tpu.dma_semaphore, #tpu.memory_space<semaphore_mem>>
      %dma_start3A_550 = arith.constant 0 : i32
      %dma_start3A_551 = arith.constant 0 : i32
      %dma_start3A_552 = tpu.memref_slice %arg10[%add3A, %dma_start3A_550, %dma_start3A_551] : memref<32x80x128xf32, #tpu.memory_space<hbm>> -> memref<1x80x128xf32, #tpu.memory_space<hbm>>
      %dma_start3A_553 = tpu.memref_squeeze %dma_start3A_552 : memref<1x80x128xf32, #tpu.memory_space<hbm>> -> memref<80x128xf32, #tpu.memory_space<hbm>>
      %dma_start3A_554 = arith.constant 0 : i32
      %dma_start3A_555 = arith.constant 0 : i32
      %dma_start3A_556 = tpu.memref_slice %arg10[%add3A, %dma_start3A_554, %dma_start3A_555] : memref<32x80x128xf32, #tpu.memory_space<hbm>> -> memref<1x80x128xf32, #tpu.memory_space<hbm>>
      %dma_start3A_557 = tpu.memref_squeeze %dma_start3A_556 : memref<1x80x128xf32, #tpu.memory_space<hbm>> -> memref<80x128xf32, #tpu.memory_space<hbm>>
      tpu.enqueue_dma source(%arg26 : memref<80x128xf32, #tpu.memory_space<vmem>>) target(%dma_start3A_557 : memref<80x128xf32, #tpu.memory_space<hbm>>) target_semaphore(%run_scoped3A : memref<!tpu.dma_semaphore, #tpu.memory_space<semaphore_mem>>)
      %dma_wait3A_558 = arith.constant 0 : i32
      %dma_wait3A_559 = arith.constant 0 : i32
      %dma_wait3A_560 = tpu.memref_slice %arg10[%add3A, %dma_wait3A_558, %dma_wait3A_559] : memref<32x80x128xf32, #tpu.memory_space<hbm>> -> memref<1x80x128xf32, #tpu.memory_space<hbm>>
      %dma_wait3A_561 = tpu.memref_squeeze %dma_wait3A_560 : memref<1x80x128xf32, #tpu.memory_space<hbm>> -> memref<80x128xf32, #tpu.memory_space<hbm>>
      %dma_wait3A_562 = arith.constant 0 : i32
      %dma_wait3A_563 = arith.constant 0 : i32
      %dma_wait3A_564 = tpu.memref_slice %arg10[%add3A, %dma_wait3A_562, %dma_wait3A_563] : memref<32x80x128xf32, #tpu.memory_space<hbm>> -> memref<1x80x128xf32, #tpu.memory_space<hbm>>
      %dma_wait3A_565 = tpu.memref_squeeze %dma_wait3A_564 : memref<1x80x128xf32, #tpu.memory_space<hbm>> -> memref<80x128xf32, #tpu.memory_space<hbm>>
      tpu.wait_dma2 semaphore(%run_scoped3A : memref<!tpu.dma_semaphore, #tpu.memory_space<semaphore_mem>>) src(%arg26 : memref<80x128xf32, #tpu.memory_space<vmem>>) dst(%dma_wait3A_565 : memref<80x128xf32, #tpu.memory_space<hbm>>)
      tpu.yield
    }) : () -> ()
    %barrier3A_545 = arith.constant 0 : index
    tpu.barrier barrier_id(%barrier3A_545)
    %mul3A_546 = arith.constant 640 : i32
    %mul3A_547 = arith.muli %arg1, %mul3A_546 : i32
    %mul3A_548 = arith.constant 640 : i32
    %mul3A_549 = arith.muli %arg1, %mul3A_548 : i32
    "tpu.region"() ({
      %run_scoped3A = tpu.sem_alloc : memref<!tpu.dma_semaphore, #tpu.memory_space<semaphore_mem>>
      %dma_start3A_550 = arith.constant 0 : i32
      %dma_start3A_551 = tpu.memref_slice %arg8[%arg0, %mul3A_549, %dma_start3A_550] : memref<2x10240x128xf32, #tpu.memory_space<hbm>> -> memref<1x640x128xf32, #tpu.memory_space<hbm>>
      %dma_start3A_552 = tpu.memref_squeeze %dma_start3A_551 : memref<1x640x128xf32, #tpu.memory_space<hbm>> -> memref<640x128xf32, #tpu.memory_space<hbm>>
      %dma_start3A_553 = arith.constant 0 : i32
      %dma_start3A_554 = tpu.memref_slice %arg27[%mul3A_547, %dma_start3A_553] : memref<10240x128xf32, #tpu.memory_space<vmem_shared>> -> memref<640x128xf32, #tpu.memory_space<vmem_shared>>
      tpu.enqueue_dma source(%dma_start3A_554 : memref<640x128xf32, #tpu.memory_space<vmem_shared>>) target(%dma_start3A_552 : memref<640x128xf32, #tpu.memory_space<hbm>>) target_semaphore(%run_scoped3A : memref<!tpu.dma_semaphore, #tpu.memory_space<semaphore_mem>>)
      %dma_wait3A_555 = arith.constant 0 : i32
      %dma_wait3A_556 = tpu.memref_slice %arg8[%arg0, %mul3A_549, %dma_wait3A_555] : memref<2x10240x128xf32, #tpu.memory_space<hbm>> -> memref<1x640x128xf32, #tpu.memory_space<hbm>>
      %dma_wait3A_557 = tpu.memref_squeeze %dma_wait3A_556 : memref<1x640x128xf32, #tpu.memory_space<hbm>> -> memref<640x128xf32, #tpu.memory_space<hbm>>
      %dma_wait3A_558 = arith.constant 0 : i32
      %dma_wait3A_559 = tpu.memref_slice %arg27[%mul3A_547, %dma_wait3A_558] : memref<10240x128xf32, #tpu.memory_space<vmem_shared>> -> memref<640x128xf32, #tpu.memory_space<vmem_shared>>
      tpu.wait_dma2 semaphore(%run_scoped3A : memref<!tpu.dma_semaphore, #tpu.memory_space<semaphore_mem>>) src(%dma_wait3A_559 : memref<640x128xf32, #tpu.memory_space<vmem_shared>>) dst(%dma_wait3A_557 : memref<640x128xf32, #tpu.memory_space<hbm>>)
      tpu.yield
    }) : () -> ()
    return
  }
}

module attributes {stable_mosaic.version = 14 : i64} {
  func.func @_dense_body(%arg0: i32, %arg1: memref<2048x128xf32, #tpu.memory_space<vmem>>, %arg2: memref<2x2048x128xf32, #tpu.memory_space<vmem>>, %arg3: memref<32x2048xf32, #tpu.memory_space<vmem>>, %arg4: memref<32x2048xf32, #tpu.memory_space<vmem>>, %arg5: memref<1x128xf32, #tpu.memory_space<vmem>>, %arg6: memref<1x128xf32, #tpu.memory_space<vmem>>, %arg7: memref<128x128xf32, #tpu.memory_space<vmem>>, %arg8: memref<1x128xf32, #tpu.memory_space<vmem>>, %arg9: memref<128x128xf32, #tpu.memory_space<vmem>>, %arg10: memref<1x128xf32, #tpu.memory_space<vmem>>, %arg11: memref<1x1xf32, #tpu.memory_space<vmem>>, %arg12: memref<128x128xf32, #tpu.memory_space<vmem>>, %arg13: memref<1x128xf32, #tpu.memory_space<vmem>>, %arg14: memref<1x128xf32, #tpu.memory_space<vmem>>, %arg15: memref<1x128xf32, #tpu.memory_space<vmem>>, %arg16: memref<2048x128xf32, #tpu.memory_space<vmem>>) attributes {dimension_semantics = [#tpu.dimension_semantics<arbitrary>], iteration_bounds = array<i64: 5>, scalar_prefetch = 0 : i64, scratch_operands = 0 : i64, tpu.core_type = #tpu.core_type<tc>, window_params = [{transform_indices = @transform_0, window_bounds = array<i64: 2048, 128>}, {transform_indices = @transform_1, window_bounds = array<i64: 2, 2048, 128>}, {transform_indices = @transform_2, window_bounds = array<i64: 32, 2048>}, {transform_indices = @transform_3, window_bounds = array<i64: 32, 2048>}, {pipeline_mode = #tpu.pipeline_mode<synchronous>, transform_indices = @transform_4, window_bounds = array<i64: 1, 128>}, {pipeline_mode = #tpu.pipeline_mode<synchronous>, transform_indices = @transform_5, window_bounds = array<i64: 1, 128>}, {pipeline_mode = #tpu.pipeline_mode<synchronous>, transform_indices = @transform_6, window_bounds = array<i64: 128, 128>}, {pipeline_mode = #tpu.pipeline_mode<synchronous>, transform_indices = @transform_7, window_bounds = array<i64: 1, 128>}, {pipeline_mode = #tpu.pipeline_mode<synchronous>, transform_indices = @transform_8, window_bounds = array<i64: 128, 128>}, {pipeline_mode = #tpu.pipeline_mode<synchronous>, transform_indices = @transform_9, window_bounds = array<i64: 1, 128>}, {pipeline_mode = #tpu.pipeline_mode<synchronous>, transform_indices = @transform_10, window_bounds = array<i64: 1, 1>}, {pipeline_mode = #tpu.pipeline_mode<synchronous>, transform_indices = @transform_11, window_bounds = array<i64: 128, 128>}, {pipeline_mode = #tpu.pipeline_mode<synchronous>, transform_indices = @transform_12, window_bounds = array<i64: 1, 128>}, {pipeline_mode = #tpu.pipeline_mode<synchronous>, transform_indices = @transform_13, window_bounds = array<i64: 1, 128>}, {pipeline_mode = #tpu.pipeline_mode<synchronous>, transform_indices = @transform_14, window_bounds = array<i64: 1, 128>}, {transform_indices = @transform_15, window_bounds = array<i64: 2048, 128>}]} {
    %broadcast_in_dim3A = arith.constant 1.000000e+00 : f32
    %broadcast_in_dim3A_0 = vector.broadcast %broadcast_in_dim3A : f32 to vector<32x1xf32>
    %get3A = arith.constant 0 : index
    %get3A_1 = arith.constant 0 : index
    %get3A_2 = vector.load %arg3[%get3A, %get3A_1] : memref<32x2048xf32, #tpu.memory_space<vmem>>, vector<32x2048xf32>
    %dot_general3A = arith.constant dense<0.000000e+00> : vector<2048x1xf32>
    %dot_general3A_3 = tpu.matmul %get3A_2, %broadcast_in_dim3A_0, %dot_general3A {dimension_numbers = #tpu.dot_dimension_numbers<[0], [0], [1], [1], [0, 1, 1, 1], [], []>, precision = #tpu.contract_precision<fp32>, transpose_lhs_hint = false} : vector<32x2048xf32>, vector<32x1xf32>, vector<2048x1xf32> -> vector<2048x1xf32>
    %get3A_4 = arith.constant 0 : index
    %get3A_5 = arith.constant 0 : index
    %get3A_6 = vector.load %arg4[%get3A_4, %get3A_5] : memref<32x2048xf32, #tpu.memory_space<vmem>>, vector<32x2048xf32>
    %dot_general3A_7 = arith.constant dense<0.000000e+00> : vector<2048x1xf32>
    %dot_general3A_8 = tpu.matmul %get3A_6, %broadcast_in_dim3A_0, %dot_general3A_7 {dimension_numbers = #tpu.dot_dimension_numbers<[0], [0], [1], [1], [0, 1, 1, 1], [], []>, precision = #tpu.contract_precision<fp32>, transpose_lhs_hint = false} : vector<32x2048xf32>, vector<32x1xf32>, vector<2048x1xf32> -> vector<2048x1xf32>
    %get3A_9 = arith.constant 0 : index
    %get3A_10 = arith.constant 0 : index
    %get3A_11 = arith.constant 0 : index
    %get3A_12 = vector.load %arg2[%get3A_9, %get3A_10, %get3A_11] : memref<2x2048x128xf32, #tpu.memory_space<vmem>>, vector<1x2048x128xf32>
    %get3A_13 = vector.shape_cast %get3A_12 : vector<1x2048x128xf32> to vector<2048x128xf32>
    %get3A_14 = arith.constant 1 : index
    %get3A_15 = arith.constant 0 : index
    %get3A_16 = arith.constant 0 : index
    %get3A_17 = vector.load %arg2[%get3A_14, %get3A_15, %get3A_16] : memref<2x2048x128xf32, #tpu.memory_space<vmem>>, vector<1x2048x128xf32>
    %get3A_18 = vector.shape_cast %get3A_17 : vector<1x2048x128xf32> to vector<2048x128xf32>
    %add3A = arith.addf %get3A_13, %get3A_18 : vector<2048x128xf32>
    %get3A_19 = arith.constant 0 : index
    %get3A_20 = arith.constant 0 : index
    %get3A_21 = vector.load %arg5[%get3A_19, %get3A_20] : memref<1x128xf32, #tpu.memory_space<vmem>>, vector<1x128xf32>
    %mul3A = vector.broadcast %dot_general3A_3 : vector<2048x1xf32> to vector<2048x128xf32>
    %mul3A_22 = vector.broadcast %get3A_21 : vector<1x128xf32> to vector<2048x128xf32>
    %mul3A_23 = arith.mulf %mul3A, %mul3A_22 : vector<2048x128xf32>
    %add3A_24 = arith.addf %add3A, %mul3A_23 : vector<2048x128xf32>
    %get3A_25 = arith.constant 0 : index
    %get3A_26 = arith.constant 0 : index
    %get3A_27 = vector.load %arg6[%get3A_25, %get3A_26] : memref<1x128xf32, #tpu.memory_space<vmem>>, vector<1x128xf32>
    %mul3A_28 = vector.broadcast %dot_general3A_8 : vector<2048x1xf32> to vector<2048x128xf32>
    %mul3A_29 = vector.broadcast %get3A_27 : vector<1x128xf32> to vector<2048x128xf32>
    %mul3A_30 = arith.mulf %mul3A_28, %mul3A_29 : vector<2048x128xf32>
    %add3A_31 = arith.addf %add3A_24, %mul3A_30 : vector<2048x128xf32>
    %gt3A = arith.constant 0.000000e+00 : f32
    %gt3A_32 = vector.broadcast %gt3A : f32 to vector<2048x1xf32>
    %gt3A_33 = arith.cmpf ogt, %dot_general3A_8, %gt3A_32 : vector<2048x1xf32>
    %max3A = arith.constant 1.000000e+00 : f32
    %max3A_34 = vector.broadcast %max3A : f32 to vector<2048x1xf32>
    %max3A_35 = arith.maximumf %dot_general3A_8, %max3A_34 : vector<2048x1xf32>
    %div3A = vector.broadcast %max3A_35 : vector<2048x1xf32> to vector<2048x128xf32>
    %div3A_36 = arith.divf %add3A_31, %div3A : vector<2048x128xf32>
    %jit3A = arith.constant 0.000000e+00 : f32
    %broadcast_in_dim3A_37 = vector.shape_cast %gt3A_33 : vector<2048x1xi1> to vector<2048x1xi1>
    %broadcast_in_dim3A_38 = vector.broadcast %broadcast_in_dim3A_37 : vector<2048x1xi1> to vector<2048x128xi1>
    %broadcast_in_dim3A_39 = vector.broadcast %jit3A : f32 to vector<2048x128xf32>
    %select_n3A = arith.select %broadcast_in_dim3A_38, %div3A_36, %broadcast_in_dim3A_39 : vector<2048x128xi1>, vector<2048x128xf32>
    %get3A_40 = arith.constant 0 : index
    %get3A_41 = arith.constant 0 : index
    %get3A_42 = vector.load %arg1[%get3A_40, %get3A_41] : memref<2048x128xf32, #tpu.memory_space<vmem>>, vector<2048x128xf32>
    %get3A_43 = arith.constant 0 : index
    %get3A_44 = arith.constant 0 : index
    %get3A_45 = vector.load %arg11[%get3A_43, %get3A_44] : memref<1x1xf32, #tpu.memory_space<vmem>>, vector<1x1xf32>
    %get3A_46 = vector.extract %get3A_45[0, 0] : f32 from vector<1x1xf32>
    %add3A_47 = arith.constant 1.000000e+00 : f32
    %add3A_48 = arith.addf %add3A_47, %get3A_46 : f32
    %mul3A_49 = vector.broadcast %add3A_48 : f32 to vector<2048x128xf32>
    %mul3A_50 = arith.mulf %mul3A_49, %get3A_42 : vector<2048x128xf32>
    %add3A_51 = arith.addf %mul3A_50, %select_n3A : vector<2048x128xf32>
    %get3A_52 = arith.constant 0 : index
    %get3A_53 = arith.constant 0 : index
    %get3A_54 = vector.load %arg7[%get3A_52, %get3A_53] : memref<128x128xf32, #tpu.memory_space<vmem>>, vector<128x128xf32>
    %convert_element_type3A = arith.truncf %add3A_51 : vector<2048x128xf32> to vector<2048x128xbf16>
    %convert_element_type3A_55 = arith.extf %convert_element_type3A : vector<2048x128xbf16> to vector<2048x128xf32>
    %sub3A = arith.subf %add3A_51, %convert_element_type3A_55 : vector<2048x128xf32>
    %convert_element_type3A_56 = arith.truncf %sub3A : vector<2048x128xf32> to vector<2048x128xbf16>
    %convert_element_type3A_57 = arith.truncf %get3A_54 : vector<128x128xf32> to vector<128x128xbf16>
    %convert_element_type3A_58 = arith.extf %convert_element_type3A_57 : vector<128x128xbf16> to vector<128x128xf32>
    %sub3A_59 = arith.subf %get3A_54, %convert_element_type3A_58 : vector<128x128xf32>
    %convert_element_type3A_60 = arith.truncf %sub3A_59 : vector<128x128xf32> to vector<128x128xbf16>
    %dot_general3A_61 = arith.constant dense<0.000000e+00> : vector<2048x128xf32>
    %dot_general3A_62 = tpu.matmul %convert_element_type3A, %convert_element_type3A_57, %dot_general3A_61 {dimension_numbers = #tpu.dot_dimension_numbers<[1], [0], [0], [1], [0, 0, 1, 1], [], []>, transpose_lhs_hint = false} : vector<2048x128xbf16>, vector<128x128xbf16>, vector<2048x128xf32> -> vector<2048x128xf32>
    %dot_general3A_63 = arith.constant dense<0.000000e+00> : vector<2048x128xf32>
    %dot_general3A_64 = tpu.matmul %convert_element_type3A_56, %convert_element_type3A_57, %dot_general3A_63 {dimension_numbers = #tpu.dot_dimension_numbers<[1], [0], [0], [1], [0, 0, 1, 1], [], []>, transpose_lhs_hint = false} : vector<2048x128xbf16>, vector<128x128xbf16>, vector<2048x128xf32> -> vector<2048x128xf32>
    %dot_general3A_65 = arith.constant dense<0.000000e+00> : vector<2048x128xf32>
    %dot_general3A_66 = tpu.matmul %convert_element_type3A, %convert_element_type3A_60, %dot_general3A_65 {dimension_numbers = #tpu.dot_dimension_numbers<[1], [0], [0], [1], [0, 0, 1, 1], [], []>, transpose_lhs_hint = false} : vector<2048x128xbf16>, vector<128x128xbf16>, vector<2048x128xf32> -> vector<2048x128xf32>
    %add3A_67 = arith.addf %dot_general3A_64, %dot_general3A_66 : vector<2048x128xf32>
    %add3A_68 = arith.addf %dot_general3A_62, %add3A_67 : vector<2048x128xf32>
    %get3A_69 = arith.constant 0 : index
    %get3A_70 = arith.constant 0 : index
    %get3A_71 = vector.load %arg8[%get3A_69, %get3A_70] : memref<1x128xf32, #tpu.memory_space<vmem>>, vector<1x128xf32>
    %add3A_72 = vector.broadcast %get3A_71 : vector<1x128xf32> to vector<2048x128xf32>
    %add3A_73 = arith.addf %add3A_68, %add3A_72 : vector<2048x128xf32>
    %max3A_74 = arith.constant 0.000000e+00 : f32
    %max3A_75 = vector.broadcast %max3A_74 : f32 to vector<2048x128xf32>
    %max3A_76 = arith.maximumf %add3A_73, %max3A_75 : vector<2048x128xf32>
    %get3A_77 = arith.constant 0 : index
    %get3A_78 = arith.constant 0 : index
    %get3A_79 = vector.load %arg9[%get3A_77, %get3A_78] : memref<128x128xf32, #tpu.memory_space<vmem>>, vector<128x128xf32>
    %convert_element_type3A_80 = arith.truncf %max3A_76 : vector<2048x128xf32> to vector<2048x128xbf16>
    %convert_element_type3A_81 = arith.extf %convert_element_type3A_80 : vector<2048x128xbf16> to vector<2048x128xf32>
    %sub3A_82 = arith.subf %max3A_76, %convert_element_type3A_81 : vector<2048x128xf32>
    %convert_element_type3A_83 = arith.truncf %sub3A_82 : vector<2048x128xf32> to vector<2048x128xbf16>
    %convert_element_type3A_84 = arith.truncf %get3A_79 : vector<128x128xf32> to vector<128x128xbf16>
    %convert_element_type3A_85 = arith.extf %convert_element_type3A_84 : vector<128x128xbf16> to vector<128x128xf32>
    %sub3A_86 = arith.subf %get3A_79, %convert_element_type3A_85 : vector<128x128xf32>
    %convert_element_type3A_87 = arith.truncf %sub3A_86 : vector<128x128xf32> to vector<128x128xbf16>
    %dot_general3A_88 = arith.constant dense<0.000000e+00> : vector<2048x128xf32>
    %dot_general3A_89 = tpu.matmul %convert_element_type3A_80, %convert_element_type3A_84, %dot_general3A_88 {dimension_numbers = #tpu.dot_dimension_numbers<[1], [0], [0], [1], [0, 0, 1, 1], [], []>, transpose_lhs_hint = false} : vector<2048x128xbf16>, vector<128x128xbf16>, vector<2048x128xf32> -> vector<2048x128xf32>
    %dot_general3A_90 = arith.constant dense<0.000000e+00> : vector<2048x128xf32>
    %dot_general3A_91 = tpu.matmul %convert_element_type3A_83, %convert_element_type3A_84, %dot_general3A_90 {dimension_numbers = #tpu.dot_dimension_numbers<[1], [0], [0], [1], [0, 0, 1, 1], [], []>, transpose_lhs_hint = false} : vector<2048x128xbf16>, vector<128x128xbf16>, vector<2048x128xf32> -> vector<2048x128xf32>
    %dot_general3A_92 = arith.constant dense<0.000000e+00> : vector<2048x128xf32>
    %dot_general3A_93 = tpu.matmul %convert_element_type3A_80, %convert_element_type3A_87, %dot_general3A_92 {dimension_numbers = #tpu.dot_dimension_numbers<[1], [0], [0], [1], [0, 0, 1, 1], [], []>, transpose_lhs_hint = false} : vector<2048x128xbf16>, vector<128x128xbf16>, vector<2048x128xf32> -> vector<2048x128xf32>
    %add3A_94 = arith.addf %dot_general3A_91, %dot_general3A_93 : vector<2048x128xf32>
    %add3A_95 = arith.addf %dot_general3A_89, %add3A_94 : vector<2048x128xf32>
    %get3A_96 = arith.constant 0 : index
    %get3A_97 = arith.constant 0 : index
    %get3A_98 = vector.load %arg10[%get3A_96, %get3A_97] : memref<1x128xf32, #tpu.memory_space<vmem>>, vector<1x128xf32>
    %add3A_99 = vector.broadcast %get3A_98 : vector<1x128xf32> to vector<2048x128xf32>
    %add3A_100 = arith.addf %add3A_95, %add3A_99 : vector<2048x128xf32>
    %get3A_101 = arith.constant 0 : index
    %get3A_102 = arith.constant 0 : index
    %get3A_103 = vector.load %arg12[%get3A_101, %get3A_102] : memref<128x128xf32, #tpu.memory_space<vmem>>, vector<128x128xf32>
    %convert_element_type3A_104 = arith.truncf %get3A_42 : vector<2048x128xf32> to vector<2048x128xbf16>
    %convert_element_type3A_105 = arith.extf %convert_element_type3A_104 : vector<2048x128xbf16> to vector<2048x128xf32>
    %sub3A_106 = arith.subf %get3A_42, %convert_element_type3A_105 : vector<2048x128xf32>
    %convert_element_type3A_107 = arith.truncf %sub3A_106 : vector<2048x128xf32> to vector<2048x128xbf16>
    %convert_element_type3A_108 = arith.truncf %get3A_103 : vector<128x128xf32> to vector<128x128xbf16>
    %convert_element_type3A_109 = arith.extf %convert_element_type3A_108 : vector<128x128xbf16> to vector<128x128xf32>
    %sub3A_110 = arith.subf %get3A_103, %convert_element_type3A_109 : vector<128x128xf32>
    %convert_element_type3A_111 = arith.truncf %sub3A_110 : vector<128x128xf32> to vector<128x128xbf16>
    %dot_general3A_112 = arith.constant dense<0.000000e+00> : vector<2048x128xf32>
    %dot_general3A_113 = tpu.matmul %convert_element_type3A_104, %convert_element_type3A_108, %dot_general3A_112 {dimension_numbers = #tpu.dot_dimension_numbers<[1], [0], [0], [1], [0, 0, 1, 1], [], []>, transpose_lhs_hint = false} : vector<2048x128xbf16>, vector<128x128xbf16>, vector<2048x128xf32> -> vector<2048x128xf32>
    %dot_general3A_114 = arith.constant dense<0.000000e+00> : vector<2048x128xf32>
    %dot_general3A_115 = tpu.matmul %convert_element_type3A_107, %convert_element_type3A_108, %dot_general3A_114 {dimension_numbers = #tpu.dot_dimension_numbers<[1], [0], [0], [1], [0, 0, 1, 1], [], []>, transpose_lhs_hint = false} : vector<2048x128xbf16>, vector<128x128xbf16>, vector<2048x128xf32> -> vector<2048x128xf32>
    %dot_general3A_116 = arith.constant dense<0.000000e+00> : vector<2048x128xf32>
    %dot_general3A_117 = tpu.matmul %convert_element_type3A_104, %convert_element_type3A_111, %dot_general3A_116 {dimension_numbers = #tpu.dot_dimension_numbers<[1], [0], [0], [1], [0, 0, 1, 1], [], []>, transpose_lhs_hint = false} : vector<2048x128xbf16>, vector<128x128xbf16>, vector<2048x128xf32> -> vector<2048x128xf32>
    %add3A_118 = arith.addf %dot_general3A_115, %dot_general3A_117 : vector<2048x128xf32>
    %add3A_119 = arith.addf %dot_general3A_113, %add3A_118 : vector<2048x128xf32>
    %add3A_120 = arith.addf %add3A_100, %add3A_119 : vector<2048x128xf32>
    %get3A_121 = arith.constant 0 : index
    %get3A_122 = arith.constant 0 : index
    %get3A_123 = vector.load %arg13[%get3A_121, %get3A_122] : memref<1x128xf32, #tpu.memory_space<vmem>>, vector<1x128xf32>
    %add3A_124 = vector.broadcast %get3A_123 : vector<1x128xf32> to vector<2048x128xf32>
    %add3A_125 = arith.addf %add3A_120, %add3A_124 : vector<2048x128xf32>
    %get3A_126 = arith.constant 0 : index
    %get3A_127 = arith.constant 0 : index
    %get3A_128 = vector.load %arg14[%get3A_126, %get3A_127] : memref<1x128xf32, #tpu.memory_space<vmem>>, vector<1x128xf32>
    %mul3A_129 = arith.constant 0.999994993 : f32
    %mul3A_130 = vector.broadcast %mul3A_129 : f32 to vector<1x128xf32>
    %mul3A_131 = arith.mulf %get3A_128, %mul3A_130 : vector<1x128xf32>
    %mul3A_132 = vector.broadcast %mul3A_131 : vector<1x128xf32> to vector<2048x128xf32>
    %mul3A_133 = arith.mulf %add3A_125, %mul3A_132 : vector<2048x128xf32>
    %get3A_134 = arith.constant 0 : index
    %get3A_135 = arith.constant 0 : index
    %get3A_136 = vector.load %arg15[%get3A_134, %get3A_135] : memref<1x128xf32, #tpu.memory_space<vmem>>, vector<1x128xf32>
    %add3A_137 = vector.broadcast %get3A_136 : vector<1x128xf32> to vector<2048x128xf32>
    %add3A_138 = arith.addf %mul3A_133, %add3A_137 : vector<2048x128xf32>
    %max3A_139 = arith.constant 0.000000e+00 : f32
    %max3A_140 = vector.broadcast %max3A_139 : f32 to vector<2048x128xf32>
    %max3A_141 = arith.maximumf %add3A_138, %max3A_140 : vector<2048x128xf32>
    %swap3A = arith.constant 0 : index
    %swap3A_142 = arith.constant 0 : index
    %swap3A_143 = vector.load %arg16[%swap3A, %swap3A_142] : memref<2048x128xf32, #tpu.memory_space<vmem>>, vector<2048x128xf32>
    tpu.vector_store %arg16[%swap3A, %swap3A_142], %max3A_141 {strides = array<i32>} : memref<2048x128xf32, #tpu.memory_space<vmem>>, vector<2048x128xf32>,
    return
  }
  func.func @transform_0(%arg0: i32) -> (i32, i32) {
    %c0_i32 = arith.constant 0 : i32
    %c0_i32_0 = arith.constant 0 : i32
    return %arg0, %c0_i32 : i32, i32
  }
  func.func @transform_1(%arg0: i32) -> (i32, i32, i32) {
    %c0_i32 = arith.constant 0 : i32
    %c0_i32_0 = arith.constant 0 : i32
    %c0_i32_1 = arith.constant 0 : i32
    return %c0_i32, %arg0, %c0_i32_0 : i32, i32, i32
  }
  func.func @transform_2(%arg0: i32) -> (i32, i32) {
    %c0_i32 = arith.constant 0 : i32
    %c0_i32_0 = arith.constant 0 : i32
    return %c0_i32, %arg0 : i32, i32
  }
  func.func @transform_3(%arg0: i32) -> (i32, i32) {
    %c0_i32 = arith.constant 0 : i32
    %c0_i32_0 = arith.constant 0 : i32
    return %c0_i32, %arg0 : i32, i32
  }
  func.func @transform_4(%arg0: i32) -> (i32, i32) {
    %c0_i32 = arith.constant 0 : i32
    %c0_i32_0 = arith.constant 0 : i32
    %c0_i32_1 = arith.constant 0 : i32
    return %c0_i32, %c0_i32_0 : i32, i32
  }
  func.func @transform_5(%arg0: i32) -> (i32, i32) {
    %c0_i32 = arith.constant 0 : i32
    %c0_i32_0 = arith.constant 0 : i32
    %c0_i32_1 = arith.constant 0 : i32
    return %c0_i32, %c0_i32_0 : i32, i32
  }
  func.func @transform_6(%arg0: i32) -> (i32, i32) {
    %c0_i32 = arith.constant 0 : i32
    %c0_i32_0 = arith.constant 0 : i32
    %c0_i32_1 = arith.constant 0 : i32
    return %c0_i32, %c0_i32_0 : i32, i32
  }
  func.func @transform_7(%arg0: i32) -> (i32, i32) {
    %c0_i32 = arith.constant 0 : i32
    %c0_i32_0 = arith.constant 0 : i32
    %c0_i32_1 = arith.constant 0 : i32
    return %c0_i32, %c0_i32_0 : i32, i32
  }
  func.func @transform_8(%arg0: i32) -> (i32, i32) {
    %c0_i32 = arith.constant 0 : i32
    %c0_i32_0 = arith.constant 0 : i32
    %c0_i32_1 = arith.constant 0 : i32
    return %c0_i32, %c0_i32_0 : i32, i32
  }
  func.func @transform_9(%arg0: i32) -> (i32, i32) {
    %c0_i32 = arith.constant 0 : i32
    %c0_i32_0 = arith.constant 0 : i32
    %c0_i32_1 = arith.constant 0 : i32
    return %c0_i32, %c0_i32_0 : i32, i32
  }
  func.func @transform_10(%arg0: i32) -> (i32, i32) {
    %c0_i32 = arith.constant 0 : i32
    %c0_i32_0 = arith.constant 0 : i32
    %c0_i32_1 = arith.constant 0 : i32
    return %c0_i32, %c0_i32_0 : i32, i32
  }
  func.func @transform_11(%arg0: i32) -> (i32, i32) {
    %c0_i32 = arith.constant 0 : i32
    %c0_i32_0 = arith.constant 0 : i32
    %c0_i32_1 = arith.constant 0 : i32
    return %c0_i32, %c0_i32_0 : i32, i32
  }
  func.func @transform_12(%arg0: i32) -> (i32, i32) {
    %c0_i32 = arith.constant 0 : i32
    %c0_i32_0 = arith.constant 0 : i32
    %c0_i32_1 = arith.constant 0 : i32
    return %c0_i32, %c0_i32_0 : i32, i32
  }
  func.func @transform_13(%arg0: i32) -> (i32, i32) {
    %c0_i32 = arith.constant 0 : i32
    %c0_i32_0 = arith.constant 0 : i32
    %c0_i32_1 = arith.constant 0 : i32
    return %c0_i32, %c0_i32_0 : i32, i32
  }
  func.func @transform_14(%arg0: i32) -> (i32, i32) {
    %c0_i32 = arith.constant 0 : i32
    %c0_i32_0 = arith.constant 0 : i32
    %c0_i32_1 = arith.constant 0 : i32
    return %c0_i32, %c0_i32_0 : i32, i32
  }
  func.func @transform_15(%arg0: i32) -> (i32, i32) {
    %c0_i32 = arith.constant 0 : i32
    %c0_i32_0 = arith.constant 0 : i32
    return %arg0, %c0_i32 : i32, i32
  }
}

</mosaic_0001>

<sc_bundles>
// kernel: kernel.4.cloned.1.call-start
scs
__scs_entry_jumppad:
0x0: {  	(pc) =	sbr.rel $0x88, $3  }
0x1: {  	(tag) =	ssettag $0x0;
	lr =	simm.s32 $0x1  }
0x2: {  	[smem:$0x3F93] =	sst lr;
	_ =	strace $0xD0000000  }
0x3: {  	_ = 	snop  }
0x4: {  	_ = 	snop  }
0x5: {  	_ = 	snop  }
0x6: {  	_ = 	snop  }
0x7: {  	_ = 	snop  }
__scs_overlays_trampoline_lowered:
0x8: {  	[smem:$0x3FA2] =	sst s0  }
0x9: {  	[smem:$0x3FA3] =	sst s1  }
0xa: {  	[smem:$0x3FA4] =	sst s2  }
0xb: {  	[smem:$0x3FA5] =	sst s3  }
0xc: {  	[smem:$0x3FA6] =	sst s4  }
0xd: {  	[smem:$0x3FA7] =	sst s5  }
0xe: {  	[smem:$0x3FA8] =	sst s6  }
0xf: {  	[smem:$0x3FA9] =	sst s7  }
0x10: {  	[smem:$0x3FAA] =	sst s8  }
0x11: {  	[smem:$0x3FAB] =	sst s9;
	s0 =	simm.s32 @!p0 $0x0  }
0x12: {  	s1 =	sld [smem:$0x3F91];
	s0 =	simm.s32 @p0 $0x1  }
0x13: {  	[smem:$0x3FAC] =	sst s0;
	s0 =	simm.s32 @!p1 $0x0  }
0x14: {  	s2 =	sld [smem:$0x3F90];
	s0 =	simm.s32 @p1 $0x1  }
0x15: {  	[smem:$0x3FAD] =	sst s0;
	s0 =	simm.s32 @!p2 $0x0  }
0x16: {  	s3 =	sld [smem:$0x3FDB];
	s0 =	simm.s32 @p2 $0x1  }
0x17: {  	s4 =	simm.s32 $0x1BF5;
	[smem:$0x3FAF] =	sst s0  }
0x18: {  	s0 =	sld [smem:$0x3F92];
	_ =	swait.ge [sflag:s4], $0x0  }
0x19: {  	s7 =	sld [smem:$0x3F93]  }
0x1a: {  	s8 =	sadd.s32 $0xFFFFE003, lr  }
0x1b: {  	s9 =	sadd.s32 $0xFFFFFEF7, lr;
	s5 =	simm.s32 $0xFFFFFFFF;
	p2 =	slt.u32 s8, $0xFFFFF086  }
0x1c: {  	p1 =	slt.u32 s9, $0xF7A;
	s5 =	simm.s32 @!p2 $0x0  }
0x1d: {  	s5 =	simm.s32 @p1 $0x1;
	p0 =	seq.s32 s7, s2  }
0x1e: {  	s7 =	smul.u32 @!p0 $0xF7A, s2;
	p2 =	seq.s32 @!p0 s5, $0x0  }
0x1f: {  	s9 =	smul.u32 $0xF7A, s1;
	s8 =	simm.s32 @!p0 $0x1BF5;
	p2 =	por !p2, p0  }
0x20: {  	[sflag:s8] =	ssyncset.s32 @!p0 $0xFFFFF086;
	s6 =	sadd.s32 @!p0 s3, s7;
	s7 =	simm.s32 @!p0 $0x108  }
0x21: {  	s3 =	sadd.s32 s3, s9;
	s6 =	sadd.s32 @!p0 $0x88, s6;
	s7 =	simm.s32 @p2 $0x1082  }
0x22: {  	[simem:s7], [sflag:s8] =	dma.local @!p0 [hbm:s6], $0xF7A  }
0x23: {  	s9 =	sor.u32 $0xD0000000, s2;
	s6 =	simm.s32 $0x108;
	_ =	swait.ge @!p0 [sflag:s8], $0x0  }
0x24: {  	s3 =	sadd.s32 $0x88, s3;
	s6 =	simm.s32 @!p1 $0x1082;
	[sflag:s4] =	ssyncset.s32 $0xFFFFF086  }
0x25: {  	[simem:s6], [sflag:s4] =	dma.local [hbm:s3], $0xF7A  }
0x26: {  	[smem:$0x3F93] =	sst s1;
	(tag) =	ssettag s2;
	_ =	strace s9  }
0x27: {  	s1 =	sld [smem:$0x3FA3]  }
0x28: {  	s2 =	sld [smem:$0x3FA4]  }
0x29: {  	s4 =	sld [smem:$0x3FA6]  }
0x2a: {  	p0 =	seq.s32 s5, $0x0;
	s5 =	sld [smem:$0x3FA7]  }
0x2b: {  	s6 =	sld [smem:$0x3FA8]  }
0x2c: {  	s7 =	sld [smem:$0x3FA9]  }
0x2d: {  	s3 =	simm.s32 $0x108;
	s8 =	sld [smem:$0x3FAA]  }
0x2e: {  	s3 =	simm.s32 @!p0 $0x1082;
	s9 =	sld [smem:$0x3FAB]  }
0x2f: {  	lr =	sadd.s32 s0, s3;
	s0 =	sld [smem:$0x3FA2]  }
0x30: {  	s3 =	sld [smem:$0x3FA5]  }
0x31: {  	[smem:$0x3FAE] =	sst s10  }
0x32: {  	s10 =	sld [smem:$0x3FAC];
	_ =	sdelay $0x3  }
0x33: {  	p0 =	seq.s32 s10, $0x1;
	s10 =	sld [smem:$0x3FAE];
	_ =	sdelay $0x3  }
0x34: {  	[smem:$0x3FAE] =	sst s10  }
0x35: {  	s10 =	sld [smem:$0x3FAD];
	_ =	sdelay $0x3  }
0x36: {  	p1 =	seq.s32 s10, $0x1;
	s10 =	sld [smem:$0x3FAE];
	_ =	sdelay $0x3  }
0x37: {  	[smem:$0x3FAE] =	sst s10  }
0x38: {  	s10 =	sld [smem:$0x3FAF]  }
0x39: {  	_ = 	snop;
	(pc) =	sbr.ind lr, $3  }
0x3a: {  	_ = 	snop  }
0x3b: {  	_ = 	snop  }
0x3c: {  	p2 =	seq.s32 s10, $0x1;
	s10 =	sld [smem:$0x3FAE]  }
0x3d: {  	_ =	shalt  }
0x3e: {  	_ =	shalt  }
0x3f: {  	_ =	shalt  }
0x40: {  	_ =	shalt  }
0x41: {  	_ =	shalt  }
0x42: {  	_ =	shalt  }
0x43: {  	_ =	shalt  }
0x44: {  	_ =	shalt  }
0x45: {  	_ =	shalt  }
0x46: {  	_ =	shalt  }
0x47: {  	_ =	shalt  }
0x48: {  	_ =	shalt  }
0x49: {  	_ =	shalt  }
0x4a: {  	_ =	shalt  }
0x4b: {  	_ =	shalt  }
0x4c: {  	_ =	shalt  }
0x4d: {  	_ =	shalt  }
0x4e: {  	_ =	shalt  }
0x4f: {  	_ =	shalt  }
0x50: {  	_ =	shalt  }
0x51: {  	_ =	shalt  }
0x52: {  	_ =	shalt  }
0x53: {  	_ =	shalt  }
0x54: {  	_ =	shalt  }
0x55: {  	_ =	shalt  }
0x56: {  	_ =	shalt  }
0x57: {  	_ =	shalt  }
0x58: {  	_ =	shalt  }
0x59: {  	_ =	shalt  }
0x5a: {  	_ =	shalt  }
0x5b: {  	_ =	shalt  }
0x5c: {  	_ =	shalt  }
0x5d: {  	_ =	shalt  }
0x5e: {  	_ =	shalt  }
0x5f: {  	_ =	shalt  }
0x60: {  	_ =	shalt  }
0x61: {  	_ =	shalt  }
0x62: {  	_ =	shalt  }
0x63: {  	_ =	shalt  }
0x64: {  	_ =	shalt  }
0x65: {  	_ =	shalt  }
0x66: {  	_ =	shalt  }
0x67: {  	_ =	shalt  }
0x68: {  	_ =	shalt  }
0x69: {  	_ =	shalt  }
0x6a: {  	_ =	shalt  }
0x6b: {  	_ =	shalt  }
0x6c: {  	_ =	shalt  }
0x6d: {  	_ =	shalt  }
0x6e: {  	_ =	shalt  }
0x6f: {  	_ =	shalt  }
0x70: {  	_ =	shalt  }
0x71: {  	_ =	shalt  }
0x72: {  	_ =	shalt  }
0x73: {  	_ =	shalt  }
0x74: {  	_ =	shalt  }
0x75: {  	_ =	shalt  }
0x76: {  	_ =	shalt  }
0x77: {  	_ =	shalt  }
0x78: {  	_ =	shalt  }
0x79: {  	_ =	shalt  }
0x7a: {  	_ =	shalt  }
0x7b: {  	_ =	shalt  }
0x7c: {  	_ =	shalt  }
0x7d: {  	_ =	shalt  }
0x7e: {  	_ =	shalt  }
0x7f: {  	_ =	shalt  }
0x80: {  	_ =	shalt  }
0x81: {  	_ =	shalt  }
0x82: {  	_ =	shalt  }
0x83: {  	_ =	shalt  }
0x84: {  	_ =	shalt  }
0x85: {  	_ =	shalt  }
0x86: {  	_ =	shalt  }
0x87: {  	_ =	shalt  }
.Lfunc_end0:
.L_simem_size_0:
called_computation_lowered:
.L_overlay_start_0:
0x88: {  	s2 =	sld [smem:$0x3FD9]  }
0x89: {  	s3 =	sld [smem:$0x3FFE];
	_ =	sdelay $0x1  }
0x8a: {  	s1 =	srdreg.scid  }
0x8b: {  	s0 =	sand.u32 $0x1, s1  }
0x8c: {  	s17 =	sshll.u32 s0, $0xA;
	s2 =	sadd.s32 s3, s2  }
0x8d: {  	s2 =	sadd.s32 s2, s17  }
0x8e: {  	[smem:$0x3FBA] =	sst s2  }
0x8f: {  	_ = 	snop  }
0x90: {  	s2 =	sld [smem:$0x3FC9]  }
0x91: {  	s18 =	sld [smem:$0x3FD0];
	(tm) =	ssettm $0x1  }
0x92: {  	s4 =	sld [smem:$0x3FFB];
	_ =	sdelay $0x3  }
0x93: {  	_ =	strace s4  }
0x94: {  	s4 =	sld [smem:$0x3FFC];
	_ =	sdelay $0x3  }
0x95: {  	_ =	strace s4  }
0x96: {  	s4 =	sld [smem:$0x3FFD];
	_ =	sdelay $0x3  }
0x97: {  	_ =	strace s4  }
0x98: {  	_ =	strace $0x8FFFFFFF  }
0x99: {  	s19 =	sld [smem:$0x3FDB];
	_ =	sdelay $0x1  }
0x9a: {  	s5 =	simm.s32 $_scs_section_size  }
0x9b: {  	s6 =	simm.s32 $_size__tile_overlayer_lowered;
	s7 =	simm.s32 $_tile_overlayer_lowered  }
0x9c: {  	s22 =	simm.s32 $0x1BFF;
	s21 =	sshll.u32 s7, $0x1;
	s4 =	sadd.s32 s5, s19  }
0x9d: {  	s8 =	simm.s32 $0x0;
	s20 =	sshll.u32 s6, $0x1;
	s6 =	sadd.s32 s21, s4  }
0x9e: {  	[timem:s8], [sflag:s22] =	dma.local [hbm:s6], s20  }
0x9f: {  	_ =	swait.ge [sflag:s22], s20  }
0xa0: {  	s5 =	ssub.s32 $0x0, s20;
	[sflag:s22] =	ssyncset.done $0x0  }
0xa1: {  	[sflag:s22] =	ssyncadd.s32 s5;
	_ =	sdelay $0x1  }
0xa2: {  	s23 =	simm.s32 $0x1B8B  }
0xa3: {  	_ =	swait.ge [sflag:s23], $0x1  }
0xa4: {  	[sflag:s23] =	ssyncset.done $0x0  }
0xa5: {  	s25 =	simm.s32 $0x1B8E;
	s24 =	sld [smem:$0x3FFE];
	[sflag:s23] =	ssyncadd.s32 $0xFFFFFFFF  }
0xa6: {  	s26 =	simm.s32 $execute0_lowered;
	[smem:$0x3FD2] =	sst s25  }
0xa7: {  	s6 =	sshll.u32 s26, $0x1;
	_ =	strace $0x80000046;
	[dreg:$0x1] =	wrdreg $0xFFFFFFFF  }
0xa8: {  	s28 =	simm.s32 $_size_execute0_lowered;
	s4 =	sadd.s32 s4, s6;
	[dreg:$0x0] =	wrdreg $0x0  }
0xa9: {  	s6 =	sshll.u32 s28, $0x1;
	[dreg:$0x2] =	wrdreg s4  }
0xaa: {  	[dreg:$0x3] =	wrdreg s6  }
0xab: {  	[dreg:$0x4] =	wrdreg $0xC0  }
0xac: {  	_ =	task [dreg:s8], $0x5FFFF  }
0xad: {  	[dreg:$0x1] =	wrdreg $0xFFFFFFFF  }
0xae: {  	[dreg:$0x0] =	wrdreg $0x60  }
0xaf: {  	[dreg:$0x2] =	wrdreg s2  }
0xb0: {  	[dreg:$0x3] =	wrdreg s24  }
0xb1: {  	[dreg:$0x4] =	wrdreg s18  }
0xb2: {  	[dreg:$0x5] =	wrdreg $0xA6000  }
0xb3: {  	[dreg:$0x6] =	wrdreg $0x9  }
0xb4: {  	_ =	task.clear_ibuf [dreg:s8], $0x7FFFF;
	_ =	strace $0x90000046  }
0xb5: {  	s29 =	simm.s32 $0x9;
	_ =	strace $0x80000048  }
0xb6: {  	_ =	swait.ge [sflag:s29], $0x1  }
0xb7: {  	[sflag:s29] =	ssyncadd.s32 $0xFFFFFFFF  }
0xb8: {  	_ =	strace $0x90000048  }
0xb9: {  	_ =	sfence  }
0xba: {  	s30 =	sld [smem:$0x0];
	_ =	sdelay $0x2  }
0xbb: {  	s31 =	sshll.u32 s1, $0xD;
	s1 =	sshrl.u32 s1, $0x2  }
0xbc: {  	s3 =	sand.u32 $0x4000, s31;
	s1 =	sadd.s32 s1, s30  }
0xbd: {  	s0 =	sor.u32 s3, s0;
	s1 =	sshll.u32 s1, $0x11  }
0xbe: {  	s0 =	sor.u32 s1, s0  }
0xbf: {  	s0 =	sadd.s32 $0x8F2B, s0  }
0xc0: {  	[sflag:s0] =	ssyncadd.remote.s32 $0x1  }
0xc1: {  	_ =	sfence.sel $0xFFFF  }
0xc2: {  	[dreg:$0x0] =	wrdreg $0xFFFFFFFF;
	(pc) =	sbr.abs _section_cstart, $3  }
0xc3: {  	[dreg:$0x1] =	wrdreg $0xFFFFFFFF  }
0xc4: {  	_ =	task.clear_ibuf [dreg:s8], $0x2FFFF;
	_ =	strace $0x9FFFFFFF  }
0xc5: {  	(tm) =	ssettm $0x7FFFFFFF  }
tec
execute0_lowered:
.L_overlay_start_1:
0x0: {  	(tag) =	ssettag $0x1  }
0x1: {  	s1 =	rddreg [dreg:$0x0]  }
0x2: {  	s0 =	rddreg [dreg:$0x1]  }
0x3: {  	s2 =	rddreg [dreg:$0x2]  }
0x4: {  	s3 =	rddreg [dreg:$0x3]  }
0x5: {  	s4 =	srdreg.scid;
	s17 =	stileid.u32;
	s28 =	simm.s32 $0x3  }
0x6: {  	s29 =	simm.s32 $0x7;
	s30 =	simm.s32 $0x6;
	s31 =	simm.s32 $0x4  }
0x7: {  	s8 =	sand.u32 $0x1, s4;
	s4 =	simm.s32 $0x0;
	s5 =	sshll.u32 s17, $0x1  }
0x8: {  	s10 =	smul.u32 $0x14000, s17;
	s6 =	sadd.s32 $0x1C00, s0;
	s7 =	sadd.s32 $0x15800, s0  }
0x9: {  	s13 =	sadd.s32 $0x1FC00, s0;
	s15 =	smul.u32 $0x4E20, s17;
	s16 =	sadd.s32 $0x1F600, s0  }
0xa: {  	s9 =	smul.u32 $0x140000, s8;
	[smem:$0x7FF] =	sst s4;
	s11 =	sor.u32 s8, s5  }
0xb: {  	s18 =	smul.u32 $0x2710, s8;
	_ =	strace $0x80000047;
	[dreg:$0xe] =	wrdreg s13  }
0xc: {  	s5 =	sadd.s32 $0xBA00, s0;
	s12 =	smul.u32 $0x500, s11;
	[dreg:$0xf] =	wrdreg s16  }
0xd: {  	s8 =	ssub.s32 $0x2, s8;
	s11 =	smul.u32 $0x2710, s11;
	[smem:$0x7F7] =	sst s6  }
0xe: {  	s14 =	sshrl.u32 s8, $0x1;
	[smem:$0x7F8] =	sst s7;
	s9 =	sadd.s32 s10, s9  }
0xf: {  	s10 =	sadd.s32 s18, s15;
	s8 =	ssub.s32 s8, s14;
	s11 =	sshrl.u32 s11, $0x3  }
0x10: {  	s9 =	sshrl.u32 s9, $0x3;
	s2 =	sadd.s32 s2, s12;
	s19 =	sadd.s32 $0xA, s11  }
0x11: {  	s20 =	sadd.s32 $0x230, s10;
	[dreg:$0x16] =	wrdreg s2;
	s15 =	sadd.s32 s5, s19  }
0x12: {  	s16 =	sadd.s32 $0x1E0, s10;
	s21 =	sadd.s32 s6, s19;
	[dreg:$0x10] =	wrdreg s15  }
0x13: {  	s14 =	sshrl.u32 s20, $0x3;
	s13 =	sadd.s32 s7, s19;
	[dreg:$0x11] =	wrdreg s21  }
0x14: {  	s9 =	sadd.s32 s9, s0;
	s23 =	sadd.s32 s14, s7;
	[dreg:$0x12] =	wrdreg s13  }
0x15: {  	s22 =	sadd.s32 $0x14, s11;
	s24 =	sadd.s32 s14, s6;
	[dreg:$0x5] =	wrdreg s23  }
0x16: {  	s0 =	sadd.s32 s12, s0;
	s26 =	sadd.s32 s5, s22;
	[dreg:$0x6] =	wrdreg s24  }
0x17: {  	s25 =	sshrl.u32 s16, $0x3;
	s14 =	sadd.s32 s14, s5;
	[dreg:$0x13] =	wrdreg s26  }
0x18: {  	s12 =	simm.s32 $0x280;
	s19 =	sadd.s32 s6, s22;
	[dreg:$0x7] =	wrdreg s14  }
0x19: {  	s18 =	sadd.s32 s25, s7;
	s20 =	sadd.s32 s25, s6;
	[dreg:$0x14] =	wrdreg s19  }
0x1a: {  	s0 =	sadd.s32 $0x22400, s0;
	[dreg:$0x8] =	wrdreg s18;
	s13 =	sadd.s32 s7, s22  }
0x1b: {  	[dreg:$0x9] =	wrdreg s20;
	s21 =	sadd.s32 $0x190, s10;
	s22 =	sadd.s32 $0x1E, s11  }
0x1c: {  	s15 =	sadd.s32 s25, s5;
	s24 =	smul.u32 $0x50000, s17;
	[smem:$0x7FA] =	sst s0  }
0x1d: {  	s17 =	smov.u32 s5;
	s19 =	sadd.s32 s5, s11;
	[dreg:$0x15] =	wrdreg s13  }
0x1e: {  	s20 =	sadd.s32 s6, s11;
	s0 =	simm.s32 $0x380;
	[dreg:$0xa] =	wrdreg s15  }
0x1f: {  	s13 =	sshrl.u32 s21, $0x3;
	s26 =	sadd.s32 s5, s22;
	[dreg:$0x1b] =	wrdreg s19  }
0x20: {  	s15 =	sadd.s32 s6, s22;
	s18 =	sadd.s32 s7, s22;
	[dreg:$0x1c] =	wrdreg s20  }
0x21: {  	s21 =	sadd.s32 s7, s11;
	s22 =	sadd.s32 $0x4D8, s11;
	[dreg:$0x17] =	wrdreg s26  }
0x22: {  	s19 =	simm.s32 $0x50;
	s20 =	simm.s32 $0x600;
	[dreg:$0x18] =	wrdreg s15  }
0x23: {  	s23 =	sadd.s32 s13, s7;
	s25 =	sadd.s32 s13, s6;
	[dreg:$0x19] =	wrdreg s18  }
0x24: {  	s13 =	sadd.s32 s13, s5;
	s16 =	sshrl.u32 s24, $0x2;
	[dreg:$0x1d] =	wrdreg s21  }
0x25: {  	s11 =	sadd.s32 s5, s22;
	s24 =	sadd.s32 $0x2C400, s9;
	[dreg:$0xb] =	wrdreg s23  }
0x26: {  	s26 =	sadd.s32 $0x140, s10;
	s15 =	simm.s32 $0x300;
	[dreg:$0xc] =	wrdreg s25  }
0x27: {  	s5 =	simm.s32 $0x500;
	s18 =	simm.s32 $0x1;
	[dreg:$0xd] =	wrdreg s13  }
0x28: {  	s21 =	simm.s32 $0x2;
	s10 =	simm.s32 $0x9;
	[dreg:$0x1e] =	wrdreg s11  }
0x29: {  	s9 =	simm.s32 $0x8;
	s2 =	sadd.s32 s16, s3;
	[smem:$0x7FB] =	sst s24  }
0x2a: {  	s23 =	sadd.s32 s6, s22;
	s25 =	smax.u32 s8, $0x1;
	[smem:$0x7FD] =	sst s26  }
0x2b: {  	s6 =	simm.s32 $0x80;
	s13 =	simm.s32 $0x100;
	s16 =	simm.s32 $0x180  }
0x2c: {  	s8 =	simm.s32 $0x580;
	s24 =	simm.s32 $0x5600;
	[dreg:$0x1a] =	wrdreg s2  }
0x2d: {  	s26 =	simm.s32 $0x5;
	[dreg:$0x1f] =	wrdreg s23;
	s2 =	sadd.s32 s7, s22  }
0x2e: {  	[smem:$0x7FC] =	sst s25;
	s22 =	simm.s32 $0x2E00;
	s25 =	simm.s32 $0x7E00  }
0x2f: {  	v0 =	vimm.f32 $1.000000000e+00;
	s7 =	simm.s32 $0x0;
	[smem:$0x7F9] =	sst s2;
	s2 =	simm.s32 $0x480  }
.LBB2_1:
0x30: {  	[smem:$0x7F4] =	sst s7  }
0x31: {  	s11 =	rddreg [dreg:$0x1b]  }
0x32: {  	[tilespmem:s4], [sflag:$0x1] =	stream.linear.gather [hbm4b:s11+s4], $0x50, $0x38;
	[tilespmem:$0x1E600] =	vst v63  }
0x33: {  	s14 =	rddreg [dreg:$0x1c];
	s7 =	simm.s32 $0x200  }
0x34: {  	[tilespmem:s7], [sflag:$0x1] =	stream.linear.gather [hbm4b:s14+s4], $0x50, $0x38;
	[tilespmem:$0x1E600] =	vst v63  }
0x35: {  	s23 =	rddreg [dreg:$0x1d];
	s14 =	simm.s32 $0x400  }
0x36: {  	[tilespmem:s14], [sflag:$0x1] =	stream.linear.gather [hbm4b:s23+s4], $0x50, $0x38;
	[tilespmem:$0x1E600] =	vst v63  }
0x37: {  	s23 =	rddreg [dreg:$0x10]  }
0x38: {  	[tilespmem:s6], [sflag:$0x2] =	stream.linear.gather [hbm4b:s23+s4], $0x50, $0x38;
	[tilespmem:$0x1E600] =	vst v63  }
0x39: {  	s14 =	rddreg [dreg:$0x11]  }
0x3a: {  	[tilespmem:s12], [sflag:$0x2] =	stream.linear.gather [hbm4b:s14+s4], $0x50, $0x38;
	[tilespmem:$0x1E600] =	vst v63  }
0x3b: {  	s23 =	rddreg [dreg:$0x12]  }
0x3c: {  	[tilespmem:s2], [sflag:$0x2] =	stream.linear.gather [hbm4b:s23+s4], $0x50, $0x38;
	[tilespmem:$0x1E600] =	vst v63  }
0x3d: {  	s12 =	rddreg [dreg:$0x13]  }
0x3e: {  	[tilespmem:s13], [sflag:$0x3] =	stream.linear.gather [hbm4b:s12+s4], $0x50, $0x38;
	[tilespmem:$0x1E600] =	vst v63  }
0x3f: {  	s14 =	rddreg [dreg:$0x14]  }
0x40: {  	[tilespmem:s15], [sflag:$0x3] =	stream.linear.gather [hbm4b:s14+s4], $0x50, $0x38;
	[tilespmem:$0x1E600] =	vst v63  }
0x41: {  	s15 =	rddreg [dreg:$0x15]  }
0x42: {  	[tilespmem:s5], [sflag:$0x3] =	stream.linear.gather [hbm4b:s15+s4], $0x50, $0x38;
	[tilespmem:$0x1E600] =	vst v63  }
0x43: {  	s23 =	rddreg [dreg:$0x17]  }
0x44: {  	[tilespmem:s16], [sflag:$0x4] =	stream.linear.gather [hbm4b:s23+s4], $0x50, $0x38;
	[tilespmem:$0x1E600] =	vst v63  }
0x45: {  	s2 =	rddreg [dreg:$0x18]  }
0x46: {  	[tilespmem:s0], [sflag:$0x4] =	stream.linear.gather [hbm4b:s2+s4], $0x50, $0x38;
	[tilespmem:$0x1E600] =	vst v63  }
0x47: {  	s5 =	rddreg [dreg:$0x19]  }
0x48: {  	[tilespmem:s8], [sflag:$0x4] =	stream.linear.gather [hbm4b:s5+s4], $0x50, $0x38;
	[tilespmem:$0x1E600] =	vst v63  }
0x49: {  	_ =	swait.ge [sflag:s18], $0x50  }
0x4a: {  	[sflag:s18] =	ssyncset.done $0x0  }
0x4b: {  	[sflag:s18] =	ssyncadd.s32 $0xFFFFFFB0  }
0x4c: {  	_ =	swait.ge [sflag:s18], $0x50  }
0x4d: {  	[sflag:s18] =	ssyncset.done $0x0  }
0x4e: {  	[sflag:s18] =	ssyncadd.s32 $0xFFFFFFB0  }
0x4f: {  	_ =	swait.ge [sflag:s18], $0x50  }
0x50: {  	[sflag:s18] =	ssyncset.done $0x0  }
0x51: {  	[sflag:s18] =	ssyncadd.s32 $0xFFFFFFB0  }
0x52: {  	[tilespmem:s20], [sflag:$0x5] =	stream.indirect.gather [hbm4b:s1+s19], $0x80, s4, s19, $0xb8;
	[tilespmem:$0x1E600] =	vst v63  }
0x53: {  	_ =	swait.ge [sflag:s21], $0x50  }
0x54: {  	[sflag:s21] =	ssyncset.done $0x0  }
0x55: {  	[sflag:s21] =	ssyncadd.s32 $0xFFFFFFB0  }
0x56: {  	_ =	swait.ge [sflag:s21], $0x50  }
0x57: {  	[sflag:s21] =	ssyncset.done $0x0  }
0x58: {  	[sflag:s21] =	ssyncadd.s32 $0xFFFFFFB0  }
0x59: {  	s12 =	stileid.u32;
	_ =	swait.ge [sflag:s21], $0x50  }
0x5a: {  	s11 =	sshll.u32 s12, $0x6;
	s14 =	rddreg [dreg:$0x1a]  }
0x5b: {  	s13 =	sor.u32 $0x1C09, s11;
	[sflag:s21] =	ssyncset.done $0x0;
	s16 =	rddreg [dreg:$0xe]  }
0x5c: {  	[smem:$0x7F5] =	sst s13;
	[sflag:s21] =	ssyncadd.s32 $0xFFFFFFB0;
	s15 =	sshrl.u32 s14, $0x3  }
0x5d: {  	[tilespmem:s22], [sflag:$0x6] =	stream.indirect.gather [hbm4b:s1+s19], $0x80, s6, s19, $0xb8;
	[tilespmem:$0x1E600] =	vst v63  }
0x5e: {  	[smem:$0x7F6] =	sst s15  }
0x5f: {  	[spmem:s15], [sflag:s13] =	dma.local [hbm:s16], $0x2800  }
0x60: {  	_ =	swait.ge [sflag:s10], $0x2800  }
0x61: {  	[sflag:s10] =	ssyncset.done $0x0  }
0x62: {  	s23 =	rddreg [dreg:$0xf];
	[sflag:s10] =	ssyncadd.s32 $0xFFFFD800  }
0x63: {  	[tilespmem:s24], [sflag:$0x9] =	stream.linear.gather [hbm4b:s23+s4], $0x2800, $0x38;
	[tilespmem:$0x1E600] =	vst v63  }
0x64: {  	_ =	swait.ge [sflag:s10], $0x2800  }
0x65: {  	[sflag:s10] =	ssyncset.done $0x0  }
0x66: {  	[sflag:s10] =	ssyncadd.s32 $0xFFFFD800  }
0x67: {  	[tilespmem:s25], [sflag:$0x9] =	stream.linear.gather [hbm4b:s23+s4], $0x2800, $0x38;
	[tilespmem:$0x1E600] =	vst v63  }
0x68: {  	_ =	swait.ge [sflag:s10], $0x2800  }
0x69: {  	[sflag:s10] =	ssyncset.done $0x0  }
0x6a: {  	[sflag:s10] =	ssyncadd.s32 $0xFFFFD800  }
0x6b: {  	[bflag:$0x0] =	sbarrier.arrive $0xFFFF  }
0x6c: {  	v1 =	vld [tilespmem:$0x200];
	_ =	sdelay $0x2  }
0x6d: {  	v2 =	vld [tilespmem:$0x400];
	_ =	sdelay $0x4  }
0x6e: {  	[tilespmem:v1+s24+$0x0] =	vst.idx.add.f32.msk $0xffff, v2  }
0x6f: {  	[tilespmem:v1+s25+$0x0] =	vst.idx.add.f32.msk $0xffff, v0  }
0x70: {  	v1 =	vld [tilespmem:$0x210];
	_ =	sdelay $0x2  }
0x71: {  	v2 =	vld [tilespmem:$0x410];
	_ =	sdelay $0x4  }
0x72: {  	[tilespmem:v1+s24+$0x0] =	vst.idx.add.f32.msk $0xffff, v2  }
0x73: {  	[tilespmem:v1+s25+$0x0] =	vst.idx.add.f32.msk $0xffff, v0  }
0x74: {  	v1 =	vld [tilespmem:$0x220];
	_ =	sdelay $0x2  }
0x75: {  	v2 =	vld [tilespmem:$0x420];
	_ =	sdelay $0x4  }
0x76: {  	[tilespmem:v1+s24+$0x0] =	vst.idx.add.f32.msk $0xffff, v2  }
0x77: {  	[tilespmem:v1+s25+$0x0] =	vst.idx.add.f32.msk $0xffff, v0  }
0x78: {  	v1 =	vld [tilespmem:$0x230];
	_ =	sdelay $0x2  }
0x79: {  	v2 =	vld [tilespmem:$0x430];
	_ =	sdelay $0x4  }
0x7a: {  	[tilespmem:v1+s24+$0x0] =	vst.idx.add.f32.msk $0xffff, v2  }
0x7b: {  	[tilespmem:v1+s25+$0x0] =	vst.idx.add.f32.msk $0xffff, v0  }
0x7c: {  	v1 =	vld [tilespmem:$0x240];
	_ =	sdelay $0x2  }
0x7d: {  	v2 =	vld [tilespmem:$0x440];
	_ =	sdelay $0x4  }
0x7e: {  	[tilespmem:v1+s24+$0x0] =	vst.idx.add.f32.msk $0xffff, v2  }
0x7f: {  	[tilespmem:v1+s25+$0x0] =	vst.idx.add.f32.msk $0xffff, v0  }
0x80: {  	v1 =	vld [tilespmem:$0x280];
	_ =	sdelay $0x2  }
0x81: {  	v2 =	vld [tilespmem:$0x480];
	_ =	sdelay $0x4  }
0x82: {  	[tilespmem:v1+s24+$0x0] =	vst.idx.add.f32.msk $0xffff, v2  }
0x83: {  	[tilespmem:v1+s25+$0x0] =	vst.idx.add.f32.msk $0xffff, v0  }
0x84: {  	v1 =	vld [tilespmem:$0x290];
	_ =	sdelay $0x2  }
0x85: {  	v2 =	vld [tilespmem:$0x490];
	_ =	sdelay $0x4  }
0x86: {  	[tilespmem:v1+s24+$0x0] =	vst.idx.add.f32.msk $0xffff, v2  }
0x87: {  	[tilespmem:v1+s25+$0x0] =	vst.idx.add.f32.msk $0xffff, v0  }
0x88: {  	v1 =	vld [tilespmem:$0x2A0];
	_ =	sdelay $0x2  }
0x89: {  	v2 =	vld [tilespmem:$0x4A0];
	_ =	sdelay $0x4  }
0x8a: {  	[tilespmem:v1+s24+$0x0] =	vst.idx.add.f32.msk $0xffff, v2  }
0x8b: {  	[tilespmem:v1+s25+$0x0] =	vst.idx.add.f32.msk $0xffff, v0  }
0x8c: {  	v1 =	vld [tilespmem:$0x2B0];
	_ =	sdelay $0x2  }
0x8d: {  	v2 =	vld [tilespmem:$0x4B0];
	_ =	sdelay $0x4  }
0x8e: {  	[tilespmem:v1+s24+$0x0] =	vst.idx.add.f32.msk $0xffff, v2  }
0x8f: {  	[tilespmem:v1+s25+$0x0] =	vst.idx.add.f32.msk $0xffff, v0  }
0x90: {  	v1 =	vld [tilespmem:$0x2C0];
	_ =	sdelay $0x2  }
0x91: {  	v2 =	vld [tilespmem:$0x4C0];
	_ =	sdelay $0x4  }
0x92: {  	[tilespmem:v1+s24+$0x0] =	vst.idx.add.f32.msk $0xffff, v2  }
0x93: {  	[tilespmem:v1+s25+$0x0] =	vst.idx.add.f32.msk $0xffff, v0  }
0x94: {  	_ =	swait.ge [sflag:s26], $0x2800  }
0x95: {  	[sflag:s26] =	ssyncset.done $0x0;
	s23 =	sld [smem:$0x7FD]  }
0x96: {  	s8 =	sld [smem:$0x7F8];
	[sflag:s26] =	ssyncadd.s32 $0xFFFFD800  }
0x97: {  	[spmem:s3] =	stream.indirect.scatter.add.f32 [tilespmem:s20], [sflag:$0x7], $0x80, s7, s19, $0xb8;
	[tilespmem:$0x1E600] =	vst v63  }
0x98: {  	s11 =	simm.s32 $0x0;
	s10 =	simm.s32 $0x80;
	s7 =	sld [smem:$0x7F7]  }
.LBB2_2:
0x99: {  	_ =	swait.ge [sflag:s28], $0x50  }
0x9a: {  	[sflag:s28] =	ssyncset.done $0x0  }
0x9b: {  	[sflag:s28] =	ssyncadd.s32 $0xFFFFFFB0  }
0x9c: {  	_ =	swait.ge [sflag:s28], $0x50  }
0x9d: {  	[sflag:s28] =	ssyncset.done $0x0  }
0x9e: {  	[sflag:s28] =	ssyncadd.s32 $0xFFFFFFB0  }
0x9f: {  	_ =	swait.ge [sflag:s28], $0x50  }
0xa0: {  	[sflag:s28] =	ssyncset.done $0x0  }
0xa1: {  	[sflag:s28] =	ssyncadd.s32 $0xFFFFFFB0  }
0xa2: {  	_ =	swait.ge [sflag:s29], $0x2800  }
0xa3: {  	[sflag:s29] =	ssyncset.done $0x0  }
0xa4: {  	s15 =	simm.s32 $0x100;
	[sflag:s29] =	ssyncadd.s32 $0xFFFFD800  }
0xa5: {  	[tilespmem:s20], [sflag:$0x5] =	stream.indirect.gather [hbm4b:s1+s19], $0x80, s15, s19, $0xb8;
	[tilespmem:$0x1E600] =	vst v63  }
0xa6: {  	v1 =	vld [tilespmem:$0x300];
	_ =	sdelay $0x2  }
0xa7: {  	v2 =	vld [tilespmem:$0x500];
	_ =	sdelay $0x4  }
0xa8: {  	[tilespmem:v1+s24+$0x0] =	vst.idx.add.f32.msk $0xffff, v2  }
0xa9: {  	[tilespmem:v1+s25+$0x0] =	vst.idx.add.f32.msk $0xffff, v0  }
0xaa: {  	v1 =	vld [tilespmem:$0x310];
	_ =	sdelay $0x2  }
0xab: {  	v2 =	vld [tilespmem:$0x510];
	_ =	sdelay $0x4  }
0xac: {  	[tilespmem:v1+s24+$0x0] =	vst.idx.add.f32.msk $0xffff, v2  }
0xad: {  	[tilespmem:v1+s25+$0x0] =	vst.idx.add.f32.msk $0xffff, v0  }
0xae: {  	v1 =	vld [tilespmem:$0x320];
	_ =	sdelay $0x2  }
0xaf: {  	v2 =	vld [tilespmem:$0x520];
	_ =	sdelay $0x4  }
0xb0: {  	[tilespmem:v1+s24+$0x0] =	vst.idx.add.f32.msk $0xffff, v2  }
0xb1: {  	[tilespmem:v1+s25+$0x0] =	vst.idx.add.f32.msk $0xffff, v0  }
0xb2: {  	v1 =	vld [tilespmem:$0x330];
	_ =	sdelay $0x2  }
0xb3: {  	v2 =	vld [tilespmem:$0x530];
	_ =	sdelay $0x4  }
0xb4: {  	[tilespmem:v1+s24+$0x0] =	vst.idx.add.f32.msk $0xffff, v2  }
0xb5: {  	[tilespmem:v1+s25+$0x0] =	vst.idx.add.f32.msk $0xffff, v0  }
0xb6: {  	v1 =	vld [tilespmem:$0x340];
	_ =	sdelay $0x2  }
0xb7: {  	v2 =	vld [tilespmem:$0x540];
	_ =	sdelay $0x4  }
0xb8: {  	[tilespmem:v1+s24+$0x0] =	vst.idx.add.f32.msk $0xffff, v2  }
0xb9: {  	[tilespmem:v1+s25+$0x0] =	vst.idx.add.f32.msk $0xffff, v0  }
0xba: {  	_ =	swait.ge [sflag:s30], $0x2800  }
0xbb: {  	[sflag:s30] =	ssyncset.done $0x0  }
0xbc: {  	s13 =	simm.s32 $0x280;
	s14 =	sshrl.u32 s23, $0x3;
	[sflag:s30] =	ssyncadd.s32 $0xFFFFD800  }
0xbd: {  	[spmem:s3] =	stream.indirect.scatter.add.f32 [tilespmem:s22], [sflag:$0x8], $0x80, s13, s19, $0xb8;
	[tilespmem:$0x1E600] =	vst v63  }
0xbe: {  	s12 =	sadd.s32 s17, s14  }
0xbf: {  	[tilespmem:s4], [sflag:$0x1] =	stream.linear.gather [hbm4b:s12+s4], $0x50, $0x38;
	[tilespmem:$0x1E600] =	vst v63  }
0xc0: {  	s2 =	simm.s32 $0x200;
	s16 =	sadd.s32 s7, s14  }
0xc1: {  	[tilespmem:s2], [sflag:$0x1] =	stream.linear.gather [hbm4b:s16+s4], $0x50, $0x38;
	[tilespmem:$0x1E600] =	vst v63  }
0xc2: {  	s0 =	simm.s32 $0x400;
	s14 =	sadd.s32 s8, s14  }
0xc3: {  	[tilespmem:s0], [sflag:$0x1] =	stream.linear.gather [hbm4b:s14+s4], $0x50, $0x38;
	[tilespmem:$0x1E600] =	vst v63  }
0xc4: {  	_ =	swait.ge [sflag:s31], $0x50  }
0xc5: {  	[sflag:s31] =	ssyncset.done $0x0  }
0xc6: {  	[sflag:s31] =	ssyncadd.s32 $0xFFFFFFB0  }
0xc7: {  	_ =	swait.ge [sflag:s31], $0x50  }
0xc8: {  	[sflag:s31] =	ssyncset.done $0x0  }
0xc9: {  	[sflag:s31] =	ssyncadd.s32 $0xFFFFFFB0  }
0xca: {  	_ =	swait.ge [sflag:s31], $0x50  }
0xcb: {  	[sflag:s31] =	ssyncset.done $0x0  }
0xcc: {  	[sflag:s31] =	ssyncadd.s32 $0xFFFFFFB0  }
0xcd: {  	_ =	swait.ge [sflag:s9], $0x2800  }
0xce: {  	[sflag:s9] =	ssyncset.done $0x0  }
0xcf: {  	s0 =	simm.s32 $0x180;
	[sflag:s9] =	ssyncadd.s32 $0xFFFFD800  }
0xd0: {  	[tilespmem:s22], [sflag:$0x6] =	stream.indirect.gather [hbm4b:s1+s19], $0x80, s0, s19, $0xb8;
	[tilespmem:$0x1E600] =	vst v63  }
0xd1: {  	v1 =	vld [tilespmem:$0x380];
	_ =	sdelay $0x2  }
0xd2: {  	v2 =	vld [tilespmem:$0x580];
	_ =	sdelay $0x4  }
0xd3: {  	[tilespmem:v1+s24+$0x0] =	vst.idx.add.f32.msk $0xffff, v2  }
0xd4: {  	[tilespmem:v1+s25+$0x0] =	vst.idx.add.f32.msk $0xffff, v0  }
0xd5: {  	v1 =	vld [tilespmem:$0x390];
	_ =	sdelay $0x2  }
0xd6: {  	v2 =	vld [tilespmem:$0x590];
	_ =	sdelay $0x4  }
0xd7: {  	[tilespmem:v1+s24+$0x0] =	vst.idx.add.f32.msk $0xffff, v2  }
0xd8: {  	[tilespmem:v1+s25+$0x0] =	vst.idx.add.f32.msk $0xffff, v0  }
0xd9: {  	v1 =	vld [tilespmem:$0x3A0];
	_ =	sdelay $0x2  }
0xda: {  	v2 =	vld [tilespmem:$0x5A0];
	_ =	sdelay $0x4  }
0xdb: {  	[tilespmem:v1+s24+$0x0] =	vst.idx.add.f32.msk $0xffff, v2  }
0xdc: {  	[tilespmem:v1+s25+$0x0] =	vst.idx.add.f32.msk $0xffff, v0  }
0xdd: {  	v1 =	vld [tilespmem:$0x3B0];
	_ =	sdelay $0x2  }
0xde: {  	v2 =	vld [tilespmem:$0x5B0];
	_ =	sdelay $0x4  }
0xdf: {  	[tilespmem:v1+s24+$0x0] =	vst.idx.add.f32.msk $0xffff, v2  }
0xe0: {  	[tilespmem:v1+s25+$0x0] =	vst.idx.add.f32.msk $0xffff, v0  }
0xe1: {  	v1 =	vld [tilespmem:$0x3C0];
	_ =	sdelay $0x2  }
0xe2: {  	v2 =	vld [tilespmem:$0x5C0];
	_ =	sdelay $0x4  }
0xe3: {  	[tilespmem:v1+s24+$0x0] =	vst.idx.add.f32.msk $0xffff, v2  }
0xe4: {  	[tilespmem:v1+s25+$0x0] =	vst.idx.add.f32.msk $0xffff, v0  }
0xe5: {  	_ =	swait.ge [sflag:s26], $0x2800  }
0xe6: {  	[sflag:s26] =	ssyncset.done $0x0  }
0xe7: {  	s16 =	simm.s32 $0x300;
	s5 =	rddreg [dreg:$0xd];
	[sflag:s26] =	ssyncadd.s32 $0xFFFFD800  }
0xe8: {  	[spmem:s3] =	stream.indirect.scatter.add.f32 [tilespmem:s20], [sflag:$0x7], $0x80, s16, s19, $0xb8;
	[tilespmem:$0x1E600] =	vst v63  }
0xe9: {  	s12 =	rddreg [dreg:$0xc];
	s14 =	sadd.s32 s11, s5  }
0xea: {  	[tilespmem:s10], [sflag:$0x2] =	stream.linear.gather [hbm4b:s14+s4], $0x50, $0x38;
	[tilespmem:$0x1E600] =	vst v63  }
0xeb: {  	s6 =	smov.u32 s17;
	s5 =	rddreg [dreg:$0xb];
	s17 =	sadd.s32 s11, s12  }
0xec: {  	[tilespmem:s13], [sflag:$0x2] =	stream.linear.gather [hbm4b:s17+s4], $0x50, $0x38;
	[tilespmem:$0x1E600] =	vst v63  }
0xed: {  	s14 =	sadd.s32 s11, s5;
	s5 =	simm.s32 $0x480  }
0xee: {  	[tilespmem:s5], [sflag:$0x2] =	stream.linear.gather [hbm4b:s14+s4], $0x50, $0x38;
	[tilespmem:$0x1E600] =	vst v63  }
0xef: {  	_ =	swait.ge [sflag:s18], $0x50  }
0xf0: {  	[sflag:s18] =	ssyncset.done $0x0  }
0xf1: {  	[sflag:s18] =	ssyncadd.s32 $0xFFFFFFB0  }
0xf2: {  	_ =	swait.ge [sflag:s18], $0x50  }
0xf3: {  	[sflag:s18] =	ssyncset.done $0x0  }
0xf4: {  	[sflag:s18] =	ssyncadd.s32 $0xFFFFFFB0  }
0xf5: {  	_ =	swait.ge [sflag:s18], $0x50  }
0xf6: {  	[sflag:s18] =	ssyncset.done $0x0  }
0xf7: {  	[sflag:s18] =	ssyncadd.s32 $0xFFFFFFB0  }
0xf8: {  	_ =	swait.ge [sflag:s29], $0x2800  }
0xf9: {  	[sflag:s29] =	ssyncset.done $0x0  }
0xfa: {  	[sflag:s29] =	ssyncadd.s32 $0xFFFFD800  }
0xfb: {  	[tilespmem:s20], [sflag:$0x5] =	stream.indirect.gather [hbm4b:s1+s19], $0x80, s4, s19, $0xb8;
	[tilespmem:$0x1E600] =	vst v63  }
0xfc: {  	v1 =	vld [tilespmem:$0x200];
	_ =	sdelay $0x2  }
0xfd: {  	v2 =	vld [tilespmem:$0x400];
	_ =	sdelay $0x4  }
0xfe: {  	[tilespmem:v1+s24+$0x0] =	vst.idx.add.f32.msk $0xffff, v2  }
0xff: {  	[tilespmem:v1+s25+$0x0] =	vst.idx.add.f32.msk $0xffff, v0  }
0x100: {  	v1 =	vld [tilespmem:$0x210];
	_ =	sdelay $0x2  }
0x101: {  	v2 =	vld [tilespmem:$0x410];
	_ =	sdelay $0x4  }
0x102: {  	[tilespmem:v1+s24+$0x0] =	vst.idx.add.f32.msk $0xffff, v2  }
0x103: {  	[tilespmem:v1+s25+$0x0] =	vst.idx.add.f32.msk $0xffff, v0  }
0x104: {  	v1 =	vld [tilespmem:$0x220];
	_ =	sdelay $0x2  }
0x105: {  	v2 =	vld [tilespmem:$0x420];
	_ =	sdelay $0x4  }
0x106: {  	[tilespmem:v1+s24+$0x0] =	vst.idx.add.f32.msk $0xffff, v2  }
0x107: {  	[tilespmem:v1+s25+$0x0] =	vst.idx.add.f32.msk $0xffff, v0  }
0x108: {  	v1 =	vld [tilespmem:$0x230];
	_ =	sdelay $0x2  }
0x109: {  	v2 =	vld [tilespmem:$0x430];
	_ =	sdelay $0x4  }
0x10a: {  	[tilespmem:v1+s24+$0x0] =	vst.idx.add.f32.msk $0xffff, v2  }
0x10b: {  	[tilespmem:v1+s25+$0x0] =	vst.idx.add.f32.msk $0xffff, v0  }
0x10c: {  	v1 =	vld [tilespmem:$0x240];
	_ =	sdelay $0x2  }
0x10d: {  	v2 =	vld [tilespmem:$0x440];
	_ =	sdelay $0x4  }
0x10e: {  	[tilespmem:v1+s24+$0x0] =	vst.idx.add.f32.msk $0xffff, v2  }
0x10f: {  	[tilespmem:v1+s25+$0x0] =	vst.idx.add.f32.msk $0xffff, v0  }
0x110: {  	_ =	swait.ge [sflag:s30], $0x2800  }
0x111: {  	[sflag:s30] =	ssyncset.done $0x0  }
0x112: {  	s5 =	simm.s32 $0x380;
	s13 =	rddreg [dreg:$0xa];
	[sflag:s30] =	ssyncadd.s32 $0xFFFFD800  }
0x113: {  	[spmem:s3] =	stream.indirect.scatter.add.f32 [tilespmem:s22], [sflag:$0x8], $0x80, s5, s19, $0xb8;
	[tilespmem:$0x1E600] =	vst v63  }
0x114: {  	s17 =	rddreg [dreg:$0x9];
	s14 =	sadd.s32 s11, s13  }
0x115: {  	[tilespmem:s15], [sflag:$0x3] =	stream.linear.gather [hbm4b:s14+s4], $0x50, $0x38;
	[tilespmem:$0x1E600] =	vst v63  }
0x116: {  	s17 =	sadd.s32 s11, s17;
	s14 =	rddreg [dreg:$0x8]  }
0x117: {  	[tilespmem:s16], [sflag:$0x3] =	stream.linear.gather [hbm4b:s17+s4], $0x50, $0x38;
	[tilespmem:$0x1E600] =	vst v63  }
0x118: {  	s14 =	sadd.s32 s11, s14;
	s17 =	simm.s32 $0x500  }
0x119: {  	[tilespmem:s17], [sflag:$0x3] =	stream.linear.gather [hbm4b:s14+s4], $0x50, $0x38;
	[tilespmem:$0x1E600] =	vst v63  }
0x11a: {  	_ =	swait.ge [sflag:s21], $0x50  }
0x11b: {  	[sflag:s21] =	ssyncset.done $0x0  }
0x11c: {  	[sflag:s21] =	ssyncadd.s32 $0xFFFFFFB0  }
0x11d: {  	_ =	swait.ge [sflag:s21], $0x50  }
0x11e: {  	[sflag:s21] =	ssyncset.done $0x0  }
0x11f: {  	[sflag:s21] =	ssyncadd.s32 $0xFFFFFFB0  }
0x120: {  	_ =	swait.ge [sflag:s21], $0x50  }
0x121: {  	[sflag:s21] =	ssyncset.done $0x0  }
0x122: {  	[sflag:s21] =	ssyncadd.s32 $0xFFFFFFB0  }
0x123: {  	_ =	swait.ge [sflag:s9], $0x2800  }
0x124: {  	[sflag:s9] =	ssyncset.done $0x0  }
0x125: {  	[sflag:s9] =	ssyncadd.s32 $0xFFFFD800  }
0x126: {  	[tilespmem:s22], [sflag:$0x6] =	stream.indirect.gather [hbm4b:s1+s19], $0x80, s10, s19, $0xb8;
	[tilespmem:$0x1E600] =	vst v63  }
0x127: {  	v1 =	vld [tilespmem:$0x280];
	_ =	sdelay $0x2  }
0x128: {  	v2 =	vld [tilespmem:$0x480];
	_ =	sdelay $0x4  }
0x129: {  	[tilespmem:v1+s24+$0x0] =	vst.idx.add.f32.msk $0xffff, v2  }
0x12a: {  	[tilespmem:v1+s25+$0x0] =	vst.idx.add.f32.msk $0xffff, v0  }
0x12b: {  	v1 =	vld [tilespmem:$0x290];
	_ =	sdelay $0x2  }
0x12c: {  	v2 =	vld [tilespmem:$0x490];
	_ =	sdelay $0x4  }
0x12d: {  	[tilespmem:v1+s24+$0x0] =	vst.idx.add.f32.msk $0xffff, v2  }
0x12e: {  	[tilespmem:v1+s25+$0x0] =	vst.idx.add.f32.msk $0xffff, v0  }
0x12f: {  	v1 =	vld [tilespmem:$0x2A0];
	_ =	sdelay $0x2  }
0x130: {  	v2 =	vld [tilespmem:$0x4A0];
	_ =	sdelay $0x4  }
0x131: {  	[tilespmem:v1+s24+$0x0] =	vst.idx.add.f32.msk $0xffff, v2  }
0x132: {  	[tilespmem:v1+s25+$0x0] =	vst.idx.add.f32.msk $0xffff, v0  }
0x133: {  	v1 =	vld [tilespmem:$0x2B0];
	_ =	sdelay $0x2  }
0x134: {  	v2 =	vld [tilespmem:$0x4B0];
	_ =	sdelay $0x4  }
0x135: {  	[tilespmem:v1+s24+$0x0] =	vst.idx.add.f32.msk $0xffff, v2  }
0x136: {  	[tilespmem:v1+s25+$0x0] =	vst.idx.add.f32.msk $0xffff, v0  }
0x137: {  	v1 =	vld [tilespmem:$0x2C0];
	_ =	sdelay $0x2  }
0x138: {  	v2 =	vld [tilespmem:$0x4C0];
	_ =	sdelay $0x4  }
0x139: {  	[tilespmem:v1+s24+$0x0] =	vst.idx.add.f32.msk $0xffff, v2  }
0x13a: {  	[tilespmem:v1+s25+$0x0] =	vst.idx.add.f32.msk $0xffff, v0  }
0x13b: {  	p0 =	sne.s32 s11, $0x488;
	_ =	swait.ge [sflag:s26], $0x2800  }
0x13c: {  	s23 =	sadd.s32 $0x140, s23;
	s12 =	simm.s32 $0x280;
	[sflag:s26] =	ssyncset.done $0x0  }
0x13d: {  	s13 =	simm.s32 $0x100;
	s17 =	rddreg [dreg:$0x7];
	[sflag:s26] =	ssyncadd.s32 $0xFFFFD800  }
0x13e: {  	[spmem:s3] =	stream.indirect.scatter.add.f32 [tilespmem:s20], [sflag:$0x7], $0x80, s2, s19, $0xb8;
	[tilespmem:$0x1E600] =	vst v63  }
0x13f: {  	s15 =	simm.s32 $0x300;
	s14 =	sadd.s32 s11, s17;
	s17 =	rddreg [dreg:$0x6]  }
0x140: {  	[tilespmem:s0], [sflag:$0x4] =	stream.linear.gather [hbm4b:s14+s4], $0x50, $0x38;
	[tilespmem:$0x1E600] =	vst v63  }
.Ltmp0:
0x141: {  	s16 =	simm.s32 $0x180;
	s2 =	rddreg [dreg:$0x5];
	(pc) =	sbr.rel @p0 .LBB2_2-.Ltmp0, $4  }
0x142: {  	s17 =	sadd.s32 s11, s17;
	s0 =	simm.s32 $0x380;
	s14 =	sadd.s32 s11, s2  }
0x143: {  	[tilespmem:s5], [sflag:$0x4] =	stream.linear.gather [hbm4b:s17+s4], $0x50, $0x38;
	[tilespmem:$0x1E600] =	vst v63  }
0x144: {  	s11 =	sadd.s32 $0x28, s11;
	s17 =	smov.u32 s6;
	s6 =	simm.s32 $0x580  }
0x145: {  	[tilespmem:s6], [sflag:$0x4] =	stream.linear.gather [hbm4b:s14+s4], $0x50, $0x38;
	[tilespmem:$0x1E600] =	vst v63  }
0x146: {  	_ =	swait.ge [sflag:s28], $0x50  }
0x147: {  	[sflag:s28] =	ssyncset.done $0x0  }
0x148: {  	[sflag:s28] =	ssyncadd.s32 $0xFFFFFFB0  }
0x149: {  	_ =	swait.ge [sflag:s28], $0x50  }
0x14a: {  	[sflag:s28] =	ssyncset.done $0x0  }
0x14b: {  	[sflag:s28] =	ssyncadd.s32 $0xFFFFFFB0  }
0x14c: {  	_ =	swait.ge [sflag:s28], $0x50  }
0x14d: {  	[sflag:s28] =	ssyncset.done $0x0  }
0x14e: {  	[sflag:s28] =	ssyncadd.s32 $0xFFFFFFB0  }
0x14f: {  	_ =	swait.ge [sflag:s29], $0x2800  }
0x150: {  	[sflag:s29] =	ssyncset.done $0x0  }
0x151: {  	[sflag:s29] =	ssyncadd.s32 $0xFFFFD800  }
0x152: {  	[tilespmem:s20], [sflag:$0x5] =	stream.indirect.gather [hbm4b:s1+s19], $0x80, s13, s19, $0xb8;
	[tilespmem:$0x1E600] =	vst v63  }
0x153: {  	v1 =	vld [tilespmem:$0x300];
	_ =	sdelay $0x2  }
0x154: {  	v2 =	vld [tilespmem:$0x500];
	_ =	sdelay $0x4  }
0x155: {  	[tilespmem:v1+s24+$0x0] =	vst.idx.add.f32.msk $0xffff, v2  }
0x156: {  	[tilespmem:v1+s25+$0x0] =	vst.idx.add.f32.msk $0xffff, v0  }
0x157: {  	v1 =	vld [tilespmem:$0x310];
	_ =	sdelay $0x2  }
0x158: {  	v2 =	vld [tilespmem:$0x510];
	_ =	sdelay $0x4  }
0x159: {  	[tilespmem:v1+s24+$0x0] =	vst.idx.add.f32.msk $0xffff, v2  }
0x15a: {  	[tilespmem:v1+s25+$0x0] =	vst.idx.add.f32.msk $0xffff, v0  }
0x15b: {  	v1 =	vld [tilespmem:$0x320];
	_ =	sdelay $0x2  }
0x15c: {  	v2 =	vld [tilespmem:$0x520];
	_ =	sdelay $0x4  }
0x15d: {  	[tilespmem:v1+s24+$0x0] =	vst.idx.add.f32.msk $0xffff, v2  }
0x15e: {  	[tilespmem:v1+s25+$0x0] =	vst.idx.add.f32.msk $0xffff, v0  }
0x15f: {  	v1 =	vld [tilespmem:$0x330];
	_ =	sdelay $0x2  }
0x160: {  	v2 =	vld [tilespmem:$0x530];
	_ =	sdelay $0x4  }
0x161: {  	[tilespmem:v1+s24+$0x0] =	vst.idx.add.f32.msk $0xffff, v2  }
0x162: {  	[tilespmem:v1+s25+$0x0] =	vst.idx.add.f32.msk $0xffff, v0  }
0x163: {  	v1 =	vld [tilespmem:$0x340];
	_ =	sdelay $0x2  }
0x164: {  	v2 =	vld [tilespmem:$0x540];
	_ =	sdelay $0x4  }
0x165: {  	[tilespmem:v1+s24+$0x0] =	vst.idx.add.f32.msk $0xffff, v2  }
0x166: {  	[tilespmem:v1+s25+$0x0] =	vst.idx.add.f32.msk $0xffff, v0  }
0x167: {  	_ =	swait.ge [sflag:s30], $0x2800  }
0x168: {  	[sflag:s30] =	ssyncset.done $0x0  }
0x169: {  	s11 =	rddreg [dreg:$0x1e];
	[sflag:s30] =	ssyncadd.s32 $0xFFFFD800  }
0x16a: {  	[spmem:s3] =	stream.indirect.scatter.add.f32 [tilespmem:s22], [sflag:$0x8], $0x80, s12, s19, $0xb8;
	[tilespmem:$0x1E600] =	vst v63  }
0x16b: {  	s14 =	rddreg [dreg:$0x1f]  }
0x16c: {  	[tilespmem:s4], [sflag:$0x1] =	stream.linear.gather [hbm4b:s11+s4], $0x50, $0x38;
	[tilespmem:$0x1E600] =	vst v63  }
0x16d: {  	s5 =	simm.s32 $0x200;
	s23 =	sld [smem:$0x7F9]  }
0x16e: {  	[tilespmem:s5], [sflag:$0x1] =	stream.linear.gather [hbm4b:s14+s4], $0x50, $0x38;
	[tilespmem:$0x1E600] =	vst v63  }
0x16f: {  	s2 =	simm.s32 $0x400  }
0x170: {  	[tilespmem:s2], [sflag:$0x1] =	stream.linear.gather [hbm4b:s23+s4], $0x50, $0x38;
	[tilespmem:$0x1E600] =	vst v63  }
0x171: {  	_ =	swait.ge [sflag:s31], $0x50  }
0x172: {  	[sflag:s31] =	ssyncset.done $0x0  }
0x173: {  	[sflag:s31] =	ssyncadd.s32 $0xFFFFFFB0  }
0x174: {  	_ =	swait.ge [sflag:s31], $0x50  }
0x175: {  	[sflag:s31] =	ssyncset.done $0x0  }
0x176: {  	[sflag:s31] =	ssyncadd.s32 $0xFFFFFFB0  }
0x177: {  	_ =	swait.ge [sflag:s31], $0x50  }
0x178: {  	[sflag:s31] =	ssyncset.done $0x0  }
0x179: {  	[sflag:s31] =	ssyncadd.s32 $0xFFFFFFB0  }
0x17a: {  	_ =	swait.ge [sflag:s9], $0x2800  }
0x17b: {  	[sflag:s9] =	ssyncset.done $0x0  }
0x17c: {  	[sflag:s9] =	ssyncadd.s32 $0xFFFFD800  }
0x17d: {  	[tilespmem:s22], [sflag:$0x6] =	stream.indirect.gather [hbm4b:s1+s19], $0x80, s16, s19, $0xb8;
	[tilespmem:$0x1E600] =	vst v63  }
0x17e: {  	v1 =	vld [tilespmem:$0x380];
	_ =	sdelay $0x2  }
0x17f: {  	v2 =	vld [tilespmem:$0x580];
	_ =	sdelay $0x4  }
0x180: {  	[tilespmem:v1+s24+$0x0] =	vst.idx.add.f32.msk $0xffff, v2  }
0x181: {  	[tilespmem:v1+s25+$0x0] =	vst.idx.add.f32.msk $0xffff, v0  }
0x182: {  	v1 =	vld [tilespmem:$0x390];
	_ =	sdelay $0x2  }
0x183: {  	v2 =	vld [tilespmem:$0x590];
	_ =	sdelay $0x4  }
0x184: {  	[tilespmem:v1+s24+$0x0] =	vst.idx.add.f32.msk $0xffff, v2  }
0x185: {  	[tilespmem:v1+s25+$0x0] =	vst.idx.add.f32.msk $0xffff, v0  }
0x186: {  	v1 =	vld [tilespmem:$0x3A0];
	_ =	sdelay $0x2  }
0x187: {  	v2 =	vld [tilespmem:$0x5A0];
	_ =	sdelay $0x4  }
0x188: {  	[tilespmem:v1+s24+$0x0] =	vst.idx.add.f32.msk $0xffff, v2  }
0x189: {  	[tilespmem:v1+s25+$0x0] =	vst.idx.add.f32.msk $0xffff, v0  }
0x18a: {  	v1 =	vld [tilespmem:$0x3B0];
	_ =	sdelay $0x2  }
0x18b: {  	v2 =	vld [tilespmem:$0x5B0];
	_ =	sdelay $0x4  }
0x18c: {  	[tilespmem:v1+s24+$0x0] =	vst.idx.add.f32.msk $0xffff, v2  }
0x18d: {  	[tilespmem:v1+s25+$0x0] =	vst.idx.add.f32.msk $0xffff, v0  }
0x18e: {  	v1 =	vld [tilespmem:$0x3C0];
	_ =	sdelay $0x2  }
0x18f: {  	v2 =	vld [tilespmem:$0x5C0];
	_ =	sdelay $0x4  }
0x190: {  	[tilespmem:v1+s24+$0x0] =	vst.idx.add.f32.msk $0xffff, v2  }
0x191: {  	[tilespmem:v1+s25+$0x0] =	vst.idx.add.f32.msk $0xffff, v0  }
0x192: {  	_ =	swait.ge [sflag:s26], $0x2800  }
0x193: {  	[sflag:s26] =	ssyncset.done $0x0  }
0x194: {  	[sflag:s26] =	ssyncadd.s32 $0xFFFFD800  }
0x195: {  	[spmem:s3] =	stream.indirect.scatter.add.f32 [tilespmem:s20], [sflag:$0x7], $0x80, s15, s19, $0xb8;
	[tilespmem:$0x1E600] =	vst v63  }
0x196: {  	_ =	swait.ge [sflag:s18], $0x50  }
0x197: {  	[sflag:s18] =	ssyncset.done $0x0  }
0x198: {  	[sflag:s18] =	ssyncadd.s32 $0xFFFFFFB0  }
0x199: {  	_ =	swait.ge [sflag:s18], $0x50  }
0x19a: {  	[sflag:s18] =	ssyncset.done $0x0  }
0x19b: {  	[sflag:s18] =	ssyncadd.s32 $0xFFFFFFB0  }
0x19c: {  	_ =	swait.ge [sflag:s18], $0x50  }
0x19d: {  	[sflag:s18] =	ssyncset.done $0x0  }
0x19e: {  	[sflag:s18] =	ssyncadd.s32 $0xFFFFFFB0  }
0x19f: {  	_ =	swait.ge [sflag:s29], $0x2800  }
0x1a0: {  	[sflag:s29] =	ssyncset.done $0x0  }
0x1a1: {  	[sflag:s29] =	ssyncadd.s32 $0xFFFFD800  }
0x1a2: {  	[tilespmem:s20], [sflag:$0x5] =	stream.indirect.gather [hbm4b:s1+s19], $0x80, s4, s19, $0xb8;
	[tilespmem:$0x1E600] =	vst v63  }
0x1a3: {  	v1 =	vld [tilespmem:$0x200];
	_ =	sdelay $0x2  }
0x1a4: {  	v2 =	vld [tilespmem:$0x400];
	_ =	sdelay $0x4  }
0x1a5: {  	[tilespmem:v1+s24+$0x0] =	vst.idx.add.f32.msk $0xffff, v2  }
0x1a6: {  	[tilespmem:v1+s25+$0x0] =	vst.idx.add.f32.msk $0xffff, v0  }
0x1a7: {  	v1 =	vld [tilespmem:$0x210];
	_ =	sdelay $0x2  }
0x1a8: {  	v2 =	vld [tilespmem:$0x410];
	_ =	sdelay $0x4  }
0x1a9: {  	[tilespmem:v1+s24+$0x0] =	vst.idx.add.f32.msk $0xffff, v2  }
0x1aa: {  	[tilespmem:v1+s25+$0x0] =	vst.idx.add.f32.msk $0xffff, v0  }
0x1ab: {  	v1 =	vld [tilespmem:$0x220];
	_ =	sdelay $0x2  }
0x1ac: {  	v2 =	vld [tilespmem:$0x420];
	_ =	sdelay $0x4  }
0x1ad: {  	[tilespmem:v1+s24+$0x0] =	vst.idx.add.f32.msk $0xffff, v2  }
0x1ae: {  	[tilespmem:v1+s25+$0x0] =	vst.idx.add.f32.msk $0xffff, v0  }
0x1af: {  	v1 =	vld [tilespmem:$0x230];
	_ =	sdelay $0x2  }
0x1b0: {  	v2 =	vld [tilespmem:$0x430];
	_ =	sdelay $0x4  }
0x1b1: {  	[tilespmem:v1+s24+$0x0] =	vst.idx.add.f32.msk $0xffff, v2  }
0x1b2: {  	[tilespmem:v1+s25+$0x0] =	vst.idx.add.f32.msk $0xffff, v0  }
0x1b3: {  	v1 =	vld [tilespmem:$0x240];
	_ =	sdelay $0x2  }
0x1b4: {  	v2 =	vld [tilespmem:$0x440];
	_ =	sdelay $0x4  }
0x1b5: {  	[tilespmem:v1+s24+$0x0] =	vst.idx.add.f32.msk $0xffff, v2  }
0x1b6: {  	[tilespmem:v1+s25+$0x0] =	vst.idx.add.f32.msk $0xffff, v0  }
0x1b7: {  	_ =	swait.ge [sflag:s30], $0x2800  }
0x1b8: {  	[sflag:s30] =	ssyncset.done $0x0  }
0x1b9: {  	[sflag:s30] =	ssyncadd.s32 $0xFFFFD800  }
0x1ba: {  	[spmem:s3] =	stream.indirect.scatter.add.f32 [tilespmem:s22], [sflag:$0x8], $0x80, s0, s19, $0xb8;
	[tilespmem:$0x1E600] =	vst v63  }
0x1bb: {  	_ =	swait.ge [sflag:s26], $0x2800  }
0x1bc: {  	[sflag:s26] =	ssyncset.done $0x0  }
0x1bd: {  	[sflag:s26] =	ssyncadd.s32 $0xFFFFD800  }
0x1be: {  	[spmem:s3] =	stream.indirect.scatter.add.f32 [tilespmem:s20], [sflag:$0x7], $0x80, s5, s19, $0xb8;
	[tilespmem:$0x1E600] =	vst v63  }
0x1bf: {  	_ =	swait.ge [sflag:s9], $0x2800  }
0x1c0: {  	[sflag:s9] =	ssyncset.done $0x0  }
0x1c1: {  	[sflag:s9] =	ssyncadd.s32 $0xFFFFD800  }
0x1c2: {  	_ =	swait.ge [sflag:s29], $0x2800  }
0x1c3: {  	[sflag:s29] =	ssyncset.done $0x0  }
0x1c4: {  	s10 =	simm.s32 $0x9;
	s5 =	rddreg [dreg:$0x16];
	[sflag:s29] =	ssyncadd.s32 $0xFFFFD800  }
0x1c5: {  	[hbm4b:s5+s4] =	stream.linear.scatter [tilespmem:s24], [sflag:$0x9], $0x2800, $0x38;
	[tilespmem:$0x1E600] =	vst v63  }
0x1c6: {  	_ =	swait.ge [sflag:s10], $0x2800  }
0x1c7: {  	s6 =	sld [smem:$0x7FA]  }
0x1c8: {  	[sflag:s10] =	ssyncset.done $0x0  }
0x1c9: {  	[sflag:s10] =	ssyncadd.s32 $0xFFFFD800  }
0x1ca: {  	[hbm4b:s6+s4] =	stream.linear.scatter [tilespmem:s25], [sflag:$0x9], $0x2800, $0x38;
	[tilespmem:$0x1E600] =	vst v63  }
0x1cb: {  	_ =	swait.ge [sflag:s10], $0x2800  }
0x1cc: {  	[sflag:s10] =	ssyncset.done $0x0  }
0x1cd: {  	[sflag:s10] =	ssyncadd.s32 $0xFFFFD800  }
0x1ce: {  	[bflag:$0x0] =	sbarrier.arrive $0xFFFF  }
0x1cf: {  	s7 =	sld [smem:$0x7FB]  }
0x1d0: {  	s8 =	sld [smem:$0x7F5]  }
0x1d1: {  	s14 =	sld [smem:$0x7F6];
	_ =	sdelay $0x2  }
0x1d2: {  	[hbm:s7], [sflag:s8] =	dma.local [spmem:s14], $0x2800  }
0x1d3: {  	_ =	swait.ge [sflag:s10], $0x2800  }
0x1d4: {  	s7 =	sld [smem:$0x7F4]  }
0x1d5: {  	s23 =	sld [smem:$0x7FC];
	_ =	sdelay $0x1  }
0x1d6: {  	s7 =	sadd.s32 $0x1, s7  }
0x1d7: {  	p0 =	sne.s32 s7, s23  }
.Ltmp1:
0x1d8: {  	_ = 	snop;
	(pc) =	sbr.rel @p0 .LBB2_1-.Ltmp1, $3  }
0x1d9: {  	_ =	sdelay $0x1  }
0x1da: {  	s2 =	simm.s32 $0x480;
	s5 =	simm.s32 $0x500;
	[sflag:s10] =	ssyncset.done $0x0  }
0x1db: {  	s6 =	simm.s32 $0x80;
	s8 =	simm.s32 $0x580;
	[sflag:s10] =	ssyncadd.s32 $0xFFFFD800  }
0x1dc: {  	_ =	sfence.sel $0x180000  }
0x1dd: {  	[bflag:$0x0] =	sbarrier.arrive $0xFFFF  }
0x1de: {  	_ =	strace $0x90000047  }
0x1df: {  	s0 =	stileid.u32;
	[bflag:$0x2] =	sbarrier.arrive $0xFFFF  }
0x1e0: {  	p0 =	sne.s32 s0, $0x0;
	s0 =	rddreg [dreg:$0x4]  }
0x1e1: {  	s0 =	sadd.s32 @!p0 $0x100000, s0  }
0x1e2: {  	[sflag:s0] =	ssyncadd.tile.s32 @!p0 $0x1;
	_ =	shalt  }
.Lfunc_end2:
_tile_overlayer_lowered:
.L_overlay_start_2:
0x1e3: {  	(tag) =	ssettag $0x2  }
0x1e4: {  	s0 =	rddreg [dreg:$0x0];
	s2 =	stileid.u32  }
0x1e5: {  	s1 =	rddreg [dreg:$0x1];
	p0 =	sne.s32 s2, $0x0  }
0x1e6: {  	s3 =	rddreg [dreg:$0x2];
	[bflag:$0x3] =	sbarrier.arrive $0xFFFF;
	s2 =	simm.s32 @!p0 $0x1C09  }
0x1e7: {  	[timem:s3], [sflag:s2] =	dma.local @!p0 [hbm:s0], s1  }
0x1e8: {  	s0 =	simm.s32 @!p0 $0x9  }
0x1e9: {  	_ =	swait.ge @!p0 [sflag:s0], s1  }
0x1ea: {  	s1 =	ssub.s32 @!p0 $0x0, s1;
	[sflag:s0] =	ssyncset.done @!p0 $0x0  }
0x1eb: {  	[sflag:s0] =	ssyncadd.s32 @!p0 s1  }
0x1ec: {  	[bflag:$0x3] =	sbarrier.arrive $0xFFFF  }
0x1ed: {  	_ =	shalt  }

</sc_bundles>
